<compile_context>
chip_gen: v7x
topology: tpu7x:2x2x1
jax: 0.10.2.dev20260603
libtpu: 0.0.44.dev20260713+nightly
codegen_flags: <defaults>
</compile_context>

<pallas_src>
import functools

import jax
import jax.numpy as jnp
from jax import lax
from jax.experimental import pallas as pl
from jax.experimental.pallas import tpu as pltpu
from jax.experimental.pallas import tpu_sc as plsc

BATCH = 16384
WIDTH = 64
BINS = 1000000
LANES = 16

_Q = (BINS + 127) // 128
_info = plsc.get_sparse_core_info()
_NC = _info.num_cores
_NW = _info.num_cores * _info.num_subcores
_QPW = (_Q + _NW - 1) // _NW
_BPW = BATCH // _NW
_G = 16
_NBUF = 7

_mesh = plsc.VectorSubcoreMesh(core_axis_name="c", subcore_axis_name="s")
_params = pltpu.CompilerParams(
    use_tc_tiling_on_sc=True,
    needs_layout_passes=False,
    disable_bounds_checks=True,
)


@functools.partial(
    pl.kernel,
    mesh=_mesh,
    compiler_params=_params,
    out_type=jax.ShapeDtypeStruct((BATCH, 128), jnp.float32),
    scratch_types=[
        pltpu.VMEM((BATCH,), jnp.int32),
        pltpu.VMEM((BATCH + LANES,), jnp.int32),
        pltpu.VMEM((BATCH + LANES,), jnp.int32),
        pltpu.VMEM((BATCH + LANES,), jnp.int32),
        pltpu.SMEM((_QPW + 1,), jnp.int32),
        pltpu.SMEM((_QPW + 1,), jnp.int32),
        pltpu.SMEM((_QPW + 1,), jnp.int32),
        pltpu.VMEM((_NBUF, WIDTH, 128), jnp.float32),
        pltpu.VMEM((_G, 128), jnp.float32),
        pltpu.VMEM((_G,), jnp.int32),
        pltpu.SemaphoreType.DMA((_NBUF,)),
        pltpu.SemaphoreType.DMA,
    ],
)
def _extract_kernel(idx_hbm, tableT_hbm, scratch_hbm, idx_v, hq_v, hp_v, sp_v,
                    cnt_s, off_s, db_s, slab_v, rows_v, dst_v, sems, sem2):
    wid = lax.axis_index("s") * _NC + lax.axis_index("c")
    qlo = wid * _QPW

    pltpu.sync_copy(idx_hbm, idx_v)
    lane_iota = lax.iota(jnp.int32, LANES)

    def _sload(ref, k):
        return ref[pl.ds(k, LANES)][0]

    def _splat(val):
        return jax.lax.broadcast(val, (LANES,)).astype(jnp.int32)

    def _sstore(ref, p, val):
        plsc.store_scatter(ref, [_splat(p)], _splat(val), mask=lane_iota == 0)

    def scan_step(t4, nhits):
        qrels = []
        masks = []
        csums = []
        for u in range(4):
            t = t4 * 4 + u
            v = idx_v[pl.ds(t * LANES, LANES)]
            qrel = lax.shift_right_logical(v, 7) - qlo
            m = qrel.astype(jnp.uint32) < jnp.uint32(_QPW)
            qrels.append(qrel)
            masks.append(m)
            csums.append(plsc.cumsum(m.astype(jnp.int32)))
        for u in range(4):
            t = t4 * 4 + u
            v = idx_v[pl.ds(t * LANES, LANES)]
            pos = nhits + csums[u] - 1
            plsc.store_scatter(hq_v, [pos], qrels[u], mask=masks[u])
            packed = (lane_iota + t * LANES) * 128 + (v & 127)
            plsc.store_scatter(hp_v, [pos], packed, mask=masks[u])
            nhits = nhits + csums[u][LANES - 1]
        return nhits

    nhits = lax.fori_loop(0, BATCH // LANES // 4, scan_step, jnp.int32(0))
    plsc.store_scatter(
        hq_v, [nhits + lane_iota], jax.lax.broadcast(jnp.int32(_QPW), (LANES,))
    )

    def zero_step(b, c):
        cnt_s[b] = 0
        return c

    lax.fori_loop(0, _QPW + 1, zero_step, 0)

    nblk = lax.shift_right_logical(nhits + LANES - 1, 4)

    def count_step(t, c):
        qv = hq_v[pl.ds(t * LANES, LANES)]
        for j in range(LANES):
            q = qv[j]
            cnt_s[q] = cnt_s[q] + 1
        return c

    lax.fori_loop(0, nblk, count_step, 0)

    def prefix_step(b, carry):
        acc, nd = carry
        off_s[b] = acc
        c = cnt_s[b]

        @pl.when((c > 0) & (b < _QPW))
        def _d():
            db_s[nd] = b

        return (acc + c, nd + jnp.where((c > 0) & (b < _QPW), 1, 0))

    _, ndq = lax.fori_loop(0, _QPW + 1, prefix_step, (jnp.int32(0), jnp.int32(0)))

    def place_step(t, c):
        qv = hq_v[pl.ds(t * LANES, LANES)]
        pv = hp_v[pl.ds(t * LANES, LANES)]
        for j in range(LANES):
            q = qv[j]
            p = off_s[q]
            off_s[q] = p + 1
            _sstore(sp_v, p, pv[j])
        return c

    lax.fori_loop(0, nblk, place_step, 0)

    def issue(d):
        b = db_s[d]
        sstart = (qlo + b) * 128
        pltpu.async_copy(
            tableT_hbm.at[:, pl.ds(pl.multiple_of(sstart, 128), 128)],
            slab_v.at[lax.rem(d, _NBUF)],
            sems.at[lax.rem(d, _NBUF)],
        )

    def prime_step(d, c):
        @pl.when(d < ndq)
        def _p():
            issue(d)
        return c

    lax.fori_loop(0, _NBUF - 1, prime_step, 0)

    def write_row(r, j, vals):
        rows_v[r, pl.ds(LANES * j, LANES)] = vals

    def flush(nrows, fill_i):
        def pad_step(r, c):
            @pl.when(r >= nrows)
            def _w():
                _sstore(dst_v, r, fill_i)
                for j in range(128 // LANES):
                    vals = plsc.load_gather(
                        rows_v, [_splat(nrows - 1), lane_iota + LANES * j]
                    )
                    write_row(r, j, vals)
            return c

        lax.fori_loop(0, _G, pad_step, 0)
        pltpu.async_copy(rows_v, scratch_hbm.at[dst_v], sem2).wait()

    def dbin_step(d, carry):
        nrows, fill_i = carry
        sel = lax.rem(d, _NBUF)
        b = db_s[d]
        pltpu.make_async_copy(
            tableT_hbm.at[:, pl.ds(pl.multiple_of(0, 128), 128)],
            slab_v.at[sel],
            sems.at[sel],
        ).wait()

        @pl.when(d + _NBUF - 1 < ndq)
        def _n():
            issue(d + _NBUF - 1)

        start = jnp.where(b == 0, 0, off_s[jnp.maximum(b - 1, 0)])
        end = off_s[b]

        def hit_step(k, carry2):
            nrows2, _fi = carry2
            p = _sload(sp_v, k)
            i = lax.shift_right_logical(p, 7)
            l = p & 127
            for j in range(WIDTH // LANES):
                vals = plsc.load_gather(
                    slab_v.at[sel], [lane_iota + LANES * j, _splat(l)]
                )
                write_row(nrows2, j, vals)
            _sstore(dst_v, nrows2, i)

            @pl.when(nrows2 == _G - 1)
            def _f():
                flush(jnp.int32(_G), i)

            return (lax.rem(nrows2 + 1, _G), i)

        return lax.fori_loop(start, end, hit_step, (nrows, fill_i))

    nrows, fill_i = lax.fori_loop(0, ndq, dbin_step, (jnp.int32(0), jnp.int32(0)))

    @pl.when(nrows > 0)
    def _tail():
        flush(nrows, fill_i)


def kernel(y, genre_emb):
    scratch = _extract_kernel(y.astype(jnp.int32), genre_emb.T)
    return scratch[:, :WIDTH][:, None, :]

# --- scband reference (transcript-rebuilt; emitter-appended) ---
"""Pipeline reference for scband-label-conditioner-7215545057779 (READ-ONLY COPY).

The authoritative reference and input builder live on the scoring server;
editing this copy changes nothing except your own understanding.
"""

import jax, jax.numpy as jnp
import numpy as np

GENRE_BINS = 1000000
WIDTH = 64
BATCH = 16384

def setup_inputs(seed: int = 0) -> dict:
    key = jax.random.key(seed)
    k1, k2 = jax.random.split(key)
    y = jax.random.randint(k1, (BATCH,), 0, GENRE_BINS)
    # learned embedding table, keras Embedding default init ~ uniform(-0.05, 0.05)
    genre_emb = jax.random.uniform(k2, (GENRE_BINS, WIDTH), dtype=jnp.float32, minval=-0.05, maxval=0.05)
    return {"y": y, "genre_emb": genre_emb}

def reference(y, genre_emb):
    # out = Embedding(y) -> (N, width)
    out = jnp.take(genre_emb, y, axis=0)
    # out = out[:, tf.newaxis, :] -> (N, 1, width)
    out = out[:, None, :]
    return out

if __name__ == "__main__":
    import jax
    _d = setup_inputs()
    print(jax.jit(kernel)(*tuple(_d.values())))

</pallas_src>

<mosaic_0001>
#map = affine_map<(d0, d1) -> (0)>
#map1 = affine_map<(d0, d1) -> (0, 0)>
module attributes {stable_mosaic.version = 14 : i64} {
  func.func @_extract_kernel(%arg0: i32, %arg1: i32, %arg2: memref<16384xi32, #tpu.memory_space<hbm>>, %arg3: memref<64x1000000xf32, #tpu.memory_space<hbm>>, %arg4: memref<16384x128xf32, #tpu.memory_space<hbm>>, %arg5: memref<16384xi32, #tpu.memory_space<vmem>>, %arg6: memref<16400xi32, #tpu.memory_space<vmem>>, %arg7: memref<16400xi32, #tpu.memory_space<vmem>>, %arg8: memref<16400xi32, #tpu.memory_space<vmem>>, %arg9: memref<246xi32, #tpu.memory_space<smem>>, %arg10: memref<246xi32, #tpu.memory_space<smem>>, %arg11: memref<246xi32, #tpu.memory_space<smem>>, %arg12: memref<7x64x128xf32, #tpu.memory_space<vmem>>, %arg13: memref<16x128xf32, #tpu.memory_space<vmem>>, %arg14: memref<16xi32, #tpu.memory_space<vmem>>, %arg15: memref<7x!tpu.dma_semaphore, #tpu.memory_space<semaphore_mem>>, %arg16: memref<!tpu.dma_semaphore, #tpu.memory_space<semaphore_mem>>) attributes {dimension_semantics = [#tpu.dimension_semantics<core_parallel>, #tpu.dimension_semantics<subcore_parallel>], iteration_bounds = array<i64: 2, 16>, scalar_prefetch = 0 : i64, scratch_operands = 12 : i64, tpu.core_type = #tpu.core_type<sc_vector_subcore>, window_params = [{transform_indices = #map}, {transform_indices = #map1}, {transform_indices = #map1}]} {
    %mul3A = arith.constant 2 : i32
    %mul3A_0 = arith.muli %arg1, %mul3A : i32
    %add3A = arith.addi %mul3A_0, %arg0 : i32
    %mul3A_1 = arith.constant 245 : i32
    %mul3A_2 = arith.muli %add3A, %mul3A_1 : i32
    "tpu.region"() ({
      %run_scoped3A = tpu.sem_alloc : memref<!tpu.dma_semaphore, #tpu.memory_space<semaphore_mem>>
      tpu.enqueue_dma source(%arg2 : memref<16384xi32, #tpu.memory_space<hbm>>) target(%arg5 : memref<16384xi32, #tpu.memory_space<vmem>>) target_semaphore(%run_scoped3A : memref<!tpu.dma_semaphore, #tpu.memory_space<semaphore_mem>>)
      tpu.wait_dma2 semaphore(%run_scoped3A : memref<!tpu.dma_semaphore, #tpu.memory_space<semaphore_mem>>) src(%arg2 : memref<16384xi32, #tpu.memory_space<hbm>>) dst(%arg5 : memref<16384xi32, #tpu.memory_space<vmem>>)
      tpu.yield
    }) : () -> ()
    %iota3A = tpu.iota {dimensions = array<i32: 0>} : vector<16xi32>
    %scan3A = arith.constant 0 : i32
    %scan3A_3 = arith.constant 0 : i32
    %scan3A_4 = arith.constant 256 : i32
    %scan3A_5 = arith.addi %scan3A_3, %scan3A_4 : i32
    %scan3A_6 = arith.constant 1 : i32
    %scan3A_7 = scf.for %scan3A_70 = %scan3A_3 to %scan3A_5 step %scan3A_6 iter_args(%scan3A_71 = %scan3A) -> (i32)  : i32 {
      %mul3A_72 = arith.constant 4 : i32
      %mul3A_73 = arith.muli %scan3A_70, %mul3A_72 : i32
      %add3A_74 = arith.constant 0 : i32
      %add3A_75 = arith.addi %mul3A_73, %add3A_74 : i32
      %mul3A_76 = arith.constant 16 : i32
      %mul3A_77 = arith.muli %add3A_75, %mul3A_76 : i32
      %get3A = arith.index_cast %mul3A_77 : i32 to index
      %get3A_78 = tpu.vector_load %arg5[%get3A] {strides = array<i32>} : memref<16384xi32, #tpu.memory_space<vmem>>, vector<16xi32>,
      %shift_right_logical3A_79 = arith.constant 7 : i32
      %shift_right_logical3A_80 = vector.broadcast %shift_right_logical3A_79 : i32 to vector<16xi32>
      %shift_right_logical3A_81 = arith.shrui %get3A_78, %shift_right_logical3A_80 : vector<16xi32>
      %sub3A_82 = vector.broadcast %mul3A_2 : i32 to vector<16xi32>
      %sub3A_83 = arith.subi %shift_right_logical3A_81, %sub3A_82 : vector<16xi32>
      %lt3A = arith.constant 245 : i32
      %lt3A_84 = vector.broadcast %lt3A : i32 to vector<16xi32>
      %lt3A_85 = arith.cmpi ult, %sub3A_83, %lt3A_84 : vector<16xi32>
      %convert_element_type3A_86 = arith.extui %lt3A_85 : vector<16xi1> to vector<16xi32>
      %broadcast_in_dim3A_87 = arith.constant true
      %broadcast_in_dim3A_88 = vector.broadcast %broadcast_in_dim3A_87 : i1 to vector<16xi1>
      %masked_cumsum3A = tpu.scan <sum>, %convert_element_type3A_86 masked %broadcast_in_dim3A_88 : vector<16xi32>, vector<16xi1> -> vector<16xi32>
      %mul3A_89 = arith.constant 4 : i32
      %mul3A_90 = arith.muli %scan3A_70, %mul3A_89 : i32
      %add3A_91 = arith.constant 1 : i32
      %add3A_92 = arith.addi %mul3A_90, %add3A_91 : i32
      %mul3A_93 = arith.constant 16 : i32
      %mul3A_94 = arith.muli %add3A_92, %mul3A_93 : i32
      %get3A_95 = arith.index_cast %mul3A_94 : i32 to index
      %get3A_96 = tpu.vector_load %arg5[%get3A_95] {strides = array<i32>} : memref<16384xi32, #tpu.memory_space<vmem>>, vector<16xi32>,
      %shift_right_logical3A_97 = arith.constant 7 : i32
      %shift_right_logical3A_98 = vector.broadcast %shift_right_logical3A_97 : i32 to vector<16xi32>
      %shift_right_logical3A_99 = arith.shrui %get3A_96, %shift_right_logical3A_98 : vector<16xi32>
      %sub3A_100 = vector.broadcast %mul3A_2 : i32 to vector<16xi32>
      %sub3A_101 = arith.subi %shift_right_logical3A_99, %sub3A_100 : vector<16xi32>
      %lt3A_102 = arith.constant 245 : i32
      %lt3A_103 = vector.broadcast %lt3A_102 : i32 to vector<16xi32>
      %lt3A_104 = arith.cmpi ult, %sub3A_101, %lt3A_103 : vector<16xi32>
      %convert_element_type3A_105 = arith.extui %lt3A_104 : vector<16xi1> to vector<16xi32>
      %broadcast_in_dim3A_106 = arith.constant true
      %broadcast_in_dim3A_107 = vector.broadcast %broadcast_in_dim3A_106 : i1 to vector<16xi1>
      %masked_cumsum3A_108 = tpu.scan <sum>, %convert_element_type3A_105 masked %broadcast_in_dim3A_107 : vector<16xi32>, vector<16xi1> -> vector<16xi32>
      %mul3A_109 = arith.constant 4 : i32
      %mul3A_110 = arith.muli %scan3A_70, %mul3A_109 : i32
      %add3A_111 = arith.constant 2 : i32
      %add3A_112 = arith.addi %mul3A_110, %add3A_111 : i32
      %mul3A_113 = arith.constant 16 : i32
      %mul3A_114 = arith.muli %add3A_112, %mul3A_113 : i32
      %get3A_115 = arith.index_cast %mul3A_114 : i32 to index
      %get3A_116 = tpu.vector_load %arg5[%get3A_115] {strides = array<i32>} : memref<16384xi32, #tpu.memory_space<vmem>>, vector<16xi32>,
      %shift_right_logical3A_117 = arith.constant 7 : i32
      %shift_right_logical3A_118 = vector.broadcast %shift_right_logical3A_117 : i32 to vector<16xi32>
      %shift_right_logical3A_119 = arith.shrui %get3A_116, %shift_right_logical3A_118 : vector<16xi32>
      %sub3A_120 = vector.broadcast %mul3A_2 : i32 to vector<16xi32>
      %sub3A_121 = arith.subi %shift_right_logical3A_119, %sub3A_120 : vector<16xi32>
      %lt3A_122 = arith.constant 245 : i32
      %lt3A_123 = vector.broadcast %lt3A_122 : i32 to vector<16xi32>
      %lt3A_124 = arith.cmpi ult, %sub3A_121, %lt3A_123 : vector<16xi32>
      %convert_element_type3A_125 = arith.extui %lt3A_124 : vector<16xi1> to vector<16xi32>
      %broadcast_in_dim3A_126 = arith.constant true
      %broadcast_in_dim3A_127 = vector.broadcast %broadcast_in_dim3A_126 : i1 to vector<16xi1>
      %masked_cumsum3A_128 = tpu.scan <sum>, %convert_element_type3A_125 masked %broadcast_in_dim3A_127 : vector<16xi32>, vector<16xi1> -> vector<16xi32>
      %mul3A_129 = arith.constant 4 : i32
      %mul3A_130 = arith.muli %scan3A_70, %mul3A_129 : i32
      %add3A_131 = arith.constant 3 : i32
      %add3A_132 = arith.addi %mul3A_130, %add3A_131 : i32
      %mul3A_133 = arith.constant 16 : i32
      %mul3A_134 = arith.muli %add3A_132, %mul3A_133 : i32
      %get3A_135 = arith.index_cast %mul3A_134 : i32 to index
      %get3A_136 = tpu.vector_load %arg5[%get3A_135] {strides = array<i32>} : memref<16384xi32, #tpu.memory_space<vmem>>, vector<16xi32>,
      %shift_right_logical3A_137 = arith.constant 7 : i32
      %shift_right_logical3A_138 = vector.broadcast %shift_right_logical3A_137 : i32 to vector<16xi32>
      %shift_right_logical3A_139 = arith.shrui %get3A_136, %shift_right_logical3A_138 : vector<16xi32>
      %sub3A_140 = vector.broadcast %mul3A_2 : i32 to vector<16xi32>
      %sub3A_141 = arith.subi %shift_right_logical3A_139, %sub3A_140 : vector<16xi32>
      %lt3A_142 = arith.constant 245 : i32
      %lt3A_143 = vector.broadcast %lt3A_142 : i32 to vector<16xi32>
      %lt3A_144 = arith.cmpi ult, %sub3A_141, %lt3A_143 : vector<16xi32>
      %convert_element_type3A_145 = arith.extui %lt3A_144 : vector<16xi1> to vector<16xi32>
      %broadcast_in_dim3A_146 = arith.constant true
      %broadcast_in_dim3A_147 = vector.broadcast %broadcast_in_dim3A_146 : i1 to vector<16xi1>
      %masked_cumsum3A_148 = tpu.scan <sum>, %convert_element_type3A_145 masked %broadcast_in_dim3A_147 : vector<16xi32>, vector<16xi1> -> vector<16xi32>
      %mul3A_149 = arith.constant 4 : i32
      %mul3A_150 = arith.muli %scan3A_70, %mul3A_149 : i32
      %add3A_151 = arith.constant 0 : i32
      %add3A_152 = arith.addi %mul3A_150, %add3A_151 : i32
      %mul3A_153 = arith.constant 16 : i32
      %mul3A_154 = arith.muli %add3A_152, %mul3A_153 : i32
      %get3A_155 = arith.index_cast %mul3A_154 : i32 to index
      %get3A_156 = tpu.vector_load %arg5[%get3A_155] {strides = array<i32>} : memref<16384xi32, #tpu.memory_space<vmem>>, vector<16xi32>,
      %add3A_157 = vector.broadcast %scan3A_71 : i32 to vector<16xi32>
      %add3A_158 = arith.addi %add3A_157, %masked_cumsum3A : vector<16xi32>
      %sub3A_159 = arith.constant 1 : i32
      %sub3A_160 = vector.broadcast %sub3A_159 : i32 to vector<16xi32>
      %sub3A_161 = arith.subi %add3A_158, %sub3A_160 : vector<16xi32>
      tpu.vector_store_idx %arg6[%sub3A_161], %sub3A_83 masked %lt3A_85 : memref<16400xi32, #tpu.memory_space<vmem>>[vector<16xi32>], vector<16xi32>, vector<16xi1>
      %mul3A_162 = arith.constant 16 : i32
      %mul3A_163 = arith.muli %add3A_152, %mul3A_162 : i32
      %add3A_164 = vector.broadcast %mul3A_163 : i32 to vector<16xi32>
      %add3A_165 = arith.addi %iota3A, %add3A_164 : vector<16xi32>
      %mul3A_166 = arith.constant 128 : i32
      %mul3A_167 = vector.broadcast %mul3A_166 : i32 to vector<16xi32>
      %mul3A_168 = arith.muli %add3A_165, %mul3A_167 : vector<16xi32>
      %and3A = arith.constant 127 : i32
      %and3A_169 = vector.broadcast %and3A : i32 to vector<16xi32>
      %and3A_170 = arith.andi %get3A_156, %and3A_169 : vector<16xi32>
      %add3A_171 = arith.addi %mul3A_168, %and3A_170 : vector<16xi32>
      tpu.vector_store_idx %arg7[%sub3A_161], %add3A_171 masked %lt3A_85 : memref<16400xi32, #tpu.memory_space<vmem>>[vector<16xi32>], vector<16xi32>, vector<16xi1>
      %slice3A = vector.extract_strided_slice %masked_cumsum3A {offsets = [15], sizes = [1], strides = [1]} : vector<16xi32> to vector<1xi32>
      %squeeze3A = vector.extract %slice3A[0] : i32 from vector<1xi32>
      %add3A_172 = arith.addi %scan3A_71, %squeeze3A : i32
      %mul3A_173 = arith.constant 4 : i32
      %mul3A_174 = arith.muli %scan3A_70, %mul3A_173 : i32
      %add3A_175 = arith.constant 1 : i32
      %add3A_176 = arith.addi %mul3A_174, %add3A_175 : i32
      %mul3A_177 = arith.constant 16 : i32
      %mul3A_178 = arith.muli %add3A_176, %mul3A_177 : i32
      %get3A_179 = arith.index_cast %mul3A_178 : i32 to index
      %get3A_180 = tpu.vector_load %arg5[%get3A_179] {strides = array<i32>} : memref<16384xi32, #tpu.memory_space<vmem>>, vector<16xi32>,
      %add3A_181 = vector.broadcast %add3A_172 : i32 to vector<16xi32>
      %add3A_182 = arith.addi %add3A_181, %masked_cumsum3A_108 : vector<16xi32>
      %sub3A_183 = arith.constant 1 : i32
      %sub3A_184 = vector.broadcast %sub3A_183 : i32 to vector<16xi32>
      %sub3A_185 = arith.subi %add3A_182, %sub3A_184 : vector<16xi32>
      tpu.vector_store_idx %arg6[%sub3A_185], %sub3A_101 masked %lt3A_104 : memref<16400xi32, #tpu.memory_space<vmem>>[vector<16xi32>], vector<16xi32>, vector<16xi1>
      %mul3A_186 = arith.constant 16 : i32
      %mul3A_187 = arith.muli %add3A_176, %mul3A_186 : i32
      %add3A_188 = vector.broadcast %mul3A_187 : i32 to vector<16xi32>
      %add3A_189 = arith.addi %iota3A, %add3A_188 : vector<16xi32>
      %mul3A_190 = arith.constant 128 : i32
      %mul3A_191 = vector.broadcast %mul3A_190 : i32 to vector<16xi32>
      %mul3A_192 = arith.muli %add3A_189, %mul3A_191 : vector<16xi32>
      %and3A_193 = arith.constant 127 : i32
      %and3A_194 = vector.broadcast %and3A_193 : i32 to vector<16xi32>
      %and3A_195 = arith.andi %get3A_180, %and3A_194 : vector<16xi32>
      %add3A_196 = arith.addi %mul3A_192, %and3A_195 : vector<16xi32>
      tpu.vector_store_idx %arg7[%sub3A_185], %add3A_196 masked %lt3A_104 : memref<16400xi32, #tpu.memory_space<vmem>>[vector<16xi32>], vector<16xi32>, vector<16xi1>
      %slice3A_197 = vector.extract_strided_slice %masked_cumsum3A_108 {offsets = [15], sizes = [1], strides = [1]} : vector<16xi32> to vector<1xi32>
      %squeeze3A_198 = vector.extract %slice3A_197[0] : i32 from vector<1xi32>
      %add3A_199 = arith.addi %add3A_172, %squeeze3A_198 : i32
      %mul3A_200 = arith.constant 4 : i32
      %mul3A_201 = arith.muli %scan3A_70, %mul3A_200 : i32
      %add3A_202 = arith.constant 2 : i32
      %add3A_203 = arith.addi %mul3A_201, %add3A_202 : i32
      %mul3A_204 = arith.constant 16 : i32
      %mul3A_205 = arith.muli %add3A_203, %mul3A_204 : i32
      %get3A_206 = arith.index_cast %mul3A_205 : i32 to index
      %get3A_207 = tpu.vector_load %arg5[%get3A_206] {strides = array<i32>} : memref<16384xi32, #tpu.memory_space<vmem>>, vector<16xi32>,
      %add3A_208 = vector.broadcast %add3A_199 : i32 to vector<16xi32>
      %add3A_209 = arith.addi %add3A_208, %masked_cumsum3A_128 : vector<16xi32>
      %sub3A_210 = arith.constant 1 : i32
      %sub3A_211 = vector.broadcast %sub3A_210 : i32 to vector<16xi32>
      %sub3A_212 = arith.subi %add3A_209, %sub3A_211 : vector<16xi32>
      tpu.vector_store_idx %arg6[%sub3A_212], %sub3A_121 masked %lt3A_124 : memref<16400xi32, #tpu.memory_space<vmem>>[vector<16xi32>], vector<16xi32>, vector<16xi1>
      %mul3A_213 = arith.constant 16 : i32
      %mul3A_214 = arith.muli %add3A_203, %mul3A_213 : i32
      %add3A_215 = vector.broadcast %mul3A_214 : i32 to vector<16xi32>
      %add3A_216 = arith.addi %iota3A, %add3A_215 : vector<16xi32>
      %mul3A_217 = arith.constant 128 : i32
      %mul3A_218 = vector.broadcast %mul3A_217 : i32 to vector<16xi32>
      %mul3A_219 = arith.muli %add3A_216, %mul3A_218 : vector<16xi32>
      %and3A_220 = arith.constant 127 : i32
      %and3A_221 = vector.broadcast %and3A_220 : i32 to vector<16xi32>
      %and3A_222 = arith.andi %get3A_207, %and3A_221 : vector<16xi32>
      %add3A_223 = arith.addi %mul3A_219, %and3A_222 : vector<16xi32>
      tpu.vector_store_idx %arg7[%sub3A_212], %add3A_223 masked %lt3A_124 : memref<16400xi32, #tpu.memory_space<vmem>>[vector<16xi32>], vector<16xi32>, vector<16xi1>
      %slice3A_224 = vector.extract_strided_slice %masked_cumsum3A_128 {offsets = [15], sizes = [1], strides = [1]} : vector<16xi32> to vector<1xi32>
      %squeeze3A_225 = vector.extract %slice3A_224[0] : i32 from vector<1xi32>
      %add3A_226 = arith.addi %add3A_199, %squeeze3A_225 : i32
      %mul3A_227 = arith.constant 4 : i32
      %mul3A_228 = arith.muli %scan3A_70, %mul3A_227 : i32
      %add3A_229 = arith.constant 3 : i32
      %add3A_230 = arith.addi %mul3A_228, %add3A_229 : i32
      %mul3A_231 = arith.constant 16 : i32
      %mul3A_232 = arith.muli %add3A_230, %mul3A_231 : i32
      %get3A_233 = arith.index_cast %mul3A_232 : i32 to index
      %get3A_234 = tpu.vector_load %arg5[%get3A_233] {strides = array<i32>} : memref<16384xi32, #tpu.memory_space<vmem>>, vector<16xi32>,
      %add3A_235 = vector.broadcast %add3A_226 : i32 to vector<16xi32>
      %add3A_236 = arith.addi %add3A_235, %masked_cumsum3A_148 : vector<16xi32>
      %sub3A_237 = arith.constant 1 : i32
      %sub3A_238 = vector.broadcast %sub3A_237 : i32 to vector<16xi32>
      %sub3A_239 = arith.subi %add3A_236, %sub3A_238 : vector<16xi32>
      tpu.vector_store_idx %arg6[%sub3A_239], %sub3A_141 masked %lt3A_144 : memref<16400xi32, #tpu.memory_space<vmem>>[vector<16xi32>], vector<16xi32>, vector<16xi1>
      %mul3A_240 = arith.constant 16 : i32
      %mul3A_241 = arith.muli %add3A_230, %mul3A_240 : i32
      %add3A_242 = vector.broadcast %mul3A_241 : i32 to vector<16xi32>
      %add3A_243 = arith.addi %iota3A, %add3A_242 : vector<16xi32>
      %mul3A_244 = arith.constant 128 : i32
      %mul3A_245 = vector.broadcast %mul3A_244 : i32 to vector<16xi32>
      %mul3A_246 = arith.muli %add3A_243, %mul3A_245 : vector<16xi32>
      %and3A_247 = arith.constant 127 : i32
      %and3A_248 = vector.broadcast %and3A_247 : i32 to vector<16xi32>
      %and3A_249 = arith.andi %get3A_234, %and3A_248 : vector<16xi32>
      %add3A_250 = arith.addi %mul3A_246, %and3A_249 : vector<16xi32>
      tpu.vector_store_idx %arg7[%sub3A_239], %add3A_250 masked %lt3A_144 : memref<16400xi32, #tpu.memory_space<vmem>>[vector<16xi32>], vector<16xi32>, vector<16xi1>
      %slice3A_251 = vector.extract_strided_slice %masked_cumsum3A_148 {offsets = [15], sizes = [1], strides = [1]} : vector<16xi32> to vector<1xi32>
      %squeeze3A_252 = vector.extract %slice3A_251[0] : i32 from vector<1xi32>
      %add3A_253 = arith.addi %add3A_226, %squeeze3A_252 : i32
      scf.yield %add3A_253 : i32
    }
    %scan3A_8 = arith.constant 256 : i32
    %add3A_9 = vector.broadcast %scan3A_7 : i32 to vector<16xi32>
    %add3A_10 = arith.addi %add3A_9, %iota3A : vector<16xi32>
    %broadcast_in_dim3A = arith.constant 245 : i32
    %broadcast_in_dim3A_11 = vector.broadcast %broadcast_in_dim3A : i32 to vector<16xi32>
    tpu.vector_store_idx %arg6[%add3A_10], %broadcast_in_dim3A_11 : memref<16400xi32, #tpu.memory_space<vmem>>[vector<16xi32>], vector<16xi32>,
    %scan3A_12 = arith.constant 0 : i32
    %scan3A_13 = arith.constant 0 : i32
    %scan3A_14 = arith.constant 246 : i32
    %scan3A_15 = arith.addi %scan3A_13, %scan3A_14 : i32
    %scan3A_16 = arith.constant 1 : i32
    scf.for %scan3A_70 = %scan3A_13 to %scan3A_15 step %scan3A_16  : i32 {
      %swap3A = arith.constant 0 : i32
      %swap3A_71 = arith.index_cast %scan3A_70 : i32 to index
      %swap3A_72 = memref.load %arg9[%swap3A_71] : memref<246xi32, #tpu.memory_space<smem>>
      memref.store %swap3A, %arg9[%swap3A_71] : memref<246xi32, #tpu.memory_space<smem>>
    }
    %scan3A_17 = arith.constant 246 : i32
    %add3A_18 = arith.constant 16 : i32
    %add3A_19 = arith.addi %scan3A_7, %add3A_18 : i32
    %sub3A = arith.constant 1 : i32
    %sub3A_20 = arith.subi %add3A_19, %sub3A : i32
    %shift_right_logical3A = arith.constant 4 : i32
    %shift_right_logical3A_21 = arith.shrui %sub3A_20, %shift_right_logical3A : i32
    %while3A = arith.constant 0 : i32
    %while3A_22 = arith.constant 0 : i32
    %while3A_23 = arith.subi %shift_right_logical3A_21, %while3A_22 : i32
    %while3A_24 = arith.addi %while3A_22, %while3A_23 : i32
    %while3A_25 = arith.constant 1 : i32
    %while3A_26 = arith.divsi %while3A_23, %while3A_25 : i32
    %while3A_27 = arith.muli %while3A_26, %while3A_25 : i32
    %while3A_28 = arith.addi %while3A_22, %while3A_27 : i32
    %while3A_29 = arith.constant 1 : i32
    scf.for %while3A_70 = %while3A_22 to %while3A_28 step %while3A_29  : i32 {
      %mul3A_71 = arith.constant 16 : i32
      %mul3A_72 = arith.muli %while3A_70, %mul3A_71 : i32
      %get3A = arith.index_cast %mul3A_72 : i32 to index
      %get3A_73 = tpu.vector_load %arg6[%get3A] {strides = array<i32>} : memref<16400xi32, #tpu.memory_space<vmem>>, vector<16xi32>,
      %slice3A = vector.extract_strided_slice %get3A_73 {offsets = [0], sizes = [1], strides = [1]} : vector<16xi32> to vector<1xi32>
      %squeeze3A = vector.extract %slice3A[0] : i32 from vector<1xi32>
      %get3A_74 = arith.index_cast %squeeze3A : i32 to index
      %get3A_75 = memref.load %arg9[%get3A_74] : memref<246xi32, #tpu.memory_space<smem>>
      %add3A_76 = arith.constant 1 : i32
      %add3A_77 = arith.addi %get3A_75, %add3A_76 : i32
      %swap3A = arith.index_cast %squeeze3A : i32 to index
      %swap3A_78 = memref.load %arg9[%swap3A] : memref<246xi32, #tpu.memory_space<smem>>
      memref.store %add3A_77, %arg9[%swap3A] : memref<246xi32, #tpu.memory_space<smem>>
      %slice3A_79 = vector.extract_strided_slice %get3A_73 {offsets = [1], sizes = [1], strides = [1]} : vector<16xi32> to vector<1xi32>
      %squeeze3A_80 = vector.extract %slice3A_79[0] : i32 from vector<1xi32>
      %get3A_81 = arith.index_cast %squeeze3A_80 : i32 to index
      %get3A_82 = memref.load %arg9[%get3A_81] : memref<246xi32, #tpu.memory_space<smem>>
      %add3A_83 = arith.constant 1 : i32
      %add3A_84 = arith.addi %get3A_82, %add3A_83 : i32
      %swap3A_85 = arith.index_cast %squeeze3A_80 : i32 to index
      %swap3A_86 = memref.load %arg9[%swap3A_85] : memref<246xi32, #tpu.memory_space<smem>>
      memref.store %add3A_84, %arg9[%swap3A_85] : memref<246xi32, #tpu.memory_space<smem>>
      %slice3A_87 = vector.extract_strided_slice %get3A_73 {offsets = [2], sizes = [1], strides = [1]} : vector<16xi32> to vector<1xi32>
      %squeeze3A_88 = vector.extract %slice3A_87[0] : i32 from vector<1xi32>
      %get3A_89 = arith.index_cast %squeeze3A_88 : i32 to index
      %get3A_90 = memref.load %arg9[%get3A_89] : memref<246xi32, #tpu.memory_space<smem>>
      %add3A_91 = arith.constant 1 : i32
      %add3A_92 = arith.addi %get3A_90, %add3A_91 : i32
      %swap3A_93 = arith.index_cast %squeeze3A_88 : i32 to index
      %swap3A_94 = memref.load %arg9[%swap3A_93] : memref<246xi32, #tpu.memory_space<smem>>
      memref.store %add3A_92, %arg9[%swap3A_93] : memref<246xi32, #tpu.memory_space<smem>>
      %slice3A_95 = vector.extract_strided_slice %get3A_73 {offsets = [3], sizes = [1], strides = [1]} : vector<16xi32> to vector<1xi32>
      %squeeze3A_96 = vector.extract %slice3A_95[0] : i32 from vector<1xi32>
      %get3A_97 = arith.index_cast %squeeze3A_96 : i32 to index
      %get3A_98 = memref.load %arg9[%get3A_97] : memref<246xi32, #tpu.memory_space<smem>>
      %add3A_99 = arith.constant 1 : i32
      %add3A_100 = arith.addi %get3A_98, %add3A_99 : i32
      %swap3A_101 = arith.index_cast %squeeze3A_96 : i32 to index
      %swap3A_102 = memref.load %arg9[%swap3A_101] : memref<246xi32, #tpu.memory_space<smem>>
      memref.store %add3A_100, %arg9[%swap3A_101] : memref<246xi32, #tpu.memory_space<smem>>
      %slice3A_103 = vector.extract_strided_slice %get3A_73 {offsets = [4], sizes = [1], strides = [1]} : vector<16xi32> to vector<1xi32>
      %squeeze3A_104 = vector.extract %slice3A_103[0] : i32 from vector<1xi32>
      %get3A_105 = arith.index_cast %squeeze3A_104 : i32 to index
      %get3A_106 = memref.load %arg9[%get3A_105] : memref<246xi32, #tpu.memory_space<smem>>
      %add3A_107 = arith.constant 1 : i32
      %add3A_108 = arith.addi %get3A_106, %add3A_107 : i32
      %swap3A_109 = arith.index_cast %squeeze3A_104 : i32 to index
      %swap3A_110 = memref.load %arg9[%swap3A_109] : memref<246xi32, #tpu.memory_space<smem>>
      memref.store %add3A_108, %arg9[%swap3A_109] : memref<246xi32, #tpu.memory_space<smem>>
      %slice3A_111 = vector.extract_strided_slice %get3A_73 {offsets = [5], sizes = [1], strides = [1]} : vector<16xi32> to vector<1xi32>
      %squeeze3A_112 = vector.extract %slice3A_111[0] : i32 from vector<1xi32>
      %get3A_113 = arith.index_cast %squeeze3A_112 : i32 to index
      %get3A_114 = memref.load %arg9[%get3A_113] : memref<246xi32, #tpu.memory_space<smem>>
      %add3A_115 = arith.constant 1 : i32
      %add3A_116 = arith.addi %get3A_114, %add3A_115 : i32
      %swap3A_117 = arith.index_cast %squeeze3A_112 : i32 to index
      %swap3A_118 = memref.load %arg9[%swap3A_117] : memref<246xi32, #tpu.memory_space<smem>>
      memref.store %add3A_116, %arg9[%swap3A_117] : memref<246xi32, #tpu.memory_space<smem>>
      %slice3A_119 = vector.extract_strided_slice %get3A_73 {offsets = [6], sizes = [1], strides = [1]} : vector<16xi32> to vector<1xi32>
      %squeeze3A_120 = vector.extract %slice3A_119[0] : i32 from vector<1xi32>
      %get3A_121 = arith.index_cast %squeeze3A_120 : i32 to index
      %get3A_122 = memref.load %arg9[%get3A_121] : memref<246xi32, #tpu.memory_space<smem>>
      %add3A_123 = arith.constant 1 : i32
      %add3A_124 = arith.addi %get3A_122, %add3A_123 : i32
      %swap3A_125 = arith.index_cast %squeeze3A_120 : i32 to index
      %swap3A_126 = memref.load %arg9[%swap3A_125] : memref<246xi32, #tpu.memory_space<smem>>
      memref.store %add3A_124, %arg9[%swap3A_125] : memref<246xi32, #tpu.memory_space<smem>>
      %slice3A_127 = vector.extract_strided_slice %get3A_73 {offsets = [7], sizes = [1], strides = [1]} : vector<16xi32> to vector<1xi32>
      %squeeze3A_128 = vector.extract %slice3A_127[0] : i32 from vector<1xi32>
      %get3A_129 = arith.index_cast %squeeze3A_128 : i32 to index
      %get3A_130 = memref.load %arg9[%get3A_129] : memref<246xi32, #tpu.memory_space<smem>>
      %add3A_131 = arith.constant 1 : i32
      %add3A_132 = arith.addi %get3A_130, %add3A_131 : i32
      %swap3A_133 = arith.index_cast %squeeze3A_128 : i32 to index
      %swap3A_134 = memref.load %arg9[%swap3A_133] : memref<246xi32, #tpu.memory_space<smem>>
      memref.store %add3A_132, %arg9[%swap3A_133] : memref<246xi32, #tpu.memory_space<smem>>
      %slice3A_135 = vector.extract_strided_slice %get3A_73 {offsets = [8], sizes = [1], strides = [1]} : vector<16xi32> to vector<1xi32>
      %squeeze3A_136 = vector.extract %slice3A_135[0] : i32 from vector<1xi32>
      %get3A_137 = arith.index_cast %squeeze3A_136 : i32 to index
      %get3A_138 = memref.load %arg9[%get3A_137] : memref<246xi32, #tpu.memory_space<smem>>
      %add3A_139 = arith.constant 1 : i32
      %add3A_140 = arith.addi %get3A_138, %add3A_139 : i32
      %swap3A_141 = arith.index_cast %squeeze3A_136 : i32 to index
      %swap3A_142 = memref.load %arg9[%swap3A_141] : memref<246xi32, #tpu.memory_space<smem>>
      memref.store %add3A_140, %arg9[%swap3A_141] : memref<246xi32, #tpu.memory_space<smem>>
      %slice3A_143 = vector.extract_strided_slice %get3A_73 {offsets = [9], sizes = [1], strides = [1]} : vector<16xi32> to vector<1xi32>
      %squeeze3A_144 = vector.extract %slice3A_143[0] : i32 from vector<1xi32>
      %get3A_145 = arith.index_cast %squeeze3A_144 : i32 to index
      %get3A_146 = memref.load %arg9[%get3A_145] : memref<246xi32, #tpu.memory_space<smem>>
      %add3A_147 = arith.constant 1 : i32
      %add3A_148 = arith.addi %get3A_146, %add3A_147 : i32
      %swap3A_149 = arith.index_cast %squeeze3A_144 : i32 to index
      %swap3A_150 = memref.load %arg9[%swap3A_149] : memref<246xi32, #tpu.memory_space<smem>>
      memref.store %add3A_148, %arg9[%swap3A_149] : memref<246xi32, #tpu.memory_space<smem>>
      %slice3A_151 = vector.extract_strided_slice %get3A_73 {offsets = [10], sizes = [1], strides = [1]} : vector<16xi32> to vector<1xi32>
      %squeeze3A_152 = vector.extract %slice3A_151[0] : i32 from vector<1xi32>
      %get3A_153 = arith.index_cast %squeeze3A_152 : i32 to index
      %get3A_154 = memref.load %arg9[%get3A_153] : memref<246xi32, #tpu.memory_space<smem>>
      %add3A_155 = arith.constant 1 : i32
      %add3A_156 = arith.addi %get3A_154, %add3A_155 : i32
      %swap3A_157 = arith.index_cast %squeeze3A_152 : i32 to index
      %swap3A_158 = memref.load %arg9[%swap3A_157] : memref<246xi32, #tpu.memory_space<smem>>
      memref.store %add3A_156, %arg9[%swap3A_157] : memref<246xi32, #tpu.memory_space<smem>>
      %slice3A_159 = vector.extract_strided_slice %get3A_73 {offsets = [11], sizes = [1], strides = [1]} : vector<16xi32> to vector<1xi32>
      %squeeze3A_160 = vector.extract %slice3A_159[0] : i32 from vector<1xi32>
      %get3A_161 = arith.index_cast %squeeze3A_160 : i32 to index
      %get3A_162 = memref.load %arg9[%get3A_161] : memref<246xi32, #tpu.memory_space<smem>>
      %add3A_163 = arith.constant 1 : i32
      %add3A_164 = arith.addi %get3A_162, %add3A_163 : i32
      %swap3A_165 = arith.index_cast %squeeze3A_160 : i32 to index
      %swap3A_166 = memref.load %arg9[%swap3A_165] : memref<246xi32, #tpu.memory_space<smem>>
      memref.store %add3A_164, %arg9[%swap3A_165] : memref<246xi32, #tpu.memory_space<smem>>
      %slice3A_167 = vector.extract_strided_slice %get3A_73 {offsets = [12], sizes = [1], strides = [1]} : vector<16xi32> to vector<1xi32>
      %squeeze3A_168 = vector.extract %slice3A_167[0] : i32 from vector<1xi32>
      %get3A_169 = arith.index_cast %squeeze3A_168 : i32 to index
      %get3A_170 = memref.load %arg9[%get3A_169] : memref<246xi32, #tpu.memory_space<smem>>
      %add3A_171 = arith.constant 1 : i32
      %add3A_172 = arith.addi %get3A_170, %add3A_171 : i32
      %swap3A_173 = arith.index_cast %squeeze3A_168 : i32 to index
      %swap3A_174 = memref.load %arg9[%swap3A_173] : memref<246xi32, #tpu.memory_space<smem>>
      memref.store %add3A_172, %arg9[%swap3A_173] : memref<246xi32, #tpu.memory_space<smem>>
      %slice3A_175 = vector.extract_strided_slice %get3A_73 {offsets = [13], sizes = [1], strides = [1]} : vector<16xi32> to vector<1xi32>
      %squeeze3A_176 = vector.extract %slice3A_175[0] : i32 from vector<1xi32>
      %get3A_177 = arith.index_cast %squeeze3A_176 : i32 to index
      %get3A_178 = memref.load %arg9[%get3A_177] : memref<246xi32, #tpu.memory_space<smem>>
      %add3A_179 = arith.constant 1 : i32
      %add3A_180 = arith.addi %get3A_178, %add3A_179 : i32
      %swap3A_181 = arith.index_cast %squeeze3A_176 : i32 to index
      %swap3A_182 = memref.load %arg9[%swap3A_181] : memref<246xi32, #tpu.memory_space<smem>>
      memref.store %add3A_180, %arg9[%swap3A_181] : memref<246xi32, #tpu.memory_space<smem>>
      %slice3A_183 = vector.extract_strided_slice %get3A_73 {offsets = [14], sizes = [1], strides = [1]} : vector<16xi32> to vector<1xi32>
      %squeeze3A_184 = vector.extract %slice3A_183[0] : i32 from vector<1xi32>
      %get3A_185 = arith.index_cast %squeeze3A_184 : i32 to index
      %get3A_186 = memref.load %arg9[%get3A_185] : memref<246xi32, #tpu.memory_space<smem>>
      %add3A_187 = arith.constant 1 : i32
      %add3A_188 = arith.addi %get3A_186, %add3A_187 : i32
      %swap3A_189 = arith.index_cast %squeeze3A_184 : i32 to index
      %swap3A_190 = memref.load %arg9[%swap3A_189] : memref<246xi32, #tpu.memory_space<smem>>
      memref.store %add3A_188, %arg9[%swap3A_189] : memref<246xi32, #tpu.memory_space<smem>>
      %slice3A_191 = vector.extract_strided_slice %get3A_73 {offsets = [15], sizes = [1], strides = [1]} : vector<16xi32> to vector<1xi32>
      %squeeze3A_192 = vector.extract %slice3A_191[0] : i32 from vector<1xi32>
      %get3A_193 = arith.index_cast %squeeze3A_192 : i32 to index
      %get3A_194 = memref.load %arg9[%get3A_193] : memref<246xi32, #tpu.memory_space<smem>>
      %add3A_195 = arith.constant 1 : i32
      %add3A_196 = arith.addi %get3A_194, %add3A_195 : i32
      %swap3A_197 = arith.index_cast %squeeze3A_192 : i32 to index
      %swap3A_198 = memref.load %arg9[%swap3A_197] : memref<246xi32, #tpu.memory_space<smem>>
      memref.store %add3A_196, %arg9[%swap3A_197] : memref<246xi32, #tpu.memory_space<smem>>
    }
    %while3A_30 = arith.constant 1 : i32
    scf.for %while3A_70 = %while3A_28 to %while3A_24 step %while3A_30  : i32 {
      %mul3A_71 = arith.constant 16 : i32
      %mul3A_72 = arith.muli %while3A_70, %mul3A_71 : i32
      %get3A = arith.index_cast %mul3A_72 : i32 to index
      %get3A_73 = tpu.vector_load %arg6[%get3A] {strides = array<i32>} : memref<16400xi32, #tpu.memory_space<vmem>>, vector<16xi32>,
      %slice3A = vector.extract_strided_slice %get3A_73 {offsets = [0], sizes = [1], strides = [1]} : vector<16xi32> to vector<1xi32>
      %squeeze3A = vector.extract %slice3A[0] : i32 from vector<1xi32>
      %get3A_74 = arith.index_cast %squeeze3A : i32 to index
      %get3A_75 = memref.load %arg9[%get3A_74] : memref<246xi32, #tpu.memory_space<smem>>
      %add3A_76 = arith.constant 1 : i32
      %add3A_77 = arith.addi %get3A_75, %add3A_76 : i32
      %swap3A = arith.index_cast %squeeze3A : i32 to index
      %swap3A_78 = memref.load %arg9[%swap3A] : memref<246xi32, #tpu.memory_space<smem>>
      memref.store %add3A_77, %arg9[%swap3A] : memref<246xi32, #tpu.memory_space<smem>>
      %slice3A_79 = vector.extract_strided_slice %get3A_73 {offsets = [1], sizes = [1], strides = [1]} : vector<16xi32> to vector<1xi32>
      %squeeze3A_80 = vector.extract %slice3A_79[0] : i32 from vector<1xi32>
      %get3A_81 = arith.index_cast %squeeze3A_80 : i32 to index
      %get3A_82 = memref.load %arg9[%get3A_81] : memref<246xi32, #tpu.memory_space<smem>>
      %add3A_83 = arith.constant 1 : i32
      %add3A_84 = arith.addi %get3A_82, %add3A_83 : i32
      %swap3A_85 = arith.index_cast %squeeze3A_80 : i32 to index
      %swap3A_86 = memref.load %arg9[%swap3A_85] : memref<246xi32, #tpu.memory_space<smem>>
      memref.store %add3A_84, %arg9[%swap3A_85] : memref<246xi32, #tpu.memory_space<smem>>
      %slice3A_87 = vector.extract_strided_slice %get3A_73 {offsets = [2], sizes = [1], strides = [1]} : vector<16xi32> to vector<1xi32>
      %squeeze3A_88 = vector.extract %slice3A_87[0] : i32 from vector<1xi32>
      %get3A_89 = arith.index_cast %squeeze3A_88 : i32 to index
      %get3A_90 = memref.load %arg9[%get3A_89] : memref<246xi32, #tpu.memory_space<smem>>
      %add3A_91 = arith.constant 1 : i32
      %add3A_92 = arith.addi %get3A_90, %add3A_91 : i32
      %swap3A_93 = arith.index_cast %squeeze3A_88 : i32 to index
      %swap3A_94 = memref.load %arg9[%swap3A_93] : memref<246xi32, #tpu.memory_space<smem>>
      memref.store %add3A_92, %arg9[%swap3A_93] : memref<246xi32, #tpu.memory_space<smem>>
      %slice3A_95 = vector.extract_strided_slice %get3A_73 {offsets = [3], sizes = [1], strides = [1]} : vector<16xi32> to vector<1xi32>
      %squeeze3A_96 = vector.extract %slice3A_95[0] : i32 from vector<1xi32>
      %get3A_97 = arith.index_cast %squeeze3A_96 : i32 to index
      %get3A_98 = memref.load %arg9[%get3A_97] : memref<246xi32, #tpu.memory_space<smem>>
      %add3A_99 = arith.constant 1 : i32
      %add3A_100 = arith.addi %get3A_98, %add3A_99 : i32
      %swap3A_101 = arith.index_cast %squeeze3A_96 : i32 to index
      %swap3A_102 = memref.load %arg9[%swap3A_101] : memref<246xi32, #tpu.memory_space<smem>>
      memref.store %add3A_100, %arg9[%swap3A_101] : memref<246xi32, #tpu.memory_space<smem>>
      %slice3A_103 = vector.extract_strided_slice %get3A_73 {offsets = [4], sizes = [1], strides = [1]} : vector<16xi32> to vector<1xi32>
      %squeeze3A_104 = vector.extract %slice3A_103[0] : i32 from vector<1xi32>
      %get3A_105 = arith.index_cast %squeeze3A_104 : i32 to index
      %get3A_106 = memref.load %arg9[%get3A_105] : memref<246xi32, #tpu.memory_space<smem>>
      %add3A_107 = arith.constant 1 : i32
      %add3A_108 = arith.addi %get3A_106, %add3A_107 : i32
      %swap3A_109 = arith.index_cast %squeeze3A_104 : i32 to index
      %swap3A_110 = memref.load %arg9[%swap3A_109] : memref<246xi32, #tpu.memory_space<smem>>
      memref.store %add3A_108, %arg9[%swap3A_109] : memref<246xi32, #tpu.memory_space<smem>>
      %slice3A_111 = vector.extract_strided_slice %get3A_73 {offsets = [5], sizes = [1], strides = [1]} : vector<16xi32> to vector<1xi32>
      %squeeze3A_112 = vector.extract %slice3A_111[0] : i32 from vector<1xi32>
      %get3A_113 = arith.index_cast %squeeze3A_112 : i32 to index
      %get3A_114 = memref.load %arg9[%get3A_113] : memref<246xi32, #tpu.memory_space<smem>>
      %add3A_115 = arith.constant 1 : i32
      %add3A_116 = arith.addi %get3A_114, %add3A_115 : i32
      %swap3A_117 = arith.index_cast %squeeze3A_112 : i32 to index
      %swap3A_118 = memref.load %arg9[%swap3A_117] : memref<246xi32, #tpu.memory_space<smem>>
      memref.store %add3A_116, %arg9[%swap3A_117] : memref<246xi32, #tpu.memory_space<smem>>
      %slice3A_119 = vector.extract_strided_slice %get3A_73 {offsets = [6], sizes = [1], strides = [1]} : vector<16xi32> to vector<1xi32>
      %squeeze3A_120 = vector.extract %slice3A_119[0] : i32 from vector<1xi32>
      %get3A_121 = arith.index_cast %squeeze3A_120 : i32 to index
      %get3A_122 = memref.load %arg9[%get3A_121] : memref<246xi32, #tpu.memory_space<smem>>
      %add3A_123 = arith.constant 1 : i32
      %add3A_124 = arith.addi %get3A_122, %add3A_123 : i32
      %swap3A_125 = arith.index_cast %squeeze3A_120 : i32 to index
      %swap3A_126 = memref.load %arg9[%swap3A_125] : memref<246xi32, #tpu.memory_space<smem>>
      memref.store %add3A_124, %arg9[%swap3A_125] : memref<246xi32, #tpu.memory_space<smem>>
      %slice3A_127 = vector.extract_strided_slice %get3A_73 {offsets = [7], sizes = [1], strides = [1]} : vector<16xi32> to vector<1xi32>
      %squeeze3A_128 = vector.extract %slice3A_127[0] : i32 from vector<1xi32>
      %get3A_129 = arith.index_cast %squeeze3A_128 : i32 to index
      %get3A_130 = memref.load %arg9[%get3A_129] : memref<246xi32, #tpu.memory_space<smem>>
      %add3A_131 = arith.constant 1 : i32
      %add3A_132 = arith.addi %get3A_130, %add3A_131 : i32
      %swap3A_133 = arith.index_cast %squeeze3A_128 : i32 to index
      %swap3A_134 = memref.load %arg9[%swap3A_133] : memref<246xi32, #tpu.memory_space<smem>>
      memref.store %add3A_132, %arg9[%swap3A_133] : memref<246xi32, #tpu.memory_space<smem>>
      %slice3A_135 = vector.extract_strided_slice %get3A_73 {offsets = [8], sizes = [1], strides = [1]} : vector<16xi32> to vector<1xi32>
      %squeeze3A_136 = vector.extract %slice3A_135[0] : i32 from vector<1xi32>
      %get3A_137 = arith.index_cast %squeeze3A_136 : i32 to index
      %get3A_138 = memref.load %arg9[%get3A_137] : memref<246xi32, #tpu.memory_space<smem>>
      %add3A_139 = arith.constant 1 : i32
      %add3A_140 = arith.addi %get3A_138, %add3A_139 : i32
      %swap3A_141 = arith.index_cast %squeeze3A_136 : i32 to index
      %swap3A_142 = memref.load %arg9[%swap3A_141] : memref<246xi32, #tpu.memory_space<smem>>
      memref.store %add3A_140, %arg9[%swap3A_141] : memref<246xi32, #tpu.memory_space<smem>>
      %slice3A_143 = vector.extract_strided_slice %get3A_73 {offsets = [9], sizes = [1], strides = [1]} : vector<16xi32> to vector<1xi32>
      %squeeze3A_144 = vector.extract %slice3A_143[0] : i32 from vector<1xi32>
      %get3A_145 = arith.index_cast %squeeze3A_144 : i32 to index
      %get3A_146 = memref.load %arg9[%get3A_145] : memref<246xi32, #tpu.memory_space<smem>>
      %add3A_147 = arith.constant 1 : i32
      %add3A_148 = arith.addi %get3A_146, %add3A_147 : i32
      %swap3A_149 = arith.index_cast %squeeze3A_144 : i32 to index
      %swap3A_150 = memref.load %arg9[%swap3A_149] : memref<246xi32, #tpu.memory_space<smem>>
      memref.store %add3A_148, %arg9[%swap3A_149] : memref<246xi32, #tpu.memory_space<smem>>
      %slice3A_151 = vector.extract_strided_slice %get3A_73 {offsets = [10], sizes = [1], strides = [1]} : vector<16xi32> to vector<1xi32>
      %squeeze3A_152 = vector.extract %slice3A_151[0] : i32 from vector<1xi32>
      %get3A_153 = arith.index_cast %squeeze3A_152 : i32 to index
      %get3A_154 = memref.load %arg9[%get3A_153] : memref<246xi32, #tpu.memory_space<smem>>
      %add3A_155 = arith.constant 1 : i32
      %add3A_156 = arith.addi %get3A_154, %add3A_155 : i32
      %swap3A_157 = arith.index_cast %squeeze3A_152 : i32 to index
      %swap3A_158 = memref.load %arg9[%swap3A_157] : memref<246xi32, #tpu.memory_space<smem>>
      memref.store %add3A_156, %arg9[%swap3A_157] : memref<246xi32, #tpu.memory_space<smem>>
      %slice3A_159 = vector.extract_strided_slice %get3A_73 {offsets = [11], sizes = [1], strides = [1]} : vector<16xi32> to vector<1xi32>
      %squeeze3A_160 = vector.extract %slice3A_159[0] : i32 from vector<1xi32>
      %get3A_161 = arith.index_cast %squeeze3A_160 : i32 to index
      %get3A_162 = memref.load %arg9[%get3A_161] : memref<246xi32, #tpu.memory_space<smem>>
      %add3A_163 = arith.constant 1 : i32
      %add3A_164 = arith.addi %get3A_162, %add3A_163 : i32
      %swap3A_165 = arith.index_cast %squeeze3A_160 : i32 to index
      %swap3A_166 = memref.load %arg9[%swap3A_165] : memref<246xi32, #tpu.memory_space<smem>>
      memref.store %add3A_164, %arg9[%swap3A_165] : memref<246xi32, #tpu.memory_space<smem>>
      %slice3A_167 = vector.extract_strided_slice %get3A_73 {offsets = [12], sizes = [1], strides = [1]} : vector<16xi32> to vector<1xi32>
      %squeeze3A_168 = vector.extract %slice3A_167[0] : i32 from vector<1xi32>
      %get3A_169 = arith.index_cast %squeeze3A_168 : i32 to index
      %get3A_170 = memref.load %arg9[%get3A_169] : memref<246xi32, #tpu.memory_space<smem>>
      %add3A_171 = arith.constant 1 : i32
      %add3A_172 = arith.addi %get3A_170, %add3A_171 : i32
      %swap3A_173 = arith.index_cast %squeeze3A_168 : i32 to index
      %swap3A_174 = memref.load %arg9[%swap3A_173] : memref<246xi32, #tpu.memory_space<smem>>
      memref.store %add3A_172, %arg9[%swap3A_173] : memref<246xi32, #tpu.memory_space<smem>>
      %slice3A_175 = vector.extract_strided_slice %get3A_73 {offsets = [13], sizes = [1], strides = [1]} : vector<16xi32> to vector<1xi32>
      %squeeze3A_176 = vector.extract %slice3A_175[0] : i32 from vector<1xi32>
      %get3A_177 = arith.index_cast %squeeze3A_176 : i32 to index
      %get3A_178 = memref.load %arg9[%get3A_177] : memref<246xi32, #tpu.memory_space<smem>>
      %add3A_179 = arith.constant 1 : i32
      %add3A_180 = arith.addi %get3A_178, %add3A_179 : i32
      %swap3A_181 = arith.index_cast %squeeze3A_176 : i32 to index
      %swap3A_182 = memref.load %arg9[%swap3A_181] : memref<246xi32, #tpu.memory_space<smem>>
      memref.store %add3A_180, %arg9[%swap3A_181] : memref<246xi32, #tpu.memory_space<smem>>
      %slice3A_183 = vector.extract_strided_slice %get3A_73 {offsets = [14], sizes = [1], strides = [1]} : vector<16xi32> to vector<1xi32>
      %squeeze3A_184 = vector.extract %slice3A_183[0] : i32 from vector<1xi32>
      %get3A_185 = arith.index_cast %squeeze3A_184 : i32 to index
      %get3A_186 = memref.load %arg9[%get3A_185] : memref<246xi32, #tpu.memory_space<smem>>
      %add3A_187 = arith.constant 1 : i32
      %add3A_188 = arith.addi %get3A_186, %add3A_187 : i32
      %swap3A_189 = arith.index_cast %squeeze3A_184 : i32 to index
      %swap3A_190 = memref.load %arg9[%swap3A_189] : memref<246xi32, #tpu.memory_space<smem>>
      memref.store %add3A_188, %arg9[%swap3A_189] : memref<246xi32, #tpu.memory_space<smem>>
      %slice3A_191 = vector.extract_strided_slice %get3A_73 {offsets = [15], sizes = [1], strides = [1]} : vector<16xi32> to vector<1xi32>
      %squeeze3A_192 = vector.extract %slice3A_191[0] : i32 from vector<1xi32>
      %get3A_193 = arith.index_cast %squeeze3A_192 : i32 to index
      %get3A_194 = memref.load %arg9[%get3A_193] : memref<246xi32, #tpu.memory_space<smem>>
      %add3A_195 = arith.constant 1 : i32
      %add3A_196 = arith.addi %get3A_194, %add3A_195 : i32
      %swap3A_197 = arith.index_cast %squeeze3A_192 : i32 to index
      %swap3A_198 = memref.load %arg9[%swap3A_197] : memref<246xi32, #tpu.memory_space<smem>>
      memref.store %add3A_196, %arg9[%swap3A_197] : memref<246xi32, #tpu.memory_space<smem>>
    }
    %scan3A_31 = arith.constant 0 : i32
    %scan3A_32 = arith.constant 0 : i32
    %scan3A_33 = arith.constant 0 : i32
    %scan3A_34 = arith.constant 246 : i32
    %scan3A_35 = arith.addi %scan3A_33, %scan3A_34 : i32
    %scan3A_36 = arith.constant 1 : i32
    %scan3A_37:2 = scf.for %scan3A_70 = %scan3A_33 to %scan3A_35 step %scan3A_36 iter_args(%scan3A_71 = %scan3A_31, %scan3A_72 = %scan3A_32) -> (i32, i32)  : i32 {
      %swap3A = arith.index_cast %scan3A_70 : i32 to index
      %swap3A_73 = memref.load %arg10[%swap3A] : memref<246xi32, #tpu.memory_space<smem>>
      memref.store %scan3A_71, %arg10[%swap3A] : memref<246xi32, #tpu.memory_space<smem>>
      %get3A = arith.index_cast %scan3A_70 : i32 to index
      %get3A_74 = memref.load %arg9[%get3A] : memref<246xi32, #tpu.memory_space<smem>>
      %gt3A_75 = arith.constant 0 : i32
      %gt3A_76 = arith.cmpi sgt, %get3A_74, %gt3A_75 : i32
      %lt3A = arith.constant 245 : i32
      %lt3A_77 = arith.cmpi slt, %scan3A_70, %lt3A : i32
      %and3A = arith.andi %gt3A_76, %lt3A_77 : i1
      %convert_element_type3A_78 = arith.extui %and3A : i1 to i32
      %cond3A_79 = arith.constant 0 : i32
      %cond3A_80 = arith.cmpi ne, %convert_element_type3A_78, %cond3A_79 : i32
      scf.if %cond3A_80 {
        %swap3A_89 = arith.index_cast %scan3A_72 : i32 to index
        %swap3A_90 = memref.load %arg11[%swap3A_89] : memref<246xi32, #tpu.memory_space<smem>>
        memref.store %scan3A_70, %arg11[%swap3A_89] : memref<246xi32, #tpu.memory_space<smem>>
      } else {
      }
      %add3A_81 = arith.addi %scan3A_71, %get3A_74 : i32
      %gt3A_82 = arith.constant 0 : i32
      %gt3A_83 = arith.cmpi sgt, %get3A_74, %gt3A_82 : i32
      %lt3A_84 = arith.constant 245 : i32
      %lt3A_85 = arith.cmpi slt, %scan3A_70, %lt3A_84 : i32
      %and3A_86 = arith.andi %gt3A_83, %lt3A_85 : i1
      %jit3A = arith.constant 1 : i32
      %jit3A_87 = arith.constant 0 : i32
      %select_n3A = arith.select %and3A_86, %jit3A, %jit3A_87 : i32
      %add3A_88 = arith.addi %scan3A_72, %select_n3A : i32
      scf.yield %add3A_81, %add3A_88 : i32, i32
    }
    %scan3A_38 = arith.constant 246 : i32
    %while3A_39 = arith.constant 0 : i32
    %while3A_40 = arith.constant 0 : i32
    %while3A_41 = arith.subi %shift_right_logical3A_21, %while3A_40 : i32
    %while3A_42 = arith.addi %while3A_40, %while3A_41 : i32
    %while3A_43 = arith.constant 1 : i32
    %while3A_44 = arith.divsi %while3A_41, %while3A_43 : i32
    %while3A_45 = arith.muli %while3A_44, %while3A_43 : i32
    %while3A_46 = arith.addi %while3A_40, %while3A_45 : i32
    %while3A_47 = arith.constant 1 : i32
    scf.for %while3A_70 = %while3A_40 to %while3A_46 step %while3A_47  : i32 {
      %mul3A_71 = arith.constant 16 : i32
      %mul3A_72 = arith.muli %while3A_70, %mul3A_71 : i32
      %get3A = arith.index_cast %mul3A_72 : i32 to index
      %get3A_73 = tpu.vector_load %arg6[%get3A] {strides = array<i32>} : memref<16400xi32, #tpu.memory_space<vmem>>, vector<16xi32>,
      %mul3A_74 = arith.constant 16 : i32
      %mul3A_75 = arith.muli %while3A_70, %mul3A_74 : i32
      %get3A_76 = arith.index_cast %mul3A_75 : i32 to index
      %get3A_77 = tpu.vector_load %arg7[%get3A_76] {strides = array<i32>} : memref<16400xi32, #tpu.memory_space<vmem>>, vector<16xi32>,
      %slice3A = vector.extract_strided_slice %get3A_73 {offsets = [0], sizes = [1], strides = [1]} : vector<16xi32> to vector<1xi32>
      %squeeze3A = vector.extract %slice3A[0] : i32 from vector<1xi32>
      %get3A_78 = arith.index_cast %squeeze3A : i32 to index
      %get3A_79 = memref.load %arg10[%get3A_78] : memref<246xi32, #tpu.memory_space<smem>>
      %add3A_80 = arith.constant 1 : i32
      %add3A_81 = arith.addi %get3A_79, %add3A_80 : i32
      %swap3A = arith.index_cast %squeeze3A : i32 to index
      %swap3A_82 = memref.load %arg10[%swap3A] : memref<246xi32, #tpu.memory_space<smem>>
      memref.store %add3A_81, %arg10[%swap3A] : memref<246xi32, #tpu.memory_space<smem>>
      %slice3A_83 = vector.extract_strided_slice %get3A_77 {offsets = [0], sizes = [1], strides = [1]} : vector<16xi32> to vector<1xi32>
      %squeeze3A_84 = vector.extract %slice3A_83[0] : i32 from vector<1xi32>
      %broadcast_in_dim3A_85 = vector.broadcast %get3A_79 : i32 to vector<16xi32>
      %broadcast_in_dim3A_86 = vector.broadcast %squeeze3A_84 : i32 to vector<16xi32>
      %eq3A = arith.constant 0 : i32
      %eq3A_87 = vector.broadcast %eq3A : i32 to vector<16xi32>
      %eq3A_88 = arith.cmpi eq, %iota3A, %eq3A_87 : vector<16xi32>
      tpu.vector_store_idx %arg8[%broadcast_in_dim3A_85], %broadcast_in_dim3A_86 masked %eq3A_88 : memref<16400xi32, #tpu.memory_space<vmem>>[vector<16xi32>], vector<16xi32>, vector<16xi1>
      %slice3A_89 = vector.extract_strided_slice %get3A_73 {offsets = [1], sizes = [1], strides = [1]} : vector<16xi32> to vector<1xi32>
      %squeeze3A_90 = vector.extract %slice3A_89[0] : i32 from vector<1xi32>
      %get3A_91 = arith.index_cast %squeeze3A_90 : i32 to index
      %get3A_92 = memref.load %arg10[%get3A_91] : memref<246xi32, #tpu.memory_space<smem>>
      %add3A_93 = arith.constant 1 : i32
      %add3A_94 = arith.addi %get3A_92, %add3A_93 : i32
      %swap3A_95 = arith.index_cast %squeeze3A_90 : i32 to index
      %swap3A_96 = memref.load %arg10[%swap3A_95] : memref<246xi32, #tpu.memory_space<smem>>
      memref.store %add3A_94, %arg10[%swap3A_95] : memref<246xi32, #tpu.memory_space<smem>>
      %slice3A_97 = vector.extract_strided_slice %get3A_77 {offsets = [1], sizes = [1], strides = [1]} : vector<16xi32> to vector<1xi32>
      %squeeze3A_98 = vector.extract %slice3A_97[0] : i32 from vector<1xi32>
      %broadcast_in_dim3A_99 = vector.broadcast %get3A_92 : i32 to vector<16xi32>
      %broadcast_in_dim3A_100 = vector.broadcast %squeeze3A_98 : i32 to vector<16xi32>
      %eq3A_101 = arith.constant 0 : i32
      %eq3A_102 = vector.broadcast %eq3A_101 : i32 to vector<16xi32>
      %eq3A_103 = arith.cmpi eq, %iota3A, %eq3A_102 : vector<16xi32>
      tpu.vector_store_idx %arg8[%broadcast_in_dim3A_99], %broadcast_in_dim3A_100 masked %eq3A_103 : memref<16400xi32, #tpu.memory_space<vmem>>[vector<16xi32>], vector<16xi32>, vector<16xi1>
      %slice3A_104 = vector.extract_strided_slice %get3A_73 {offsets = [2], sizes = [1], strides = [1]} : vector<16xi32> to vector<1xi32>
      %squeeze3A_105 = vector.extract %slice3A_104[0] : i32 from vector<1xi32>
      %get3A_106 = arith.index_cast %squeeze3A_105 : i32 to index
      %get3A_107 = memref.load %arg10[%get3A_106] : memref<246xi32, #tpu.memory_space<smem>>
      %add3A_108 = arith.constant 1 : i32
      %add3A_109 = arith.addi %get3A_107, %add3A_108 : i32
      %swap3A_110 = arith.index_cast %squeeze3A_105 : i32 to index
      %swap3A_111 = memref.load %arg10[%swap3A_110] : memref<246xi32, #tpu.memory_space<smem>>
      memref.store %add3A_109, %arg10[%swap3A_110] : memref<246xi32, #tpu.memory_space<smem>>
      %slice3A_112 = vector.extract_strided_slice %get3A_77 {offsets = [2], sizes = [1], strides = [1]} : vector<16xi32> to vector<1xi32>
      %squeeze3A_113 = vector.extract %slice3A_112[0] : i32 from vector<1xi32>
      %broadcast_in_dim3A_114 = vector.broadcast %get3A_107 : i32 to vector<16xi32>
      %broadcast_in_dim3A_115 = vector.broadcast %squeeze3A_113 : i32 to vector<16xi32>
      %eq3A_116 = arith.constant 0 : i32
      %eq3A_117 = vector.broadcast %eq3A_116 : i32 to vector<16xi32>
      %eq3A_118 = arith.cmpi eq, %iota3A, %eq3A_117 : vector<16xi32>
      tpu.vector_store_idx %arg8[%broadcast_in_dim3A_114], %broadcast_in_dim3A_115 masked %eq3A_118 : memref<16400xi32, #tpu.memory_space<vmem>>[vector<16xi32>], vector<16xi32>, vector<16xi1>
      %slice3A_119 = vector.extract_strided_slice %get3A_73 {offsets = [3], sizes = [1], strides = [1]} : vector<16xi32> to vector<1xi32>
      %squeeze3A_120 = vector.extract %slice3A_119[0] : i32 from vector<1xi32>
      %get3A_121 = arith.index_cast %squeeze3A_120 : i32 to index
      %get3A_122 = memref.load %arg10[%get3A_121] : memref<246xi32, #tpu.memory_space<smem>>
      %add3A_123 = arith.constant 1 : i32
      %add3A_124 = arith.addi %get3A_122, %add3A_123 : i32
      %swap3A_125 = arith.index_cast %squeeze3A_120 : i32 to index
      %swap3A_126 = memref.load %arg10[%swap3A_125] : memref<246xi32, #tpu.memory_space<smem>>
      memref.store %add3A_124, %arg10[%swap3A_125] : memref<246xi32, #tpu.memory_space<smem>>
      %slice3A_127 = vector.extract_strided_slice %get3A_77 {offsets = [3], sizes = [1], strides = [1]} : vector<16xi32> to vector<1xi32>
      %squeeze3A_128 = vector.extract %slice3A_127[0] : i32 from vector<1xi32>
      %broadcast_in_dim3A_129 = vector.broadcast %get3A_122 : i32 to vector<16xi32>
      %broadcast_in_dim3A_130 = vector.broadcast %squeeze3A_128 : i32 to vector<16xi32>
      %eq3A_131 = arith.constant 0 : i32
      %eq3A_132 = vector.broadcast %eq3A_131 : i32 to vector<16xi32>
      %eq3A_133 = arith.cmpi eq, %iota3A, %eq3A_132 : vector<16xi32>
      tpu.vector_store_idx %arg8[%broadcast_in_dim3A_129], %broadcast_in_dim3A_130 masked %eq3A_133 : memref<16400xi32, #tpu.memory_space<vmem>>[vector<16xi32>], vector<16xi32>, vector<16xi1>
      %slice3A_134 = vector.extract_strided_slice %get3A_73 {offsets = [4], sizes = [1], strides = [1]} : vector<16xi32> to vector<1xi32>
      %squeeze3A_135 = vector.extract %slice3A_134[0] : i32 from vector<1xi32>
      %get3A_136 = arith.index_cast %squeeze3A_135 : i32 to index
      %get3A_137 = memref.load %arg10[%get3A_136] : memref<246xi32, #tpu.memory_space<smem>>
      %add3A_138 = arith.constant 1 : i32
      %add3A_139 = arith.addi %get3A_137, %add3A_138 : i32
      %swap3A_140 = arith.index_cast %squeeze3A_135 : i32 to index
      %swap3A_141 = memref.load %arg10[%swap3A_140] : memref<246xi32, #tpu.memory_space<smem>>
      memref.store %add3A_139, %arg10[%swap3A_140] : memref<246xi32, #tpu.memory_space<smem>>
      %slice3A_142 = vector.extract_strided_slice %get3A_77 {offsets = [4], sizes = [1], strides = [1]} : vector<16xi32> to vector<1xi32>
      %squeeze3A_143 = vector.extract %slice3A_142[0] : i32 from vector<1xi32>
      %broadcast_in_dim3A_144 = vector.broadcast %get3A_137 : i32 to vector<16xi32>
      %broadcast_in_dim3A_145 = vector.broadcast %squeeze3A_143 : i32 to vector<16xi32>
      %eq3A_146 = arith.constant 0 : i32
      %eq3A_147 = vector.broadcast %eq3A_146 : i32 to vector<16xi32>
      %eq3A_148 = arith.cmpi eq, %iota3A, %eq3A_147 : vector<16xi32>
      tpu.vector_store_idx %arg8[%broadcast_in_dim3A_144], %broadcast_in_dim3A_145 masked %eq3A_148 : memref<16400xi32, #tpu.memory_space<vmem>>[vector<16xi32>], vector<16xi32>, vector<16xi1>
      %slice3A_149 = vector.extract_strided_slice %get3A_73 {offsets = [5], sizes = [1], strides = [1]} : vector<16xi32> to vector<1xi32>
      %squeeze3A_150 = vector.extract %slice3A_149[0] : i32 from vector<1xi32>
      %get3A_151 = arith.index_cast %squeeze3A_150 : i32 to index
      %get3A_152 = memref.load %arg10[%get3A_151] : memref<246xi32, #tpu.memory_space<smem>>
      %add3A_153 = arith.constant 1 : i32
      %add3A_154 = arith.addi %get3A_152, %add3A_153 : i32
      %swap3A_155 = arith.index_cast %squeeze3A_150 : i32 to index
      %swap3A_156 = memref.load %arg10[%swap3A_155] : memref<246xi32, #tpu.memory_space<smem>>
      memref.store %add3A_154, %arg10[%swap3A_155] : memref<246xi32, #tpu.memory_space<smem>>
      %slice3A_157 = vector.extract_strided_slice %get3A_77 {offsets = [5], sizes = [1], strides = [1]} : vector<16xi32> to vector<1xi32>
      %squeeze3A_158 = vector.extract %slice3A_157[0] : i32 from vector<1xi32>
      %broadcast_in_dim3A_159 = vector.broadcast %get3A_152 : i32 to vector<16xi32>
      %broadcast_in_dim3A_160 = vector.broadcast %squeeze3A_158 : i32 to vector<16xi32>
      %eq3A_161 = arith.constant 0 : i32
      %eq3A_162 = vector.broadcast %eq3A_161 : i32 to vector<16xi32>
      %eq3A_163 = arith.cmpi eq, %iota3A, %eq3A_162 : vector<16xi32>
      tpu.vector_store_idx %arg8[%broadcast_in_dim3A_159], %broadcast_in_dim3A_160 masked %eq3A_163 : memref<16400xi32, #tpu.memory_space<vmem>>[vector<16xi32>], vector<16xi32>, vector<16xi1>
      %slice3A_164 = vector.extract_strided_slice %get3A_73 {offsets = [6], sizes = [1], strides = [1]} : vector<16xi32> to vector<1xi32>
      %squeeze3A_165 = vector.extract %slice3A_164[0] : i32 from vector<1xi32>
      %get3A_166 = arith.index_cast %squeeze3A_165 : i32 to index
      %get3A_167 = memref.load %arg10[%get3A_166] : memref<246xi32, #tpu.memory_space<smem>>
      %add3A_168 = arith.constant 1 : i32
      %add3A_169 = arith.addi %get3A_167, %add3A_168 : i32
      %swap3A_170 = arith.index_cast %squeeze3A_165 : i32 to index
      %swap3A_171 = memref.load %arg10[%swap3A_170] : memref<246xi32, #tpu.memory_space<smem>>
      memref.store %add3A_169, %arg10[%swap3A_170] : memref<246xi32, #tpu.memory_space<smem>>
      %slice3A_172 = vector.extract_strided_slice %get3A_77 {offsets = [6], sizes = [1], strides = [1]} : vector<16xi32> to vector<1xi32>
      %squeeze3A_173 = vector.extract %slice3A_172[0] : i32 from vector<1xi32>
      %broadcast_in_dim3A_174 = vector.broadcast %get3A_167 : i32 to vector<16xi32>
      %broadcast_in_dim3A_175 = vector.broadcast %squeeze3A_173 : i32 to vector<16xi32>
      %eq3A_176 = arith.constant 0 : i32
      %eq3A_177 = vector.broadcast %eq3A_176 : i32 to vector<16xi32>
      %eq3A_178 = arith.cmpi eq, %iota3A, %eq3A_177 : vector<16xi32>
      tpu.vector_store_idx %arg8[%broadcast_in_dim3A_174], %broadcast_in_dim3A_175 masked %eq3A_178 : memref<16400xi32, #tpu.memory_space<vmem>>[vector<16xi32>], vector<16xi32>, vector<16xi1>
      %slice3A_179 = vector.extract_strided_slice %get3A_73 {offsets = [7], sizes = [1], strides = [1]} : vector<16xi32> to vector<1xi32>
      %squeeze3A_180 = vector.extract %slice3A_179[0] : i32 from vector<1xi32>
      %get3A_181 = arith.index_cast %squeeze3A_180 : i32 to index
      %get3A_182 = memref.load %arg10[%get3A_181] : memref<246xi32, #tpu.memory_space<smem>>
      %add3A_183 = arith.constant 1 : i32
      %add3A_184 = arith.addi %get3A_182, %add3A_183 : i32
      %swap3A_185 = arith.index_cast %squeeze3A_180 : i32 to index
      %swap3A_186 = memref.load %arg10[%swap3A_185] : memref<246xi32, #tpu.memory_space<smem>>
      memref.store %add3A_184, %arg10[%swap3A_185] : memref<246xi32, #tpu.memory_space<smem>>
      %slice3A_187 = vector.extract_strided_slice %get3A_77 {offsets = [7], sizes = [1], strides = [1]} : vector<16xi32> to vector<1xi32>
      %squeeze3A_188 = vector.extract %slice3A_187[0] : i32 from vector<1xi32>
      %broadcast_in_dim3A_189 = vector.broadcast %get3A_182 : i32 to vector<16xi32>
      %broadcast_in_dim3A_190 = vector.broadcast %squeeze3A_188 : i32 to vector<16xi32>
      %eq3A_191 = arith.constant 0 : i32
      %eq3A_192 = vector.broadcast %eq3A_191 : i32 to vector<16xi32>
      %eq3A_193 = arith.cmpi eq, %iota3A, %eq3A_192 : vector<16xi32>
      tpu.vector_store_idx %arg8[%broadcast_in_dim3A_189], %broadcast_in_dim3A_190 masked %eq3A_193 : memref<16400xi32, #tpu.memory_space<vmem>>[vector<16xi32>], vector<16xi32>, vector<16xi1>
      %slice3A_194 = vector.extract_strided_slice %get3A_73 {offsets = [8], sizes = [1], strides = [1]} : vector<16xi32> to vector<1xi32>
      %squeeze3A_195 = vector.extract %slice3A_194[0] : i32 from vector<1xi32>
      %get3A_196 = arith.index_cast %squeeze3A_195 : i32 to index
      %get3A_197 = memref.load %arg10[%get3A_196] : memref<246xi32, #tpu.memory_space<smem>>
      %add3A_198 = arith.constant 1 : i32
      %add3A_199 = arith.addi %get3A_197, %add3A_198 : i32
      %swap3A_200 = arith.index_cast %squeeze3A_195 : i32 to index
      %swap3A_201 = memref.load %arg10[%swap3A_200] : memref<246xi32, #tpu.memory_space<smem>>
      memref.store %add3A_199, %arg10[%swap3A_200] : memref<246xi32, #tpu.memory_space<smem>>
      %slice3A_202 = vector.extract_strided_slice %get3A_77 {offsets = [8], sizes = [1], strides = [1]} : vector<16xi32> to vector<1xi32>
      %squeeze3A_203 = vector.extract %slice3A_202[0] : i32 from vector<1xi32>
      %broadcast_in_dim3A_204 = vector.broadcast %get3A_197 : i32 to vector<16xi32>
      %broadcast_in_dim3A_205 = vector.broadcast %squeeze3A_203 : i32 to vector<16xi32>
      %eq3A_206 = arith.constant 0 : i32
      %eq3A_207 = vector.broadcast %eq3A_206 : i32 to vector<16xi32>
      %eq3A_208 = arith.cmpi eq, %iota3A, %eq3A_207 : vector<16xi32>
      tpu.vector_store_idx %arg8[%broadcast_in_dim3A_204], %broadcast_in_dim3A_205 masked %eq3A_208 : memref<16400xi32, #tpu.memory_space<vmem>>[vector<16xi32>], vector<16xi32>, vector<16xi1>
      %slice3A_209 = vector.extract_strided_slice %get3A_73 {offsets = [9], sizes = [1], strides = [1]} : vector<16xi32> to vector<1xi32>
      %squeeze3A_210 = vector.extract %slice3A_209[0] : i32 from vector<1xi32>
      %get3A_211 = arith.index_cast %squeeze3A_210 : i32 to index
      %get3A_212 = memref.load %arg10[%get3A_211] : memref<246xi32, #tpu.memory_space<smem>>
      %add3A_213 = arith.constant 1 : i32
      %add3A_214 = arith.addi %get3A_212, %add3A_213 : i32
      %swap3A_215 = arith.index_cast %squeeze3A_210 : i32 to index
      %swap3A_216 = memref.load %arg10[%swap3A_215] : memref<246xi32, #tpu.memory_space<smem>>
      memref.store %add3A_214, %arg10[%swap3A_215] : memref<246xi32, #tpu.memory_space<smem>>
      %slice3A_217 = vector.extract_strided_slice %get3A_77 {offsets = [9], sizes = [1], strides = [1]} : vector<16xi32> to vector<1xi32>
      %squeeze3A_218 = vector.extract %slice3A_217[0] : i32 from vector<1xi32>
      %broadcast_in_dim3A_219 = vector.broadcast %get3A_212 : i32 to vector<16xi32>
      %broadcast_in_dim3A_220 = vector.broadcast %squeeze3A_218 : i32 to vector<16xi32>
      %eq3A_221 = arith.constant 0 : i32
      %eq3A_222 = vector.broadcast %eq3A_221 : i32 to vector<16xi32>
      %eq3A_223 = arith.cmpi eq, %iota3A, %eq3A_222 : vector<16xi32>
      tpu.vector_store_idx %arg8[%broadcast_in_dim3A_219], %broadcast_in_dim3A_220 masked %eq3A_223 : memref<16400xi32, #tpu.memory_space<vmem>>[vector<16xi32>], vector<16xi32>, vector<16xi1>
      %slice3A_224 = vector.extract_strided_slice %get3A_73 {offsets = [10], sizes = [1], strides = [1]} : vector<16xi32> to vector<1xi32>
      %squeeze3A_225 = vector.extract %slice3A_224[0] : i32 from vector<1xi32>
      %get3A_226 = arith.index_cast %squeeze3A_225 : i32 to index
      %get3A_227 = memref.load %arg10[%get3A_226] : memref<246xi32, #tpu.memory_space<smem>>
      %add3A_228 = arith.constant 1 : i32
      %add3A_229 = arith.addi %get3A_227, %add3A_228 : i32
      %swap3A_230 = arith.index_cast %squeeze3A_225 : i32 to index
      %swap3A_231 = memref.load %arg10[%swap3A_230] : memref<246xi32, #tpu.memory_space<smem>>
      memref.store %add3A_229, %arg10[%swap3A_230] : memref<246xi32, #tpu.memory_space<smem>>
      %slice3A_232 = vector.extract_strided_slice %get3A_77 {offsets = [10], sizes = [1], strides = [1]} : vector<16xi32> to vector<1xi32>
      %squeeze3A_233 = vector.extract %slice3A_232[0] : i32 from vector<1xi32>
      %broadcast_in_dim3A_234 = vector.broadcast %get3A_227 : i32 to vector<16xi32>
      %broadcast_in_dim3A_235 = vector.broadcast %squeeze3A_233 : i32 to vector<16xi32>
      %eq3A_236 = arith.constant 0 : i32
      %eq3A_237 = vector.broadcast %eq3A_236 : i32 to vector<16xi32>
      %eq3A_238 = arith.cmpi eq, %iota3A, %eq3A_237 : vector<16xi32>
      tpu.vector_store_idx %arg8[%broadcast_in_dim3A_234], %broadcast_in_dim3A_235 masked %eq3A_238 : memref<16400xi32, #tpu.memory_space<vmem>>[vector<16xi32>], vector<16xi32>, vector<16xi1>
      %slice3A_239 = vector.extract_strided_slice %get3A_73 {offsets = [11], sizes = [1], strides = [1]} : vector<16xi32> to vector<1xi32>
      %squeeze3A_240 = vector.extract %slice3A_239[0] : i32 from vector<1xi32>
      %get3A_241 = arith.index_cast %squeeze3A_240 : i32 to index
      %get3A_242 = memref.load %arg10[%get3A_241] : memref<246xi32, #tpu.memory_space<smem>>
      %add3A_243 = arith.constant 1 : i32
      %add3A_244 = arith.addi %get3A_242, %add3A_243 : i32
      %swap3A_245 = arith.index_cast %squeeze3A_240 : i32 to index
      %swap3A_246 = memref.load %arg10[%swap3A_245] : memref<246xi32, #tpu.memory_space<smem>>
      memref.store %add3A_244, %arg10[%swap3A_245] : memref<246xi32, #tpu.memory_space<smem>>
      %slice3A_247 = vector.extract_strided_slice %get3A_77 {offsets = [11], sizes = [1], strides = [1]} : vector<16xi32> to vector<1xi32>
      %squeeze3A_248 = vector.extract %slice3A_247[0] : i32 from vector<1xi32>
      %broadcast_in_dim3A_249 = vector.broadcast %get3A_242 : i32 to vector<16xi32>
      %broadcast_in_dim3A_250 = vector.broadcast %squeeze3A_248 : i32 to vector<16xi32>
      %eq3A_251 = arith.constant 0 : i32
      %eq3A_252 = vector.broadcast %eq3A_251 : i32 to vector<16xi32>
      %eq3A_253 = arith.cmpi eq, %iota3A, %eq3A_252 : vector<16xi32>
      tpu.vector_store_idx %arg8[%broadcast_in_dim3A_249], %broadcast_in_dim3A_250 masked %eq3A_253 : memref<16400xi32, #tpu.memory_space<vmem>>[vector<16xi32>], vector<16xi32>, vector<16xi1>
      %slice3A_254 = vector.extract_strided_slice %get3A_73 {offsets = [12], sizes = [1], strides = [1]} : vector<16xi32> to vector<1xi32>
      %squeeze3A_255 = vector.extract %slice3A_254[0] : i32 from vector<1xi32>
      %get3A_256 = arith.index_cast %squeeze3A_255 : i32 to index
      %get3A_257 = memref.load %arg10[%get3A_256] : memref<246xi32, #tpu.memory_space<smem>>
      %add3A_258 = arith.constant 1 : i32
      %add3A_259 = arith.addi %get3A_257, %add3A_258 : i32
      %swap3A_260 = arith.index_cast %squeeze3A_255 : i32 to index
      %swap3A_261 = memref.load %arg10[%swap3A_260] : memref<246xi32, #tpu.memory_space<smem>>
      memref.store %add3A_259, %arg10[%swap3A_260] : memref<246xi32, #tpu.memory_space<smem>>
      %slice3A_262 = vector.extract_strided_slice %get3A_77 {offsets = [12], sizes = [1], strides = [1]} : vector<16xi32> to vector<1xi32>
      %squeeze3A_263 = vector.extract %slice3A_262[0] : i32 from vector<1xi32>
      %broadcast_in_dim3A_264 = vector.broadcast %get3A_257 : i32 to vector<16xi32>
      %broadcast_in_dim3A_265 = vector.broadcast %squeeze3A_263 : i32 to vector<16xi32>
      %eq3A_266 = arith.constant 0 : i32
      %eq3A_267 = vector.broadcast %eq3A_266 : i32 to vector<16xi32>
      %eq3A_268 = arith.cmpi eq, %iota3A, %eq3A_267 : vector<16xi32>
      tpu.vector_store_idx %arg8[%broadcast_in_dim3A_264], %broadcast_in_dim3A_265 masked %eq3A_268 : memref<16400xi32, #tpu.memory_space<vmem>>[vector<16xi32>], vector<16xi32>, vector<16xi1>
      %slice3A_269 = vector.extract_strided_slice %get3A_73 {offsets = [13], sizes = [1], strides = [1]} : vector<16xi32> to vector<1xi32>
      %squeeze3A_270 = vector.extract %slice3A_269[0] : i32 from vector<1xi32>
      %get3A_271 = arith.index_cast %squeeze3A_270 : i32 to index
      %get3A_272 = memref.load %arg10[%get3A_271] : memref<246xi32, #tpu.memory_space<smem>>
      %add3A_273 = arith.constant 1 : i32
      %add3A_274 = arith.addi %get3A_272, %add3A_273 : i32
      %swap3A_275 = arith.index_cast %squeeze3A_270 : i32 to index
      %swap3A_276 = memref.load %arg10[%swap3A_275] : memref<246xi32, #tpu.memory_space<smem>>
      memref.store %add3A_274, %arg10[%swap3A_275] : memref<246xi32, #tpu.memory_space<smem>>
      %slice3A_277 = vector.extract_strided_slice %get3A_77 {offsets = [13], sizes = [1], strides = [1]} : vector<16xi32> to vector<1xi32>
      %squeeze3A_278 = vector.extract %slice3A_277[0] : i32 from vector<1xi32>
      %broadcast_in_dim3A_279 = vector.broadcast %get3A_272 : i32 to vector<16xi32>
      %broadcast_in_dim3A_280 = vector.broadcast %squeeze3A_278 : i32 to vector<16xi32>
      %eq3A_281 = arith.constant 0 : i32
      %eq3A_282 = vector.broadcast %eq3A_281 : i32 to vector<16xi32>
      %eq3A_283 = arith.cmpi eq, %iota3A, %eq3A_282 : vector<16xi32>
      tpu.vector_store_idx %arg8[%broadcast_in_dim3A_279], %broadcast_in_dim3A_280 masked %eq3A_283 : memref<16400xi32, #tpu.memory_space<vmem>>[vector<16xi32>], vector<16xi32>, vector<16xi1>
      %slice3A_284 = vector.extract_strided_slice %get3A_73 {offsets = [14], sizes = [1], strides = [1]} : vector<16xi32> to vector<1xi32>
      %squeeze3A_285 = vector.extract %slice3A_284[0] : i32 from vector<1xi32>
      %get3A_286 = arith.index_cast %squeeze3A_285 : i32 to index
      %get3A_287 = memref.load %arg10[%get3A_286] : memref<246xi32, #tpu.memory_space<smem>>
      %add3A_288 = arith.constant 1 : i32
      %add3A_289 = arith.addi %get3A_287, %add3A_288 : i32
      %swap3A_290 = arith.index_cast %squeeze3A_285 : i32 to index
      %swap3A_291 = memref.load %arg10[%swap3A_290] : memref<246xi32, #tpu.memory_space<smem>>
      memref.store %add3A_289, %arg10[%swap3A_290] : memref<246xi32, #tpu.memory_space<smem>>
      %slice3A_292 = vector.extract_strided_slice %get3A_77 {offsets = [14], sizes = [1], strides = [1]} : vector<16xi32> to vector<1xi32>
      %squeeze3A_293 = vector.extract %slice3A_292[0] : i32 from vector<1xi32>
      %broadcast_in_dim3A_294 = vector.broadcast %get3A_287 : i32 to vector<16xi32>
      %broadcast_in_dim3A_295 = vector.broadcast %squeeze3A_293 : i32 to vector<16xi32>
      %eq3A_296 = arith.constant 0 : i32
      %eq3A_297 = vector.broadcast %eq3A_296 : i32 to vector<16xi32>
      %eq3A_298 = arith.cmpi eq, %iota3A, %eq3A_297 : vector<16xi32>
      tpu.vector_store_idx %arg8[%broadcast_in_dim3A_294], %broadcast_in_dim3A_295 masked %eq3A_298 : memref<16400xi32, #tpu.memory_space<vmem>>[vector<16xi32>], vector<16xi32>, vector<16xi1>
      %slice3A_299 = vector.extract_strided_slice %get3A_73 {offsets = [15], sizes = [1], strides = [1]} : vector<16xi32> to vector<1xi32>
      %squeeze3A_300 = vector.extract %slice3A_299[0] : i32 from vector<1xi32>
      %get3A_301 = arith.index_cast %squeeze3A_300 : i32 to index
      %get3A_302 = memref.load %arg10[%get3A_301] : memref<246xi32, #tpu.memory_space<smem>>
      %add3A_303 = arith.constant 1 : i32
      %add3A_304 = arith.addi %get3A_302, %add3A_303 : i32
      %swap3A_305 = arith.index_cast %squeeze3A_300 : i32 to index
      %swap3A_306 = memref.load %arg10[%swap3A_305] : memref<246xi32, #tpu.memory_space<smem>>
      memref.store %add3A_304, %arg10[%swap3A_305] : memref<246xi32, #tpu.memory_space<smem>>
      %slice3A_307 = vector.extract_strided_slice %get3A_77 {offsets = [15], sizes = [1], strides = [1]} : vector<16xi32> to vector<1xi32>
      %squeeze3A_308 = vector.extract %slice3A_307[0] : i32 from vector<1xi32>
      %broadcast_in_dim3A_309 = vector.broadcast %get3A_302 : i32 to vector<16xi32>
      %broadcast_in_dim3A_310 = vector.broadcast %squeeze3A_308 : i32 to vector<16xi32>
      %eq3A_311 = arith.constant 0 : i32
      %eq3A_312 = vector.broadcast %eq3A_311 : i32 to vector<16xi32>
      %eq3A_313 = arith.cmpi eq, %iota3A, %eq3A_312 : vector<16xi32>
      tpu.vector_store_idx %arg8[%broadcast_in_dim3A_309], %broadcast_in_dim3A_310 masked %eq3A_313 : memref<16400xi32, #tpu.memory_space<vmem>>[vector<16xi32>], vector<16xi32>, vector<16xi1>
    }
    %while3A_48 = arith.constant 1 : i32
    scf.for %while3A_70 = %while3A_46 to %while3A_42 step %while3A_48  : i32 {
      %mul3A_71 = arith.constant 16 : i32
      %mul3A_72 = arith.muli %while3A_70, %mul3A_71 : i32
      %get3A = arith.index_cast %mul3A_72 : i32 to index
      %get3A_73 = tpu.vector_load %arg6[%get3A] {strides = array<i32>} : memref<16400xi32, #tpu.memory_space<vmem>>, vector<16xi32>,
      %mul3A_74 = arith.constant 16 : i32
      %mul3A_75 = arith.muli %while3A_70, %mul3A_74 : i32
      %get3A_76 = arith.index_cast %mul3A_75 : i32 to index
      %get3A_77 = tpu.vector_load %arg7[%get3A_76] {strides = array<i32>} : memref<16400xi32, #tpu.memory_space<vmem>>, vector<16xi32>,
      %slice3A = vector.extract_strided_slice %get3A_73 {offsets = [0], sizes = [1], strides = [1]} : vector<16xi32> to vector<1xi32>
      %squeeze3A = vector.extract %slice3A[0] : i32 from vector<1xi32>
      %get3A_78 = arith.index_cast %squeeze3A : i32 to index
      %get3A_79 = memref.load %arg10[%get3A_78] : memref<246xi32, #tpu.memory_space<smem>>
      %add3A_80 = arith.constant 1 : i32
      %add3A_81 = arith.addi %get3A_79, %add3A_80 : i32
      %swap3A = arith.index_cast %squeeze3A : i32 to index
      %swap3A_82 = memref.load %arg10[%swap3A] : memref<246xi32, #tpu.memory_space<smem>>
      memref.store %add3A_81, %arg10[%swap3A] : memref<246xi32, #tpu.memory_space<smem>>
      %slice3A_83 = vector.extract_strided_slice %get3A_77 {offsets = [0], sizes = [1], strides = [1]} : vector<16xi32> to vector<1xi32>
      %squeeze3A_84 = vector.extract %slice3A_83[0] : i32 from vector<1xi32>
      %broadcast_in_dim3A_85 = vector.broadcast %get3A_79 : i32 to vector<16xi32>
      %broadcast_in_dim3A_86 = vector.broadcast %squeeze3A_84 : i32 to vector<16xi32>
      %eq3A = arith.constant 0 : i32
      %eq3A_87 = vector.broadcast %eq3A : i32 to vector<16xi32>
      %eq3A_88 = arith.cmpi eq, %iota3A, %eq3A_87 : vector<16xi32>
      tpu.vector_store_idx %arg8[%broadcast_in_dim3A_85], %broadcast_in_dim3A_86 masked %eq3A_88 : memref<16400xi32, #tpu.memory_space<vmem>>[vector<16xi32>], vector<16xi32>, vector<16xi1>
      %slice3A_89 = vector.extract_strided_slice %get3A_73 {offsets = [1], sizes = [1], strides = [1]} : vector<16xi32> to vector<1xi32>
      %squeeze3A_90 = vector.extract %slice3A_89[0] : i32 from vector<1xi32>
      %get3A_91 = arith.index_cast %squeeze3A_90 : i32 to index
      %get3A_92 = memref.load %arg10[%get3A_91] : memref<246xi32, #tpu.memory_space<smem>>
      %add3A_93 = arith.constant 1 : i32
      %add3A_94 = arith.addi %get3A_92, %add3A_93 : i32
      %swap3A_95 = arith.index_cast %squeeze3A_90 : i32 to index
      %swap3A_96 = memref.load %arg10[%swap3A_95] : memref<246xi32, #tpu.memory_space<smem>>
      memref.store %add3A_94, %arg10[%swap3A_95] : memref<246xi32, #tpu.memory_space<smem>>
      %slice3A_97 = vector.extract_strided_slice %get3A_77 {offsets = [1], sizes = [1], strides = [1]} : vector<16xi32> to vector<1xi32>
      %squeeze3A_98 = vector.extract %slice3A_97[0] : i32 from vector<1xi32>
      %broadcast_in_dim3A_99 = vector.broadcast %get3A_92 : i32 to vector<16xi32>
      %broadcast_in_dim3A_100 = vector.broadcast %squeeze3A_98 : i32 to vector<16xi32>
      %eq3A_101 = arith.constant 0 : i32
      %eq3A_102 = vector.broadcast %eq3A_101 : i32 to vector<16xi32>
      %eq3A_103 = arith.cmpi eq, %iota3A, %eq3A_102 : vector<16xi32>
      tpu.vector_store_idx %arg8[%broadcast_in_dim3A_99], %broadcast_in_dim3A_100 masked %eq3A_103 : memref<16400xi32, #tpu.memory_space<vmem>>[vector<16xi32>], vector<16xi32>, vector<16xi1>
      %slice3A_104 = vector.extract_strided_slice %get3A_73 {offsets = [2], sizes = [1], strides = [1]} : vector<16xi32> to vector<1xi32>
      %squeeze3A_105 = vector.extract %slice3A_104[0] : i32 from vector<1xi32>
      %get3A_106 = arith.index_cast %squeeze3A_105 : i32 to index
      %get3A_107 = memref.load %arg10[%get3A_106] : memref<246xi32, #tpu.memory_space<smem>>
      %add3A_108 = arith.constant 1 : i32
      %add3A_109 = arith.addi %get3A_107, %add3A_108 : i32
      %swap3A_110 = arith.index_cast %squeeze3A_105 : i32 to index
      %swap3A_111 = memref.load %arg10[%swap3A_110] : memref<246xi32, #tpu.memory_space<smem>>
      memref.store %add3A_109, %arg10[%swap3A_110] : memref<246xi32, #tpu.memory_space<smem>>
      %slice3A_112 = vector.extract_strided_slice %get3A_77 {offsets = [2], sizes = [1], strides = [1]} : vector<16xi32> to vector<1xi32>
      %squeeze3A_113 = vector.extract %slice3A_112[0] : i32 from vector<1xi32>
      %broadcast_in_dim3A_114 = vector.broadcast %get3A_107 : i32 to vector<16xi32>
      %broadcast_in_dim3A_115 = vector.broadcast %squeeze3A_113 : i32 to vector<16xi32>
      %eq3A_116 = arith.constant 0 : i32
      %eq3A_117 = vector.broadcast %eq3A_116 : i32 to vector<16xi32>
      %eq3A_118 = arith.cmpi eq, %iota3A, %eq3A_117 : vector<16xi32>
      tpu.vector_store_idx %arg8[%broadcast_in_dim3A_114], %broadcast_in_dim3A_115 masked %eq3A_118 : memref<16400xi32, #tpu.memory_space<vmem>>[vector<16xi32>], vector<16xi32>, vector<16xi1>
      %slice3A_119 = vector.extract_strided_slice %get3A_73 {offsets = [3], sizes = [1], strides = [1]} : vector<16xi32> to vector<1xi32>
      %squeeze3A_120 = vector.extract %slice3A_119[0] : i32 from vector<1xi32>
      %get3A_121 = arith.index_cast %squeeze3A_120 : i32 to index
      %get3A_122 = memref.load %arg10[%get3A_121] : memref<246xi32, #tpu.memory_space<smem>>
      %add3A_123 = arith.constant 1 : i32
      %add3A_124 = arith.addi %get3A_122, %add3A_123 : i32
      %swap3A_125 = arith.index_cast %squeeze3A_120 : i32 to index
      %swap3A_126 = memref.load %arg10[%swap3A_125] : memref<246xi32, #tpu.memory_space<smem>>
      memref.store %add3A_124, %arg10[%swap3A_125] : memref<246xi32, #tpu.memory_space<smem>>
      %slice3A_127 = vector.extract_strided_slice %get3A_77 {offsets = [3], sizes = [1], strides = [1]} : vector<16xi32> to vector<1xi32>
      %squeeze3A_128 = vector.extract %slice3A_127[0] : i32 from vector<1xi32>
      %broadcast_in_dim3A_129 = vector.broadcast %get3A_122 : i32 to vector<16xi32>
      %broadcast_in_dim3A_130 = vector.broadcast %squeeze3A_128 : i32 to vector<16xi32>
      %eq3A_131 = arith.constant 0 : i32
      %eq3A_132 = vector.broadcast %eq3A_131 : i32 to vector<16xi32>
      %eq3A_133 = arith.cmpi eq, %iota3A, %eq3A_132 : vector<16xi32>
      tpu.vector_store_idx %arg8[%broadcast_in_dim3A_129], %broadcast_in_dim3A_130 masked %eq3A_133 : memref<16400xi32, #tpu.memory_space<vmem>>[vector<16xi32>], vector<16xi32>, vector<16xi1>
      %slice3A_134 = vector.extract_strided_slice %get3A_73 {offsets = [4], sizes = [1], strides = [1]} : vector<16xi32> to vector<1xi32>
      %squeeze3A_135 = vector.extract %slice3A_134[0] : i32 from vector<1xi32>
      %get3A_136 = arith.index_cast %squeeze3A_135 : i32 to index
      %get3A_137 = memref.load %arg10[%get3A_136] : memref<246xi32, #tpu.memory_space<smem>>
      %add3A_138 = arith.constant 1 : i32
      %add3A_139 = arith.addi %get3A_137, %add3A_138 : i32
      %swap3A_140 = arith.index_cast %squeeze3A_135 : i32 to index
      %swap3A_141 = memref.load %arg10[%swap3A_140] : memref<246xi32, #tpu.memory_space<smem>>
      memref.store %add3A_139, %arg10[%swap3A_140] : memref<246xi32, #tpu.memory_space<smem>>
      %slice3A_142 = vector.extract_strided_slice %get3A_77 {offsets = [4], sizes = [1], strides = [1]} : vector<16xi32> to vector<1xi32>
      %squeeze3A_143 = vector.extract %slice3A_142[0] : i32 from vector<1xi32>
      %broadcast_in_dim3A_144 = vector.broadcast %get3A_137 : i32 to vector<16xi32>
      %broadcast_in_dim3A_145 = vector.broadcast %squeeze3A_143 : i32 to vector<16xi32>
      %eq3A_146 = arith.constant 0 : i32
      %eq3A_147 = vector.broadcast %eq3A_146 : i32 to vector<16xi32>
      %eq3A_148 = arith.cmpi eq, %iota3A, %eq3A_147 : vector<16xi32>
      tpu.vector_store_idx %arg8[%broadcast_in_dim3A_144], %broadcast_in_dim3A_145 masked %eq3A_148 : memref<16400xi32, #tpu.memory_space<vmem>>[vector<16xi32>], vector<16xi32>, vector<16xi1>
      %slice3A_149 = vector.extract_strided_slice %get3A_73 {offsets = [5], sizes = [1], strides = [1]} : vector<16xi32> to vector<1xi32>
      %squeeze3A_150 = vector.extract %slice3A_149[0] : i32 from vector<1xi32>
      %get3A_151 = arith.index_cast %squeeze3A_150 : i32 to index
      %get3A_152 = memref.load %arg10[%get3A_151] : memref<246xi32, #tpu.memory_space<smem>>
      %add3A_153 = arith.constant 1 : i32
      %add3A_154 = arith.addi %get3A_152, %add3A_153 : i32
      %swap3A_155 = arith.index_cast %squeeze3A_150 : i32 to index
      %swap3A_156 = memref.load %arg10[%swap3A_155] : memref<246xi32, #tpu.memory_space<smem>>
      memref.store %add3A_154, %arg10[%swap3A_155] : memref<246xi32, #tpu.memory_space<smem>>
      %slice3A_157 = vector.extract_strided_slice %get3A_77 {offsets = [5], sizes = [1], strides = [1]} : vector<16xi32> to vector<1xi32>
      %squeeze3A_158 = vector.extract %slice3A_157[0] : i32 from vector<1xi32>
      %broadcast_in_dim3A_159 = vector.broadcast %get3A_152 : i32 to vector<16xi32>
      %broadcast_in_dim3A_160 = vector.broadcast %squeeze3A_158 : i32 to vector<16xi32>
      %eq3A_161 = arith.constant 0 : i32
      %eq3A_162 = vector.broadcast %eq3A_161 : i32 to vector<16xi32>
      %eq3A_163 = arith.cmpi eq, %iota3A, %eq3A_162 : vector<16xi32>
      tpu.vector_store_idx %arg8[%broadcast_in_dim3A_159], %broadcast_in_dim3A_160 masked %eq3A_163 : memref<16400xi32, #tpu.memory_space<vmem>>[vector<16xi32>], vector<16xi32>, vector<16xi1>
      %slice3A_164 = vector.extract_strided_slice %get3A_73 {offsets = [6], sizes = [1], strides = [1]} : vector<16xi32> to vector<1xi32>
      %squeeze3A_165 = vector.extract %slice3A_164[0] : i32 from vector<1xi32>
      %get3A_166 = arith.index_cast %squeeze3A_165 : i32 to index
      %get3A_167 = memref.load %arg10[%get3A_166] : memref<246xi32, #tpu.memory_space<smem>>
      %add3A_168 = arith.constant 1 : i32
      %add3A_169 = arith.addi %get3A_167, %add3A_168 : i32
      %swap3A_170 = arith.index_cast %squeeze3A_165 : i32 to index
      %swap3A_171 = memref.load %arg10[%swap3A_170] : memref<246xi32, #tpu.memory_space<smem>>
      memref.store %add3A_169, %arg10[%swap3A_170] : memref<246xi32, #tpu.memory_space<smem>>
      %slice3A_172 = vector.extract_strided_slice %get3A_77 {offsets = [6], sizes = [1], strides = [1]} : vector<16xi32> to vector<1xi32>
      %squeeze3A_173 = vector.extract %slice3A_172[0] : i32 from vector<1xi32>
      %broadcast_in_dim3A_174 = vector.broadcast %get3A_167 : i32 to vector<16xi32>
      %broadcast_in_dim3A_175 = vector.broadcast %squeeze3A_173 : i32 to vector<16xi32>
      %eq3A_176 = arith.constant 0 : i32
      %eq3A_177 = vector.broadcast %eq3A_176 : i32 to vector<16xi32>
      %eq3A_178 = arith.cmpi eq, %iota3A, %eq3A_177 : vector<16xi32>
      tpu.vector_store_idx %arg8[%broadcast_in_dim3A_174], %broadcast_in_dim3A_175 masked %eq3A_178 : memref<16400xi32, #tpu.memory_space<vmem>>[vector<16xi32>], vector<16xi32>, vector<16xi1>
      %slice3A_179 = vector.extract_strided_slice %get3A_73 {offsets = [7], sizes = [1], strides = [1]} : vector<16xi32> to vector<1xi32>
      %squeeze3A_180 = vector.extract %slice3A_179[0] : i32 from vector<1xi32>
      %get3A_181 = arith.index_cast %squeeze3A_180 : i32 to index
      %get3A_182 = memref.load %arg10[%get3A_181] : memref<246xi32, #tpu.memory_space<smem>>
      %add3A_183 = arith.constant 1 : i32
      %add3A_184 = arith.addi %get3A_182, %add3A_183 : i32
      %swap3A_185 = arith.index_cast %squeeze3A_180 : i32 to index
      %swap3A_186 = memref.load %arg10[%swap3A_185] : memref<246xi32, #tpu.memory_space<smem>>
      memref.store %add3A_184, %arg10[%swap3A_185] : memref<246xi32, #tpu.memory_space<smem>>
      %slice3A_187 = vector.extract_strided_slice %get3A_77 {offsets = [7], sizes = [1], strides = [1]} : vector<16xi32> to vector<1xi32>
      %squeeze3A_188 = vector.extract %slice3A_187[0] : i32 from vector<1xi32>
      %broadcast_in_dim3A_189 = vector.broadcast %get3A_182 : i32 to vector<16xi32>
      %broadcast_in_dim3A_190 = vector.broadcast %squeeze3A_188 : i32 to vector<16xi32>
      %eq3A_191 = arith.constant 0 : i32
      %eq3A_192 = vector.broadcast %eq3A_191 : i32 to vector<16xi32>
      %eq3A_193 = arith.cmpi eq, %iota3A, %eq3A_192 : vector<16xi32>
      tpu.vector_store_idx %arg8[%broadcast_in_dim3A_189], %broadcast_in_dim3A_190 masked %eq3A_193 : memref<16400xi32, #tpu.memory_space<vmem>>[vector<16xi32>], vector<16xi32>, vector<16xi1>
      %slice3A_194 = vector.extract_strided_slice %get3A_73 {offsets = [8], sizes = [1], strides = [1]} : vector<16xi32> to vector<1xi32>
      %squeeze3A_195 = vector.extract %slice3A_194[0] : i32 from vector<1xi32>
      %get3A_196 = arith.index_cast %squeeze3A_195 : i32 to index
      %get3A_197 = memref.load %arg10[%get3A_196] : memref<246xi32, #tpu.memory_space<smem>>
      %add3A_198 = arith.constant 1 : i32
      %add3A_199 = arith.addi %get3A_197, %add3A_198 : i32
      %swap3A_200 = arith.index_cast %squeeze3A_195 : i32 to index
      %swap3A_201 = memref.load %arg10[%swap3A_200] : memref<246xi32, #tpu.memory_space<smem>>
      memref.store %add3A_199, %arg10[%swap3A_200] : memref<246xi32, #tpu.memory_space<smem>>
      %slice3A_202 = vector.extract_strided_slice %get3A_77 {offsets = [8], sizes = [1], strides = [1]} : vector<16xi32> to vector<1xi32>
      %squeeze3A_203 = vector.extract %slice3A_202[0] : i32 from vector<1xi32>
      %broadcast_in_dim3A_204 = vector.broadcast %get3A_197 : i32 to vector<16xi32>
      %broadcast_in_dim3A_205 = vector.broadcast %squeeze3A_203 : i32 to vector<16xi32>
      %eq3A_206 = arith.constant 0 : i32
      %eq3A_207 = vector.broadcast %eq3A_206 : i32 to vector<16xi32>
      %eq3A_208 = arith.cmpi eq, %iota3A, %eq3A_207 : vector<16xi32>
      tpu.vector_store_idx %arg8[%broadcast_in_dim3A_204], %broadcast_in_dim3A_205 masked %eq3A_208 : memref<16400xi32, #tpu.memory_space<vmem>>[vector<16xi32>], vector<16xi32>, vector<16xi1>
      %slice3A_209 = vector.extract_strided_slice %get3A_73 {offsets = [9], sizes = [1], strides = [1]} : vector<16xi32> to vector<1xi32>
      %squeeze3A_210 = vector.extract %slice3A_209[0] : i32 from vector<1xi32>
      %get3A_211 = arith.index_cast %squeeze3A_210 : i32 to index
      %get3A_212 = memref.load %arg10[%get3A_211] : memref<246xi32, #tpu.memory_space<smem>>
      %add3A_213 = arith.constant 1 : i32
      %add3A_214 = arith.addi %get3A_212, %add3A_213 : i32
      %swap3A_215 = arith.index_cast %squeeze3A_210 : i32 to index
      %swap3A_216 = memref.load %arg10[%swap3A_215] : memref<246xi32, #tpu.memory_space<smem>>
      memref.store %add3A_214, %arg10[%swap3A_215] : memref<246xi32, #tpu.memory_space<smem>>
      %slice3A_217 = vector.extract_strided_slice %get3A_77 {offsets = [9], sizes = [1], strides = [1]} : vector<16xi32> to vector<1xi32>
      %squeeze3A_218 = vector.extract %slice3A_217[0] : i32 from vector<1xi32>
      %broadcast_in_dim3A_219 = vector.broadcast %get3A_212 : i32 to vector<16xi32>
      %broadcast_in_dim3A_220 = vector.broadcast %squeeze3A_218 : i32 to vector<16xi32>
      %eq3A_221 = arith.constant 0 : i32
      %eq3A_222 = vector.broadcast %eq3A_221 : i32 to vector<16xi32>
      %eq3A_223 = arith.cmpi eq, %iota3A, %eq3A_222 : vector<16xi32>
      tpu.vector_store_idx %arg8[%broadcast_in_dim3A_219], %broadcast_in_dim3A_220 masked %eq3A_223 : memref<16400xi32, #tpu.memory_space<vmem>>[vector<16xi32>], vector<16xi32>, vector<16xi1>
      %slice3A_224 = vector.extract_strided_slice %get3A_73 {offsets = [10], sizes = [1], strides = [1]} : vector<16xi32> to vector<1xi32>
      %squeeze3A_225 = vector.extract %slice3A_224[0] : i32 from vector<1xi32>
      %get3A_226 = arith.index_cast %squeeze3A_225 : i32 to index
      %get3A_227 = memref.load %arg10[%get3A_226] : memref<246xi32, #tpu.memory_space<smem>>
      %add3A_228 = arith.constant 1 : i32
      %add3A_229 = arith.addi %get3A_227, %add3A_228 : i32
      %swap3A_230 = arith.index_cast %squeeze3A_225 : i32 to index
      %swap3A_231 = memref.load %arg10[%swap3A_230] : memref<246xi32, #tpu.memory_space<smem>>
      memref.store %add3A_229, %arg10[%swap3A_230] : memref<246xi32, #tpu.memory_space<smem>>
      %slice3A_232 = vector.extract_strided_slice %get3A_77 {offsets = [10], sizes = [1], strides = [1]} : vector<16xi32> to vector<1xi32>
      %squeeze3A_233 = vector.extract %slice3A_232[0] : i32 from vector<1xi32>
      %broadcast_in_dim3A_234 = vector.broadcast %get3A_227 : i32 to vector<16xi32>
      %broadcast_in_dim3A_235 = vector.broadcast %squeeze3A_233 : i32 to vector<16xi32>
      %eq3A_236 = arith.constant 0 : i32
      %eq3A_237 = vector.broadcast %eq3A_236 : i32 to vector<16xi32>
      %eq3A_238 = arith.cmpi eq, %iota3A, %eq3A_237 : vector<16xi32>
      tpu.vector_store_idx %arg8[%broadcast_in_dim3A_234], %broadcast_in_dim3A_235 masked %eq3A_238 : memref<16400xi32, #tpu.memory_space<vmem>>[vector<16xi32>], vector<16xi32>, vector<16xi1>
      %slice3A_239 = vector.extract_strided_slice %get3A_73 {offsets = [11], sizes = [1], strides = [1]} : vector<16xi32> to vector<1xi32>
      %squeeze3A_240 = vector.extract %slice3A_239[0] : i32 from vector<1xi32>
      %get3A_241 = arith.index_cast %squeeze3A_240 : i32 to index
      %get3A_242 = memref.load %arg10[%get3A_241] : memref<246xi32, #tpu.memory_space<smem>>
      %add3A_243 = arith.constant 1 : i32
      %add3A_244 = arith.addi %get3A_242, %add3A_243 : i32
      %swap3A_245 = arith.index_cast %squeeze3A_240 : i32 to index
      %swap3A_246 = memref.load %arg10[%swap3A_245] : memref<246xi32, #tpu.memory_space<smem>>
      memref.store %add3A_244, %arg10[%swap3A_245] : memref<246xi32, #tpu.memory_space<smem>>
      %slice3A_247 = vector.extract_strided_slice %get3A_77 {offsets = [11], sizes = [1], strides = [1]} : vector<16xi32> to vector<1xi32>
      %squeeze3A_248 = vector.extract %slice3A_247[0] : i32 from vector<1xi32>
      %broadcast_in_dim3A_249 = vector.broadcast %get3A_242 : i32 to vector<16xi32>
      %broadcast_in_dim3A_250 = vector.broadcast %squeeze3A_248 : i32 to vector<16xi32>
      %eq3A_251 = arith.constant 0 : i32
      %eq3A_252 = vector.broadcast %eq3A_251 : i32 to vector<16xi32>
      %eq3A_253 = arith.cmpi eq, %iota3A, %eq3A_252 : vector<16xi32>
      tpu.vector_store_idx %arg8[%broadcast_in_dim3A_249], %broadcast_in_dim3A_250 masked %eq3A_253 : memref<16400xi32, #tpu.memory_space<vmem>>[vector<16xi32>], vector<16xi32>, vector<16xi1>
      %slice3A_254 = vector.extract_strided_slice %get3A_73 {offsets = [12], sizes = [1], strides = [1]} : vector<16xi32> to vector<1xi32>
      %squeeze3A_255 = vector.extract %slice3A_254[0] : i32 from vector<1xi32>
      %get3A_256 = arith.index_cast %squeeze3A_255 : i32 to index
      %get3A_257 = memref.load %arg10[%get3A_256] : memref<246xi32, #tpu.memory_space<smem>>
      %add3A_258 = arith.constant 1 : i32
      %add3A_259 = arith.addi %get3A_257, %add3A_258 : i32
      %swap3A_260 = arith.index_cast %squeeze3A_255 : i32 to index
      %swap3A_261 = memref.load %arg10[%swap3A_260] : memref<246xi32, #tpu.memory_space<smem>>
      memref.store %add3A_259, %arg10[%swap3A_260] : memref<246xi32, #tpu.memory_space<smem>>
      %slice3A_262 = vector.extract_strided_slice %get3A_77 {offsets = [12], sizes = [1], strides = [1]} : vector<16xi32> to vector<1xi32>
      %squeeze3A_263 = vector.extract %slice3A_262[0] : i32 from vector<1xi32>
      %broadcast_in_dim3A_264 = vector.broadcast %get3A_257 : i32 to vector<16xi32>
      %broadcast_in_dim3A_265 = vector.broadcast %squeeze3A_263 : i32 to vector<16xi32>
      %eq3A_266 = arith.constant 0 : i32
      %eq3A_267 = vector.broadcast %eq3A_266 : i32 to vector<16xi32>
      %eq3A_268 = arith.cmpi eq, %iota3A, %eq3A_267 : vector<16xi32>
      tpu.vector_store_idx %arg8[%broadcast_in_dim3A_264], %broadcast_in_dim3A_265 masked %eq3A_268 : memref<16400xi32, #tpu.memory_space<vmem>>[vector<16xi32>], vector<16xi32>, vector<16xi1>
      %slice3A_269 = vector.extract_strided_slice %get3A_73 {offsets = [13], sizes = [1], strides = [1]} : vector<16xi32> to vector<1xi32>
      %squeeze3A_270 = vector.extract %slice3A_269[0] : i32 from vector<1xi32>
      %get3A_271 = arith.index_cast %squeeze3A_270 : i32 to index
      %get3A_272 = memref.load %arg10[%get3A_271] : memref<246xi32, #tpu.memory_space<smem>>
      %add3A_273 = arith.constant 1 : i32
      %add3A_274 = arith.addi %get3A_272, %add3A_273 : i32
      %swap3A_275 = arith.index_cast %squeeze3A_270 : i32 to index
      %swap3A_276 = memref.load %arg10[%swap3A_275] : memref<246xi32, #tpu.memory_space<smem>>
      memref.store %add3A_274, %arg10[%swap3A_275] : memref<246xi32, #tpu.memory_space<smem>>
      %slice3A_277 = vector.extract_strided_slice %get3A_77 {offsets = [13], sizes = [1], strides = [1]} : vector<16xi32> to vector<1xi32>
      %squeeze3A_278 = vector.extract %slice3A_277[0] : i32 from vector<1xi32>
      %broadcast_in_dim3A_279 = vector.broadcast %get3A_272 : i32 to vector<16xi32>
      %broadcast_in_dim3A_280 = vector.broadcast %squeeze3A_278 : i32 to vector<16xi32>
      %eq3A_281 = arith.constant 0 : i32
      %eq3A_282 = vector.broadcast %eq3A_281 : i32 to vector<16xi32>
      %eq3A_283 = arith.cmpi eq, %iota3A, %eq3A_282 : vector<16xi32>
      tpu.vector_store_idx %arg8[%broadcast_in_dim3A_279], %broadcast_in_dim3A_280 masked %eq3A_283 : memref<16400xi32, #tpu.memory_space<vmem>>[vector<16xi32>], vector<16xi32>, vector<16xi1>
      %slice3A_284 = vector.extract_strided_slice %get3A_73 {offsets = [14], sizes = [1], strides = [1]} : vector<16xi32> to vector<1xi32>
      %squeeze3A_285 = vector.extract %slice3A_284[0] : i32 from vector<1xi32>
      %get3A_286 = arith.index_cast %squeeze3A_285 : i32 to index
      %get3A_287 = memref.load %arg10[%get3A_286] : memref<246xi32, #tpu.memory_space<smem>>
      %add3A_288 = arith.constant 1 : i32
      %add3A_289 = arith.addi %get3A_287, %add3A_288 : i32
      %swap3A_290 = arith.index_cast %squeeze3A_285 : i32 to index
      %swap3A_291 = memref.load %arg10[%swap3A_290] : memref<246xi32, #tpu.memory_space<smem>>
      memref.store %add3A_289, %arg10[%swap3A_290] : memref<246xi32, #tpu.memory_space<smem>>
      %slice3A_292 = vector.extract_strided_slice %get3A_77 {offsets = [14], sizes = [1], strides = [1]} : vector<16xi32> to vector<1xi32>
      %squeeze3A_293 = vector.extract %slice3A_292[0] : i32 from vector<1xi32>
      %broadcast_in_dim3A_294 = vector.broadcast %get3A_287 : i32 to vector<16xi32>
      %broadcast_in_dim3A_295 = vector.broadcast %squeeze3A_293 : i32 to vector<16xi32>
      %eq3A_296 = arith.constant 0 : i32
      %eq3A_297 = vector.broadcast %eq3A_296 : i32 to vector<16xi32>
      %eq3A_298 = arith.cmpi eq, %iota3A, %eq3A_297 : vector<16xi32>
      tpu.vector_store_idx %arg8[%broadcast_in_dim3A_294], %broadcast_in_dim3A_295 masked %eq3A_298 : memref<16400xi32, #tpu.memory_space<vmem>>[vector<16xi32>], vector<16xi32>, vector<16xi1>
      %slice3A_299 = vector.extract_strided_slice %get3A_73 {offsets = [15], sizes = [1], strides = [1]} : vector<16xi32> to vector<1xi32>
      %squeeze3A_300 = vector.extract %slice3A_299[0] : i32 from vector<1xi32>
      %get3A_301 = arith.index_cast %squeeze3A_300 : i32 to index
      %get3A_302 = memref.load %arg10[%get3A_301] : memref<246xi32, #tpu.memory_space<smem>>
      %add3A_303 = arith.constant 1 : i32
      %add3A_304 = arith.addi %get3A_302, %add3A_303 : i32
      %swap3A_305 = arith.index_cast %squeeze3A_300 : i32 to index
      %swap3A_306 = memref.load %arg10[%swap3A_305] : memref<246xi32, #tpu.memory_space<smem>>
      memref.store %add3A_304, %arg10[%swap3A_305] : memref<246xi32, #tpu.memory_space<smem>>
      %slice3A_307 = vector.extract_strided_slice %get3A_77 {offsets = [15], sizes = [1], strides = [1]} : vector<16xi32> to vector<1xi32>
      %squeeze3A_308 = vector.extract %slice3A_307[0] : i32 from vector<1xi32>
      %broadcast_in_dim3A_309 = vector.broadcast %get3A_302 : i32 to vector<16xi32>
      %broadcast_in_dim3A_310 = vector.broadcast %squeeze3A_308 : i32 to vector<16xi32>
      %eq3A_311 = arith.constant 0 : i32
      %eq3A_312 = vector.broadcast %eq3A_311 : i32 to vector<16xi32>
      %eq3A_313 = arith.cmpi eq, %iota3A, %eq3A_312 : vector<16xi32>
      tpu.vector_store_idx %arg8[%broadcast_in_dim3A_309], %broadcast_in_dim3A_310 masked %eq3A_313 : memref<16400xi32, #tpu.memory_space<vmem>>[vector<16xi32>], vector<16xi32>, vector<16xi1>
    }
    %scan3A_49 = arith.constant 0 : i32
    %scan3A_50 = arith.constant 0 : i32
    %scan3A_51 = arith.constant 6 : i32
    %scan3A_52 = arith.addi %scan3A_50, %scan3A_51 : i32
    %scan3A_53 = arith.constant 1 : i32
    scf.for %scan3A_70 = %scan3A_50 to %scan3A_52 step %scan3A_53  : i32 {
      %lt3A = arith.cmpi slt, %scan3A_70, %scan3A_37#1 : i32
      %convert_element_type3A_71 = arith.extui %lt3A : i1 to i32
      %cond3A_72 = arith.constant 0 : i32
      %cond3A_73 = arith.cmpi ne, %convert_element_type3A_71, %cond3A_72 : i32
      scf.if %cond3A_73 {
        %get3A = arith.index_cast %scan3A_70 : i32 to index
        %get3A_74 = memref.load %arg11[%get3A] : memref<246xi32, #tpu.memory_space<smem>>
        %add3A_75 = arith.addi %mul3A_2, %get3A_74 : i32
        %mul3A_76 = arith.constant 128 : i32
        %mul3A_77 = arith.muli %add3A_75, %mul3A_76 : i32
        %multiple_of3A = tpu.assume_multiple %mul3A_77, 128 : i32
        %rem3A = arith.constant 7 : i32
        %rem3A_78 = arith.remsi %scan3A_70, %rem3A : i32
        %rem3A_79 = arith.constant 7 : i32
        %rem3A_80 = arith.remsi %scan3A_70, %rem3A_79 : i32
        %dma_start3A = arith.constant 0 : i32
        %dma_start3A_81 = arith.constant 0 : i32
        %dma_start3A_82 = tpu.memref_slice %arg12[%rem3A_78, %dma_start3A, %dma_start3A_81] : memref<7x64x128xf32, #tpu.memory_space<vmem>> -> memref<1x64x128xf32, #tpu.memory_space<vmem>>
        %dma_start3A_83 = tpu.memref_squeeze %dma_start3A_82 : memref<1x64x128xf32, #tpu.memory_space<vmem>> -> memref<64x128xf32, #tpu.memory_space<vmem>>
        %dma_start3A_84 = arith.constant 0 : i32
        %dma_start3A_85 = tpu.memref_slice %arg3[%dma_start3A_84, %multiple_of3A] : memref<64x1000000xf32, #tpu.memory_space<hbm>> -> memref<64x128xf32, #tpu.memory_space<hbm>>
        %dma_start3A_86 = tpu.memref_slice %arg15[%rem3A_80] : memref<7x!tpu.dma_semaphore, #tpu.memory_space<semaphore_mem>> -> memref<1x!tpu.dma_semaphore, #tpu.memory_space<semaphore_mem>>
        %dma_start3A_87 = tpu.memref_squeeze %dma_start3A_86 : memref<1x!tpu.dma_semaphore, #tpu.memory_space<semaphore_mem>> -> memref<!tpu.dma_semaphore, #tpu.memory_space<semaphore_mem>>
        %dma_start3A_88 = arith.constant 0 : i32
        %dma_start3A_89 = arith.constant 0 : i32
        %dma_start3A_90 = tpu.memref_slice %arg12[%rem3A_78, %dma_start3A_88, %dma_start3A_89] : memref<7x64x128xf32, #tpu.memory_space<vmem>> -> memref<1x64x128xf32, #tpu.memory_space<vmem>>
        %dma_start3A_91 = tpu.memref_squeeze %dma_start3A_90 : memref<1x64x128xf32, #tpu.memory_space<vmem>> -> memref<64x128xf32, #tpu.memory_space<vmem>>
        %dma_start3A_92 = arith.constant 0 : i32
        %dma_start3A_93 = tpu.memref_slice %arg3[%dma_start3A_92, %multiple_of3A] : memref<64x1000000xf32, #tpu.memory_space<hbm>> -> memref<64x128xf32, #tpu.memory_space<hbm>>
        tpu.enqueue_dma source(%dma_start3A_93 : memref<64x128xf32, #tpu.memory_space<hbm>>) target(%dma_start3A_91 : memref<64x128xf32, #tpu.memory_space<vmem>>) target_semaphore(%dma_start3A_87 : memref<!tpu.dma_semaphore, #tpu.memory_space<semaphore_mem>>)
      } else {
      }
    }
    %scan3A_54 = arith.constant 6 : i32
    %while3A_55 = arith.constant 0 : i32
    %while3A_56 = arith.constant 0 : i32
    %while3A_57 = arith.constant 0 : i32
    %while3A_58 = arith.subi %scan3A_37#1, %while3A_55 : i32
    %while3A_59 = arith.addi %while3A_55, %while3A_58 : i32
    %while3A_60 = arith.constant 1 : i32
    %while3A_61 = arith.divsi %while3A_58, %while3A_60 : i32
    %while3A_62 = arith.muli %while3A_61, %while3A_60 : i32
    %while3A_63 = arith.addi %while3A_55, %while3A_62 : i32
    %while3A_64 = arith.constant 1 : i32
    %while3A_65:2 = scf.for %while3A_70 = %while3A_55 to %while3A_63 step %while3A_64 iter_args(%while3A_71 = %while3A_56, %while3A_72 = %while3A_57) -> (i32, i32)  : i32 {
      %rem3A = arith.constant 7 : i32
      %rem3A_73 = arith.remsi %while3A_70, %rem3A : i32
      %get3A = arith.index_cast %while3A_70 : i32 to index
      %get3A_74 = memref.load %arg11[%get3A] : memref<246xi32, #tpu.memory_space<smem>>
      %multiple_of3A = arith.constant 0 : i32
      %multiple_of3A_75 = tpu.assume_multiple %multiple_of3A, 128 : i32
      %dma_wait3A = arith.constant 0 : i32
      %dma_wait3A_76 = arith.constant 0 : i32
      %dma_wait3A_77 = tpu.memref_slice %arg12[%rem3A_73, %dma_wait3A, %dma_wait3A_76] : memref<7x64x128xf32, #tpu.memory_space<vmem>> -> memref<1x64x128xf32, #tpu.memory_space<vmem>>
      %dma_wait3A_78 = tpu.memref_squeeze %dma_wait3A_77 : memref<1x64x128xf32, #tpu.memory_space<vmem>> -> memref<64x128xf32, #tpu.memory_space<vmem>>
      %dma_wait3A_79 = arith.constant 0 : i32
      %dma_wait3A_80 = tpu.memref_slice %arg3[%dma_wait3A_79, %multiple_of3A_75] : memref<64x1000000xf32, #tpu.memory_space<hbm>> -> memref<64x128xf32, #tpu.memory_space<hbm>>
      %dma_wait3A_81 = tpu.memref_slice %arg15[%rem3A_73] : memref<7x!tpu.dma_semaphore, #tpu.memory_space<semaphore_mem>> -> memref<1x!tpu.dma_semaphore, #tpu.memory_space<semaphore_mem>>
      %dma_wait3A_82 = tpu.memref_squeeze %dma_wait3A_81 : memref<1x!tpu.dma_semaphore, #tpu.memory_space<semaphore_mem>> -> memref<!tpu.dma_semaphore, #tpu.memory_space<semaphore_mem>>
      %dma_wait3A_83 = arith.constant 0 : i32
      %dma_wait3A_84 = arith.constant 0 : i32
      %dma_wait3A_85 = tpu.memref_slice %arg12[%rem3A_73, %dma_wait3A_83, %dma_wait3A_84] : memref<7x64x128xf32, #tpu.memory_space<vmem>> -> memref<1x64x128xf32, #tpu.memory_space<vmem>>
      %dma_wait3A_86 = tpu.memref_squeeze %dma_wait3A_85 : memref<1x64x128xf32, #tpu.memory_space<vmem>> -> memref<64x128xf32, #tpu.memory_space<vmem>>
      %dma_wait3A_87 = arith.constant 0 : i32
      %dma_wait3A_88 = tpu.memref_slice %arg3[%dma_wait3A_87, %multiple_of3A_75] : memref<64x1000000xf32, #tpu.memory_space<hbm>> -> memref<64x128xf32, #tpu.memory_space<hbm>>
      tpu.wait_dma2 semaphore(%dma_wait3A_82 : memref<!tpu.dma_semaphore, #tpu.memory_space<semaphore_mem>>) src(%dma_wait3A_88 : memref<64x128xf32, #tpu.memory_space<hbm>>) dst(%dma_wait3A_86 : memref<64x128xf32, #tpu.memory_space<vmem>>)
      %add3A_89 = arith.constant 7 : i32
      %add3A_90 = arith.addi %while3A_70, %add3A_89 : i32
      %sub3A_91 = arith.constant 1 : i32
      %sub3A_92 = arith.subi %add3A_90, %sub3A_91 : i32
      %lt3A = arith.cmpi slt, %sub3A_92, %scan3A_37#1 : i32
      %convert_element_type3A_93 = arith.extui %lt3A : i1 to i32
      %cond3A_94 = arith.constant 0 : i32
      %cond3A_95 = arith.cmpi ne, %convert_element_type3A_93, %cond3A_94 : i32
      scf.if %cond3A_95 {
        %add3A_114 = arith.constant 7 : i32
        %add3A_115 = arith.addi %while3A_70, %add3A_114 : i32
        %sub3A_116 = arith.constant 1 : i32
        %sub3A_117 = arith.subi %add3A_115, %sub3A_116 : i32
        %get3A_118 = arith.index_cast %sub3A_117 : i32 to index
        %get3A_119 = memref.load %arg11[%get3A_118] : memref<246xi32, #tpu.memory_space<smem>>
        %add3A_120 = arith.addi %mul3A_2, %get3A_119 : i32
        %mul3A_121 = arith.constant 128 : i32
        %mul3A_122 = arith.muli %add3A_120, %mul3A_121 : i32
        %multiple_of3A_123 = tpu.assume_multiple %mul3A_122, 128 : i32
        %rem3A_124 = arith.constant 7 : i32
        %rem3A_125 = arith.remsi %sub3A_117, %rem3A_124 : i32
        %rem3A_126 = arith.constant 7 : i32
        %rem3A_127 = arith.remsi %sub3A_117, %rem3A_126 : i32
        %dma_start3A = arith.constant 0 : i32
        %dma_start3A_128 = arith.constant 0 : i32
        %dma_start3A_129 = tpu.memref_slice %arg12[%rem3A_125, %dma_start3A, %dma_start3A_128] : memref<7x64x128xf32, #tpu.memory_space<vmem>> -> memref<1x64x128xf32, #tpu.memory_space<vmem>>
        %dma_start3A_130 = tpu.memref_squeeze %dma_start3A_129 : memref<1x64x128xf32, #tpu.memory_space<vmem>> -> memref<64x128xf32, #tpu.memory_space<vmem>>
        %dma_start3A_131 = arith.constant 0 : i32
        %dma_start3A_132 = tpu.memref_slice %arg3[%dma_start3A_131, %multiple_of3A_123] : memref<64x1000000xf32, #tpu.memory_space<hbm>> -> memref<64x128xf32, #tpu.memory_space<hbm>>
        %dma_start3A_133 = tpu.memref_slice %arg15[%rem3A_127] : memref<7x!tpu.dma_semaphore, #tpu.memory_space<semaphore_mem>> -> memref<1x!tpu.dma_semaphore, #tpu.memory_space<semaphore_mem>>
        %dma_start3A_134 = tpu.memref_squeeze %dma_start3A_133 : memref<1x!tpu.dma_semaphore, #tpu.memory_space<semaphore_mem>> -> memref<!tpu.dma_semaphore, #tpu.memory_space<semaphore_mem>>
        %dma_start3A_135 = arith.constant 0 : i32
        %dma_start3A_136 = arith.constant 0 : i32
        %dma_start3A_137 = tpu.memref_slice %arg12[%rem3A_125, %dma_start3A_135, %dma_start3A_136] : memref<7x64x128xf32, #tpu.memory_space<vmem>> -> memref<1x64x128xf32, #tpu.memory_space<vmem>>
        %dma_start3A_138 = tpu.memref_squeeze %dma_start3A_137 : memref<1x64x128xf32, #tpu.memory_space<vmem>> -> memref<64x128xf32, #tpu.memory_space<vmem>>
        %dma_start3A_139 = arith.constant 0 : i32
        %dma_start3A_140 = tpu.memref_slice %arg3[%dma_start3A_139, %multiple_of3A_123] : memref<64x1000000xf32, #tpu.memory_space<hbm>> -> memref<64x128xf32, #tpu.memory_space<hbm>>
        tpu.enqueue_dma source(%dma_start3A_140 : memref<64x128xf32, #tpu.memory_space<hbm>>) target(%dma_start3A_138 : memref<64x128xf32, #tpu.memory_space<vmem>>) target_semaphore(%dma_start3A_134 : memref<!tpu.dma_semaphore, #tpu.memory_space<semaphore_mem>>)
      } else {
      }
      %eq3A = arith.constant 0 : i32
      %eq3A_96 = arith.cmpi eq, %get3A_74, %eq3A : i32
      %sub3A_97 = arith.constant 1 : i32
      %sub3A_98 = arith.subi %get3A_74, %sub3A_97 : i32
      %max3A = arith.constant 0 : i32
      %max3A_99 = arith.maxsi %sub3A_98, %max3A : i32
      %get3A_100 = arith.index_cast %max3A_99 : i32 to index
      %get3A_101 = memref.load %arg10[%get3A_100] : memref<246xi32, #tpu.memory_space<smem>>
      %jit3A = arith.constant 0 : i32
      %select_n3A = arith.select %eq3A_96, %jit3A, %get3A_101 : i32
      %get3A_102 = arith.index_cast %get3A_74 : i32 to index
      %get3A_103 = memref.load %arg10[%get3A_102] : memref<246xi32, #tpu.memory_space<smem>>
      %while3A_104 = arith.subi %get3A_103, %select_n3A : i32
      %while3A_105 = arith.addi %select_n3A, %while3A_104 : i32
      %while3A_106 = arith.constant 1 : i32
      %while3A_107 = arith.divsi %while3A_104, %while3A_106 : i32
      %while3A_108 = arith.muli %while3A_107, %while3A_106 : i32
      %while3A_109 = arith.addi %select_n3A, %while3A_108 : i32
      %while3A_110 = arith.constant 1 : i32
      %while3A_111:2 = scf.for %while3A_114 = %select_n3A to %while3A_109 step %while3A_110 iter_args(%while3A_115 = %while3A_71, %while3A_116 = %while3A_72) -> (i32, i32)  : i32 {
        %get3A_117 = arith.index_cast %while3A_114 : i32 to index
        %get3A_118 = tpu.vector_load %arg8[%get3A_117] {strides = array<i32>} : memref<16400xi32, #tpu.memory_space<vmem>>, vector<16xi32>,
        %slice3A = vector.extract_strided_slice %get3A_118 {offsets = [0], sizes = [1], strides = [1]} : vector<16xi32> to vector<1xi32>
        %squeeze3A = vector.extract %slice3A[0] : i32 from vector<1xi32>
        %shift_right_logical3A_119 = arith.constant 7 : i32
        %shift_right_logical3A_120 = arith.shrui %squeeze3A, %shift_right_logical3A_119 : i32
        %and3A = arith.constant 127 : i32
        %and3A_121 = arith.andi %squeeze3A, %and3A : i32
        %add3A_122 = arith.constant 0 : i32
        %add3A_123 = vector.broadcast %add3A_122 : i32 to vector<16xi32>
        %add3A_124 = arith.addi %iota3A, %add3A_123 : vector<16xi32>
        %broadcast_in_dim3A_125 = vector.broadcast %and3A_121 : i32 to vector<16xi32>
        %gather3A = arith.constant 0 : i32
        %gather3A_126 = arith.constant 0 : i32
        %gather3A_127 = tpu.memref_slice %arg12[%rem3A_73, %gather3A, %gather3A_126] : memref<7x64x128xf32, #tpu.memory_space<vmem>> -> memref<1x64x128xf32, #tpu.memory_space<vmem>>
        %gather3A_128 = tpu.memref_squeeze %gather3A_127 : memref<1x64x128xf32, #tpu.memory_space<vmem>> -> memref<64x128xf32, #tpu.memory_space<vmem>>
        %gather3A_129 = tpu.vector_load_idx %gather3A_128[%add3A_124, %broadcast_in_dim3A_125] : memref<64x128xf32, #tpu.memory_space<vmem>>[vector<16xi32>, vector<16xi32>], vector<16xf32>,
        %swap3A = arith.index_cast %while3A_115 : i32 to index
        %swap3A_130 = arith.constant 0 : index
        %swap3A_131 = tpu.vector_load %arg13[%swap3A, %swap3A_130] {strides = array<i32>} : memref<16x128xf32, #tpu.memory_space<vmem>>, vector<16xf32>,
        tpu.vector_store %arg13[%swap3A, %swap3A_130], %gather3A_129 {strides = array<i32>} : memref<16x128xf32, #tpu.memory_space<vmem>>, vector<16xf32>,
        %add3A_132 = arith.constant 16 : i32
        %add3A_133 = vector.broadcast %add3A_132 : i32 to vector<16xi32>
        %add3A_134 = arith.addi %iota3A, %add3A_133 : vector<16xi32>
        %broadcast_in_dim3A_135 = vector.broadcast %and3A_121 : i32 to vector<16xi32>
        %gather3A_136 = arith.constant 0 : i32
        %gather3A_137 = arith.constant 0 : i32
        %gather3A_138 = tpu.memref_slice %arg12[%rem3A_73, %gather3A_136, %gather3A_137] : memref<7x64x128xf32, #tpu.memory_space<vmem>> -> memref<1x64x128xf32, #tpu.memory_space<vmem>>
        %gather3A_139 = tpu.memref_squeeze %gather3A_138 : memref<1x64x128xf32, #tpu.memory_space<vmem>> -> memref<64x128xf32, #tpu.memory_space<vmem>>
        %gather3A_140 = tpu.vector_load_idx %gather3A_139[%add3A_134, %broadcast_in_dim3A_135] : memref<64x128xf32, #tpu.memory_space<vmem>>[vector<16xi32>, vector<16xi32>], vector<16xf32>,
        %swap3A_141 = arith.index_cast %while3A_115 : i32 to index
        %swap3A_142 = arith.constant 16 : index
        %swap3A_143 = tpu.vector_load %arg13[%swap3A_141, %swap3A_142] {strides = array<i32>} : memref<16x128xf32, #tpu.memory_space<vmem>>, vector<16xf32>,
        tpu.vector_store %arg13[%swap3A_141, %swap3A_142], %gather3A_140 {strides = array<i32>} : memref<16x128xf32, #tpu.memory_space<vmem>>, vector<16xf32>,
        %add3A_144 = arith.constant 32 : i32
        %add3A_145 = vector.broadcast %add3A_144 : i32 to vector<16xi32>
        %add3A_146 = arith.addi %iota3A, %add3A_145 : vector<16xi32>
        %broadcast_in_dim3A_147 = vector.broadcast %and3A_121 : i32 to vector<16xi32>
        %gather3A_148 = arith.constant 0 : i32
        %gather3A_149 = arith.constant 0 : i32
        %gather3A_150 = tpu.memref_slice %arg12[%rem3A_73, %gather3A_148, %gather3A_149] : memref<7x64x128xf32, #tpu.memory_space<vmem>> -> memref<1x64x128xf32, #tpu.memory_space<vmem>>
        %gather3A_151 = tpu.memref_squeeze %gather3A_150 : memref<1x64x128xf32, #tpu.memory_space<vmem>> -> memref<64x128xf32, #tpu.memory_space<vmem>>
        %gather3A_152 = tpu.vector_load_idx %gather3A_151[%add3A_146, %broadcast_in_dim3A_147] : memref<64x128xf32, #tpu.memory_space<vmem>>[vector<16xi32>, vector<16xi32>], vector<16xf32>,
        %swap3A_153 = arith.index_cast %while3A_115 : i32 to index
        %swap3A_154 = arith.constant 32 : index
        %swap3A_155 = tpu.vector_load %arg13[%swap3A_153, %swap3A_154] {strides = array<i32>} : memref<16x128xf32, #tpu.memory_space<vmem>>, vector<16xf32>,
        tpu.vector_store %arg13[%swap3A_153, %swap3A_154], %gather3A_152 {strides = array<i32>} : memref<16x128xf32, #tpu.memory_space<vmem>>, vector<16xf32>,
        %add3A_156 = arith.constant 48 : i32
        %add3A_157 = vector.broadcast %add3A_156 : i32 to vector<16xi32>
        %add3A_158 = arith.addi %iota3A, %add3A_157 : vector<16xi32>
        %broadcast_in_dim3A_159 = vector.broadcast %and3A_121 : i32 to vector<16xi32>
        %gather3A_160 = arith.constant 0 : i32
        %gather3A_161 = arith.constant 0 : i32
        %gather3A_162 = tpu.memref_slice %arg12[%rem3A_73, %gather3A_160, %gather3A_161] : memref<7x64x128xf32, #tpu.memory_space<vmem>> -> memref<1x64x128xf32, #tpu.memory_space<vmem>>
        %gather3A_163 = tpu.memref_squeeze %gather3A_162 : memref<1x64x128xf32, #tpu.memory_space<vmem>> -> memref<64x128xf32, #tpu.memory_space<vmem>>
        %gather3A_164 = tpu.vector_load_idx %gather3A_163[%add3A_158, %broadcast_in_dim3A_159] : memref<64x128xf32, #tpu.memory_space<vmem>>[vector<16xi32>, vector<16xi32>], vector<16xf32>,
        %swap3A_165 = arith.index_cast %while3A_115 : i32 to index
        %swap3A_166 = arith.constant 48 : index
        %swap3A_167 = tpu.vector_load %arg13[%swap3A_165, %swap3A_166] {strides = array<i32>} : memref<16x128xf32, #tpu.memory_space<vmem>>, vector<16xf32>,
        tpu.vector_store %arg13[%swap3A_165, %swap3A_166], %gather3A_164 {strides = array<i32>} : memref<16x128xf32, #tpu.memory_space<vmem>>, vector<16xf32>,
        %broadcast_in_dim3A_168 = vector.broadcast %while3A_115 : i32 to vector<16xi32>
        %broadcast_in_dim3A_169 = vector.broadcast %shift_right_logical3A_120 : i32 to vector<16xi32>
        %eq3A_170 = arith.constant 0 : i32
        %eq3A_171 = vector.broadcast %eq3A_170 : i32 to vector<16xi32>
        %eq3A_172 = arith.cmpi eq, %iota3A, %eq3A_171 : vector<16xi32>
        tpu.vector_store_idx %arg14[%broadcast_in_dim3A_168], %broadcast_in_dim3A_169 masked %eq3A_172 : memref<16xi32, #tpu.memory_space<vmem>>[vector<16xi32>], vector<16xi32>, vector<16xi1>
        %eq3A_173 = arith.constant 15 : i32
        %eq3A_174 = arith.cmpi eq, %while3A_115, %eq3A_173 : i32
        %convert_element_type3A_175 = arith.extui %eq3A_174 : i1 to i32
        %cond3A_176 = arith.constant 0 : i32
        %cond3A_177 = arith.cmpi ne, %convert_element_type3A_175, %cond3A_176 : i32
        scf.if %cond3A_177 {
          %scan3A_182 = arith.constant 0 : i32
          %scan3A_183 = arith.constant 16 : i32
          %scan3A_184 = arith.constant 0 : i32
          %scan3A_185 = arith.constant 16 : i32
          %scan3A_186 = arith.addi %scan3A_184, %scan3A_185 : i32
          %scan3A_187 = arith.constant 1 : i32
          scf.for %scan3A_194 = %scan3A_184 to %scan3A_186 step %scan3A_187  : i32 {
            %ge3A = arith.cmpi sge, %scan3A_194, %scan3A_183 : i32
            %convert_element_type3A_195 = arith.extui %ge3A : i1 to i32
            %cond3A_196 = arith.constant 0 : i32
            %cond3A_197 = arith.cmpi ne, %convert_element_type3A_195, %cond3A_196 : i32
            scf.if %cond3A_197 {
              %broadcast_in_dim3A_198 = vector.broadcast %scan3A_194 : i32 to vector<16xi32>
              %broadcast_in_dim3A_199 = vector.broadcast %shift_right_logical3A_120 : i32 to vector<16xi32>
              %eq3A_200 = arith.constant 0 : i32
              %eq3A_201 = vector.broadcast %eq3A_200 : i32 to vector<16xi32>
              %eq3A_202 = arith.cmpi eq, %iota3A, %eq3A_201 : vector<16xi32>
              tpu.vector_store_idx %arg14[%broadcast_in_dim3A_198], %broadcast_in_dim3A_199 masked %eq3A_202 : memref<16xi32, #tpu.memory_space<vmem>>[vector<16xi32>], vector<16xi32>, vector<16xi1>
              %sub3A_203 = arith.constant 1 : i32
              %sub3A_204 = arith.subi %scan3A_183, %sub3A_203 : i32
              %broadcast_in_dim3A_205 = vector.broadcast %sub3A_204 : i32 to vector<16xi32>
              %add3A_206 = arith.constant 0 : i32
              %add3A_207 = vector.broadcast %add3A_206 : i32 to vector<16xi32>
              %add3A_208 = arith.addi %iota3A, %add3A_207 : vector<16xi32>
              %gather3A_209 = tpu.vector_load_idx %arg13[%broadcast_in_dim3A_205, %add3A_208] : memref<16x128xf32, #tpu.memory_space<vmem>>[vector<16xi32>, vector<16xi32>], vector<16xf32>,
              %swap3A_210 = arith.index_cast %scan3A_194 : i32 to index
              %swap3A_211 = arith.constant 0 : index
              %swap3A_212 = tpu.vector_load %arg13[%swap3A_210, %swap3A_211] {strides = array<i32>} : memref<16x128xf32, #tpu.memory_space<vmem>>, vector<16xf32>,
              tpu.vector_store %arg13[%swap3A_210, %swap3A_211], %gather3A_209 {strides = array<i32>} : memref<16x128xf32, #tpu.memory_space<vmem>>, vector<16xf32>,
              %sub3A_213 = arith.constant 1 : i32
              %sub3A_214 = arith.subi %scan3A_183, %sub3A_213 : i32
              %broadcast_in_dim3A_215 = vector.broadcast %sub3A_214 : i32 to vector<16xi32>
              %add3A_216 = arith.constant 16 : i32
              %add3A_217 = vector.broadcast %add3A_216 : i32 to vector<16xi32>
              %add3A_218 = arith.addi %iota3A, %add3A_217 : vector<16xi32>
              %gather3A_219 = tpu.vector_load_idx %arg13[%broadcast_in_dim3A_215, %add3A_218] : memref<16x128xf32, #tpu.memory_space<vmem>>[vector<16xi32>, vector<16xi32>], vector<16xf32>,
              %swap3A_220 = arith.index_cast %scan3A_194 : i32 to index
              %swap3A_221 = arith.constant 16 : index
              %swap3A_222 = tpu.vector_load %arg13[%swap3A_220, %swap3A_221] {strides = array<i32>} : memref<16x128xf32, #tpu.memory_space<vmem>>, vector<16xf32>,
              tpu.vector_store %arg13[%swap3A_220, %swap3A_221], %gather3A_219 {strides = array<i32>} : memref<16x128xf32, #tpu.memory_space<vmem>>, vector<16xf32>,
              %sub3A_223 = arith.constant 1 : i32
              %sub3A_224 = arith.subi %scan3A_183, %sub3A_223 : i32
              %broadcast_in_dim3A_225 = vector.broadcast %sub3A_224 : i32 to vector<16xi32>
              %add3A_226 = arith.constant 32 : i32
              %add3A_227 = vector.broadcast %add3A_226 : i32 to vector<16xi32>
              %add3A_228 = arith.addi %iota3A, %add3A_227 : vector<16xi32>
              %gather3A_229 = tpu.vector_load_idx %arg13[%broadcast_in_dim3A_225, %add3A_228] : memref<16x128xf32, #tpu.memory_space<vmem>>[vector<16xi32>, vector<16xi32>], vector<16xf32>,
              %swap3A_230 = arith.index_cast %scan3A_194 : i32 to index
              %swap3A_231 = arith.constant 32 : index
              %swap3A_232 = tpu.vector_load %arg13[%swap3A_230, %swap3A_231] {strides = array<i32>} : memref<16x128xf32, #tpu.memory_space<vmem>>, vector<16xf32>,
              tpu.vector_store %arg13[%swap3A_230, %swap3A_231], %gather3A_229 {strides = array<i32>} : memref<16x128xf32, #tpu.memory_space<vmem>>, vector<16xf32>,
              %sub3A_233 = arith.constant 1 : i32
              %sub3A_234 = arith.subi %scan3A_183, %sub3A_233 : i32
              %broadcast_in_dim3A_235 = vector.broadcast %sub3A_234 : i32 to vector<16xi32>
              %add3A_236 = arith.constant 48 : i32
              %add3A_237 = vector.broadcast %add3A_236 : i32 to vector<16xi32>
              %add3A_238 = arith.addi %iota3A, %add3A_237 : vector<16xi32>
              %gather3A_239 = tpu.vector_load_idx %arg13[%broadcast_in_dim3A_235, %add3A_238] : memref<16x128xf32, #tpu.memory_space<vmem>>[vector<16xi32>, vector<16xi32>], vector<16xf32>,
              %swap3A_240 = arith.index_cast %scan3A_194 : i32 to index
              %swap3A_241 = arith.constant 48 : index
              %swap3A_242 = tpu.vector_load %arg13[%swap3A_240, %swap3A_241] {strides = array<i32>} : memref<16x128xf32, #tpu.memory_space<vmem>>, vector<16xf32>,
              tpu.vector_store %arg13[%swap3A_240, %swap3A_241], %gather3A_239 {strides = array<i32>} : memref<16x128xf32, #tpu.memory_space<vmem>>, vector<16xf32>,
              %sub3A_243 = arith.constant 1 : i32
              %sub3A_244 = arith.subi %scan3A_183, %sub3A_243 : i32
              %broadcast_in_dim3A_245 = vector.broadcast %sub3A_244 : i32 to vector<16xi32>
              %add3A_246 = arith.constant 64 : i32
              %add3A_247 = vector.broadcast %add3A_246 : i32 to vector<16xi32>
              %add3A_248 = arith.addi %iota3A, %add3A_247 : vector<16xi32>
              %gather3A_249 = tpu.vector_load_idx %arg13[%broadcast_in_dim3A_245, %add3A_248] : memref<16x128xf32, #tpu.memory_space<vmem>>[vector<16xi32>, vector<16xi32>], vector<16xf32>,
              %swap3A_250 = arith.index_cast %scan3A_194 : i32 to index
              %swap3A_251 = arith.constant 64 : index
              %swap3A_252 = tpu.vector_load %arg13[%swap3A_250, %swap3A_251] {strides = array<i32>} : memref<16x128xf32, #tpu.memory_space<vmem>>, vector<16xf32>,
              tpu.vector_store %arg13[%swap3A_250, %swap3A_251], %gather3A_249 {strides = array<i32>} : memref<16x128xf32, #tpu.memory_space<vmem>>, vector<16xf32>,
              %sub3A_253 = arith.constant 1 : i32
              %sub3A_254 = arith.subi %scan3A_183, %sub3A_253 : i32
              %broadcast_in_dim3A_255 = vector.broadcast %sub3A_254 : i32 to vector<16xi32>
              %add3A_256 = arith.constant 80 : i32
              %add3A_257 = vector.broadcast %add3A_256 : i32 to vector<16xi32>
              %add3A_258 = arith.addi %iota3A, %add3A_257 : vector<16xi32>
              %gather3A_259 = tpu.vector_load_idx %arg13[%broadcast_in_dim3A_255, %add3A_258] : memref<16x128xf32, #tpu.memory_space<vmem>>[vector<16xi32>, vector<16xi32>], vector<16xf32>,
              %swap3A_260 = arith.index_cast %scan3A_194 : i32 to index
              %swap3A_261 = arith.constant 80 : index
              %swap3A_262 = tpu.vector_load %arg13[%swap3A_260, %swap3A_261] {strides = array<i32>} : memref<16x128xf32, #tpu.memory_space<vmem>>, vector<16xf32>,
              tpu.vector_store %arg13[%swap3A_260, %swap3A_261], %gather3A_259 {strides = array<i32>} : memref<16x128xf32, #tpu.memory_space<vmem>>, vector<16xf32>,
              %sub3A_263 = arith.constant 1 : i32
              %sub3A_264 = arith.subi %scan3A_183, %sub3A_263 : i32
              %broadcast_in_dim3A_265 = vector.broadcast %sub3A_264 : i32 to vector<16xi32>
              %add3A_266 = arith.constant 96 : i32
              %add3A_267 = vector.broadcast %add3A_266 : i32 to vector<16xi32>
              %add3A_268 = arith.addi %iota3A, %add3A_267 : vector<16xi32>
              %gather3A_269 = tpu.vector_load_idx %arg13[%broadcast_in_dim3A_265, %add3A_268] : memref<16x128xf32, #tpu.memory_space<vmem>>[vector<16xi32>, vector<16xi32>], vector<16xf32>,
              %swap3A_270 = arith.index_cast %scan3A_194 : i32 to index
              %swap3A_271 = arith.constant 96 : index
              %swap3A_272 = tpu.vector_load %arg13[%swap3A_270, %swap3A_271] {strides = array<i32>} : memref<16x128xf32, #tpu.memory_space<vmem>>, vector<16xf32>,
              tpu.vector_store %arg13[%swap3A_270, %swap3A_271], %gather3A_269 {strides = array<i32>} : memref<16x128xf32, #tpu.memory_space<vmem>>, vector<16xf32>,
              %sub3A_273 = arith.constant 1 : i32
              %sub3A_274 = arith.subi %scan3A_183, %sub3A_273 : i32
              %broadcast_in_dim3A_275 = vector.broadcast %sub3A_274 : i32 to vector<16xi32>
              %add3A_276 = arith.constant 112 : i32
              %add3A_277 = vector.broadcast %add3A_276 : i32 to vector<16xi32>
              %add3A_278 = arith.addi %iota3A, %add3A_277 : vector<16xi32>
              %gather3A_279 = tpu.vector_load_idx %arg13[%broadcast_in_dim3A_275, %add3A_278] : memref<16x128xf32, #tpu.memory_space<vmem>>[vector<16xi32>, vector<16xi32>], vector<16xf32>,
              %swap3A_280 = arith.index_cast %scan3A_194 : i32 to index
              %swap3A_281 = arith.constant 112 : index
              %swap3A_282 = tpu.vector_load %arg13[%swap3A_280, %swap3A_281] {strides = array<i32>} : memref<16x128xf32, #tpu.memory_space<vmem>>, vector<16xf32>,
              tpu.vector_store %arg13[%swap3A_280, %swap3A_281], %gather3A_279 {strides = array<i32>} : memref<16x128xf32, #tpu.memory_space<vmem>>, vector<16xf32>,
            } else {
            }
          }
          %scan3A_188 = arith.constant 16 : i32
          %dma_start3A = arith.constant 0 : i32
          %dma_start3A_189 = arith.constant 0 : i32
          %dma_start3A_190 = tpu.memref_slice %arg4[%dma_start3A, %dma_start3A_189] : memref<16384x128xf32, #tpu.memory_space<hbm>> -> memref<16384x128xf32, #tpu.memory_space<hbm>>
          tpu.enqueue_indirect_dma source(%arg13 : memref<16x128xf32, #tpu.memory_space<vmem>>) target(%dma_start3A_190 : memref<16384x128xf32, #tpu.memory_space<hbm>>) offsets(%arg14 : memref<16xi32, #tpu.memory_space<vmem>>) semaphore(%arg16 : memref<!tpu.dma_semaphore, #tpu.memory_space<semaphore_mem>>)
          %dma_wait3A_191 = arith.constant 0 : i32
          %dma_wait3A_192 = arith.constant 0 : i32
          %dma_wait3A_193 = tpu.memref_slice %arg4[%dma_wait3A_191, %dma_wait3A_192] : memref<16384x128xf32, #tpu.memory_space<hbm>> -> memref<16384x128xf32, #tpu.memory_space<hbm>>
          tpu.wait_indirect_dma semaphore(%arg16 : memref<!tpu.dma_semaphore, #tpu.memory_space<semaphore_mem>>) src(%arg13 : memref<16x128xf32, #tpu.memory_space<vmem>>) dst(%dma_wait3A_193 : memref<16384x128xf32, #tpu.memory_space<hbm>>)
        } else {
        }
        %add3A_178 = arith.constant 1 : i32
        %add3A_179 = arith.addi %while3A_115, %add3A_178 : i32
        %rem3A_180 = arith.constant 16 : i32
        %rem3A_181 = arith.remsi %add3A_179, %rem3A_180 : i32
        scf.yield %rem3A_181, %shift_right_logical3A_120 : i32, i32
      }
      %while3A_112 = arith.constant 1 : i32
      %while3A_113:2 = scf.for %while3A_114 = %while3A_109 to %while3A_105 step %while3A_112 iter_args(%while3A_115 = %while3A_111#0, %while3A_116 = %while3A_111#1) -> (i32, i32)  : i32 {
        %get3A_117 = arith.index_cast %while3A_114 : i32 to index
        %get3A_118 = tpu.vector_load %arg8[%get3A_117] {strides = array<i32>} : memref<16400xi32, #tpu.memory_space<vmem>>, vector<16xi32>,
        %slice3A = vector.extract_strided_slice %get3A_118 {offsets = [0], sizes = [1], strides = [1]} : vector<16xi32> to vector<1xi32>
        %squeeze3A = vector.extract %slice3A[0] : i32 from vector<1xi32>
        %shift_right_logical3A_119 = arith.constant 7 : i32
        %shift_right_logical3A_120 = arith.shrui %squeeze3A, %shift_right_logical3A_119 : i32
        %and3A = arith.constant 127 : i32
        %and3A_121 = arith.andi %squeeze3A, %and3A : i32
        %add3A_122 = arith.constant 0 : i32
        %add3A_123 = vector.broadcast %add3A_122 : i32 to vector<16xi32>
        %add3A_124 = arith.addi %iota3A, %add3A_123 : vector<16xi32>
        %broadcast_in_dim3A_125 = vector.broadcast %and3A_121 : i32 to vector<16xi32>
        %gather3A = arith.constant 0 : i32
        %gather3A_126 = arith.constant 0 : i32
        %gather3A_127 = tpu.memref_slice %arg12[%rem3A_73, %gather3A, %gather3A_126] : memref<7x64x128xf32, #tpu.memory_space<vmem>> -> memref<1x64x128xf32, #tpu.memory_space<vmem>>
        %gather3A_128 = tpu.memref_squeeze %gather3A_127 : memref<1x64x128xf32, #tpu.memory_space<vmem>> -> memref<64x128xf32, #tpu.memory_space<vmem>>
        %gather3A_129 = tpu.vector_load_idx %gather3A_128[%add3A_124, %broadcast_in_dim3A_125] : memref<64x128xf32, #tpu.memory_space<vmem>>[vector<16xi32>, vector<16xi32>], vector<16xf32>,
        %swap3A = arith.index_cast %while3A_115 : i32 to index
        %swap3A_130 = arith.constant 0 : index
        %swap3A_131 = tpu.vector_load %arg13[%swap3A, %swap3A_130] {strides = array<i32>} : memref<16x128xf32, #tpu.memory_space<vmem>>, vector<16xf32>,
        tpu.vector_store %arg13[%swap3A, %swap3A_130], %gather3A_129 {strides = array<i32>} : memref<16x128xf32, #tpu.memory_space<vmem>>, vector<16xf32>,
        %add3A_132 = arith.constant 16 : i32
        %add3A_133 = vector.broadcast %add3A_132 : i32 to vector<16xi32>
        %add3A_134 = arith.addi %iota3A, %add3A_133 : vector<16xi32>
        %broadcast_in_dim3A_135 = vector.broadcast %and3A_121 : i32 to vector<16xi32>
        %gather3A_136 = arith.constant 0 : i32
        %gather3A_137 = arith.constant 0 : i32
        %gather3A_138 = tpu.memref_slice %arg12[%rem3A_73, %gather3A_136, %gather3A_137] : memref<7x64x128xf32, #tpu.memory_space<vmem>> -> memref<1x64x128xf32, #tpu.memory_space<vmem>>
        %gather3A_139 = tpu.memref_squeeze %gather3A_138 : memref<1x64x128xf32, #tpu.memory_space<vmem>> -> memref<64x128xf32, #tpu.memory_space<vmem>>
        %gather3A_140 = tpu.vector_load_idx %gather3A_139[%add3A_134, %broadcast_in_dim3A_135] : memref<64x128xf32, #tpu.memory_space<vmem>>[vector<16xi32>, vector<16xi32>], vector<16xf32>,
        %swap3A_141 = arith.index_cast %while3A_115 : i32 to index
        %swap3A_142 = arith.constant 16 : index
        %swap3A_143 = tpu.vector_load %arg13[%swap3A_141, %swap3A_142] {strides = array<i32>} : memref<16x128xf32, #tpu.memory_space<vmem>>, vector<16xf32>,
        tpu.vector_store %arg13[%swap3A_141, %swap3A_142], %gather3A_140 {strides = array<i32>} : memref<16x128xf32, #tpu.memory_space<vmem>>, vector<16xf32>,
        %add3A_144 = arith.constant 32 : i32
        %add3A_145 = vector.broadcast %add3A_144 : i32 to vector<16xi32>
        %add3A_146 = arith.addi %iota3A, %add3A_145 : vector<16xi32>
        %broadcast_in_dim3A_147 = vector.broadcast %and3A_121 : i32 to vector<16xi32>
        %gather3A_148 = arith.constant 0 : i32
        %gather3A_149 = arith.constant 0 : i32
        %gather3A_150 = tpu.memref_slice %arg12[%rem3A_73, %gather3A_148, %gather3A_149] : memref<7x64x128xf32, #tpu.memory_space<vmem>> -> memref<1x64x128xf32, #tpu.memory_space<vmem>>
        %gather3A_151 = tpu.memref_squeeze %gather3A_150 : memref<1x64x128xf32, #tpu.memory_space<vmem>> -> memref<64x128xf32, #tpu.memory_space<vmem>>
        %gather3A_152 = tpu.vector_load_idx %gather3A_151[%add3A_146, %broadcast_in_dim3A_147] : memref<64x128xf32, #tpu.memory_space<vmem>>[vector<16xi32>, vector<16xi32>], vector<16xf32>,
        %swap3A_153 = arith.index_cast %while3A_115 : i32 to index
        %swap3A_154 = arith.constant 32 : index
        %swap3A_155 = tpu.vector_load %arg13[%swap3A_153, %swap3A_154] {strides = array<i32>} : memref<16x128xf32, #tpu.memory_space<vmem>>, vector<16xf32>,
        tpu.vector_store %arg13[%swap3A_153, %swap3A_154], %gather3A_152 {strides = array<i32>} : memref<16x128xf32, #tpu.memory_space<vmem>>, vector<16xf32>,
        %add3A_156 = arith.constant 48 : i32
        %add3A_157 = vector.broadcast %add3A_156 : i32 to vector<16xi32>
        %add3A_158 = arith.addi %iota3A, %add3A_157 : vector<16xi32>
        %broadcast_in_dim3A_159 = vector.broadcast %and3A_121 : i32 to vector<16xi32>
        %gather3A_160 = arith.constant 0 : i32
        %gather3A_161 = arith.constant 0 : i32
        %gather3A_162 = tpu.memref_slice %arg12[%rem3A_73, %gather3A_160, %gather3A_161] : memref<7x64x128xf32, #tpu.memory_space<vmem>> -> memref<1x64x128xf32, #tpu.memory_space<vmem>>
        %gather3A_163 = tpu.memref_squeeze %gather3A_162 : memref<1x64x128xf32, #tpu.memory_space<vmem>> -> memref<64x128xf32, #tpu.memory_space<vmem>>
        %gather3A_164 = tpu.vector_load_idx %gather3A_163[%add3A_158, %broadcast_in_dim3A_159] : memref<64x128xf32, #tpu.memory_space<vmem>>[vector<16xi32>, vector<16xi32>], vector<16xf32>,
        %swap3A_165 = arith.index_cast %while3A_115 : i32 to index
        %swap3A_166 = arith.constant 48 : index
        %swap3A_167 = tpu.vector_load %arg13[%swap3A_165, %swap3A_166] {strides = array<i32>} : memref<16x128xf32, #tpu.memory_space<vmem>>, vector<16xf32>,
        tpu.vector_store %arg13[%swap3A_165, %swap3A_166], %gather3A_164 {strides = array<i32>} : memref<16x128xf32, #tpu.memory_space<vmem>>, vector<16xf32>,
        %broadcast_in_dim3A_168 = vector.broadcast %while3A_115 : i32 to vector<16xi32>
        %broadcast_in_dim3A_169 = vector.broadcast %shift_right_logical3A_120 : i32 to vector<16xi32>
        %eq3A_170 = arith.constant 0 : i32
        %eq3A_171 = vector.broadcast %eq3A_170 : i32 to vector<16xi32>
        %eq3A_172 = arith.cmpi eq, %iota3A, %eq3A_171 : vector<16xi32>
        tpu.vector_store_idx %arg14[%broadcast_in_dim3A_168], %broadcast_in_dim3A_169 masked %eq3A_172 : memref<16xi32, #tpu.memory_space<vmem>>[vector<16xi32>], vector<16xi32>, vector<16xi1>
        %eq3A_173 = arith.constant 15 : i32
        %eq3A_174 = arith.cmpi eq, %while3A_115, %eq3A_173 : i32
        %convert_element_type3A_175 = arith.extui %eq3A_174 : i1 to i32
        %cond3A_176 = arith.constant 0 : i32
        %cond3A_177 = arith.cmpi ne, %convert_element_type3A_175, %cond3A_176 : i32
        scf.if %cond3A_177 {
          %scan3A_182 = arith.constant 0 : i32
          %scan3A_183 = arith.constant 16 : i32
          %scan3A_184 = arith.constant 0 : i32
          %scan3A_185 = arith.constant 16 : i32
          %scan3A_186 = arith.addi %scan3A_184, %scan3A_185 : i32
          %scan3A_187 = arith.constant 1 : i32
          scf.for %scan3A_194 = %scan3A_184 to %scan3A_186 step %scan3A_187  : i32 {
            %ge3A = arith.cmpi sge, %scan3A_194, %scan3A_183 : i32
            %convert_element_type3A_195 = arith.extui %ge3A : i1 to i32
            %cond3A_196 = arith.constant 0 : i32
            %cond3A_197 = arith.cmpi ne, %convert_element_type3A_195, %cond3A_196 : i32
            scf.if %cond3A_197 {
              %broadcast_in_dim3A_198 = vector.broadcast %scan3A_194 : i32 to vector<16xi32>
              %broadcast_in_dim3A_199 = vector.broadcast %shift_right_logical3A_120 : i32 to vector<16xi32>
              %eq3A_200 = arith.constant 0 : i32
              %eq3A_201 = vector.broadcast %eq3A_200 : i32 to vector<16xi32>
              %eq3A_202 = arith.cmpi eq, %iota3A, %eq3A_201 : vector<16xi32>
              tpu.vector_store_idx %arg14[%broadcast_in_dim3A_198], %broadcast_in_dim3A_199 masked %eq3A_202 : memref<16xi32, #tpu.memory_space<vmem>>[vector<16xi32>], vector<16xi32>, vector<16xi1>
              %sub3A_203 = arith.constant 1 : i32
              %sub3A_204 = arith.subi %scan3A_183, %sub3A_203 : i32
              %broadcast_in_dim3A_205 = vector.broadcast %sub3A_204 : i32 to vector<16xi32>
              %add3A_206 = arith.constant 0 : i32
              %add3A_207 = vector.broadcast %add3A_206 : i32 to vector<16xi32>
              %add3A_208 = arith.addi %iota3A, %add3A_207 : vector<16xi32>
              %gather3A_209 = tpu.vector_load_idx %arg13[%broadcast_in_dim3A_205, %add3A_208] : memref<16x128xf32, #tpu.memory_space<vmem>>[vector<16xi32>, vector<16xi32>], vector<16xf32>,
              %swap3A_210 = arith.index_cast %scan3A_194 : i32 to index
              %swap3A_211 = arith.constant 0 : index
              %swap3A_212 = tpu.vector_load %arg13[%swap3A_210, %swap3A_211] {strides = array<i32>} : memref<16x128xf32, #tpu.memory_space<vmem>>, vector<16xf32>,
              tpu.vector_store %arg13[%swap3A_210, %swap3A_211], %gather3A_209 {strides = array<i32>} : memref<16x128xf32, #tpu.memory_space<vmem>>, vector<16xf32>,
              %sub3A_213 = arith.constant 1 : i32
              %sub3A_214 = arith.subi %scan3A_183, %sub3A_213 : i32
              %broadcast_in_dim3A_215 = vector.broadcast %sub3A_214 : i32 to vector<16xi32>
              %add3A_216 = arith.constant 16 : i32
              %add3A_217 = vector.broadcast %add3A_216 : i32 to vector<16xi32>
              %add3A_218 = arith.addi %iota3A, %add3A_217 : vector<16xi32>
              %gather3A_219 = tpu.vector_load_idx %arg13[%broadcast_in_dim3A_215, %add3A_218] : memref<16x128xf32, #tpu.memory_space<vmem>>[vector<16xi32>, vector<16xi32>], vector<16xf32>,
              %swap3A_220 = arith.index_cast %scan3A_194 : i32 to index
              %swap3A_221 = arith.constant 16 : index
              %swap3A_222 = tpu.vector_load %arg13[%swap3A_220, %swap3A_221] {strides = array<i32>} : memref<16x128xf32, #tpu.memory_space<vmem>>, vector<16xf32>,
              tpu.vector_store %arg13[%swap3A_220, %swap3A_221], %gather3A_219 {strides = array<i32>} : memref<16x128xf32, #tpu.memory_space<vmem>>, vector<16xf32>,
              %sub3A_223 = arith.constant 1 : i32
              %sub3A_224 = arith.subi %scan3A_183, %sub3A_223 : i32
              %broadcast_in_dim3A_225 = vector.broadcast %sub3A_224 : i32 to vector<16xi32>
              %add3A_226 = arith.constant 32 : i32
              %add3A_227 = vector.broadcast %add3A_226 : i32 to vector<16xi32>
              %add3A_228 = arith.addi %iota3A, %add3A_227 : vector<16xi32>
              %gather3A_229 = tpu.vector_load_idx %arg13[%broadcast_in_dim3A_225, %add3A_228] : memref<16x128xf32, #tpu.memory_space<vmem>>[vector<16xi32>, vector<16xi32>], vector<16xf32>,
              %swap3A_230 = arith.index_cast %scan3A_194 : i32 to index
              %swap3A_231 = arith.constant 32 : index
              %swap3A_232 = tpu.vector_load %arg13[%swap3A_230, %swap3A_231] {strides = array<i32>} : memref<16x128xf32, #tpu.memory_space<vmem>>, vector<16xf32>,
              tpu.vector_store %arg13[%swap3A_230, %swap3A_231], %gather3A_229 {strides = array<i32>} : memref<16x128xf32, #tpu.memory_space<vmem>>, vector<16xf32>,
              %sub3A_233 = arith.constant 1 : i32
              %sub3A_234 = arith.subi %scan3A_183, %sub3A_233 : i32
              %broadcast_in_dim3A_235 = vector.broadcast %sub3A_234 : i32 to vector<16xi32>
              %add3A_236 = arith.constant 48 : i32
              %add3A_237 = vector.broadcast %add3A_236 : i32 to vector<16xi32>
              %add3A_238 = arith.addi %iota3A, %add3A_237 : vector<16xi32>
              %gather3A_239 = tpu.vector_load_idx %arg13[%broadcast_in_dim3A_235, %add3A_238] : memref<16x128xf32, #tpu.memory_space<vmem>>[vector<16xi32>, vector<16xi32>], vector<16xf32>,
              %swap3A_240 = arith.index_cast %scan3A_194 : i32 to index
              %swap3A_241 = arith.constant 48 : index
              %swap3A_242 = tpu.vector_load %arg13[%swap3A_240, %swap3A_241] {strides = array<i32>} : memref<16x128xf32, #tpu.memory_space<vmem>>, vector<16xf32>,
              tpu.vector_store %arg13[%swap3A_240, %swap3A_241], %gather3A_239 {strides = array<i32>} : memref<16x128xf32, #tpu.memory_space<vmem>>, vector<16xf32>,
              %sub3A_243 = arith.constant 1 : i32
              %sub3A_244 = arith.subi %scan3A_183, %sub3A_243 : i32
              %broadcast_in_dim3A_245 = vector.broadcast %sub3A_244 : i32 to vector<16xi32>
              %add3A_246 = arith.constant 64 : i32
              %add3A_247 = vector.broadcast %add3A_246 : i32 to vector<16xi32>
              %add3A_248 = arith.addi %iota3A, %add3A_247 : vector<16xi32>
              %gather3A_249 = tpu.vector_load_idx %arg13[%broadcast_in_dim3A_245, %add3A_248] : memref<16x128xf32, #tpu.memory_space<vmem>>[vector<16xi32>, vector<16xi32>], vector<16xf32>,
              %swap3A_250 = arith.index_cast %scan3A_194 : i32 to index
              %swap3A_251 = arith.constant 64 : index
              %swap3A_252 = tpu.vector_load %arg13[%swap3A_250, %swap3A_251] {strides = array<i32>} : memref<16x128xf32, #tpu.memory_space<vmem>>, vector<16xf32>,
              tpu.vector_store %arg13[%swap3A_250, %swap3A_251], %gather3A_249 {strides = array<i32>} : memref<16x128xf32, #tpu.memory_space<vmem>>, vector<16xf32>,
              %sub3A_253 = arith.constant 1 : i32
              %sub3A_254 = arith.subi %scan3A_183, %sub3A_253 : i32
              %broadcast_in_dim3A_255 = vector.broadcast %sub3A_254 : i32 to vector<16xi32>
              %add3A_256 = arith.constant 80 : i32
              %add3A_257 = vector.broadcast %add3A_256 : i32 to vector<16xi32>
              %add3A_258 = arith.addi %iota3A, %add3A_257 : vector<16xi32>
              %gather3A_259 = tpu.vector_load_idx %arg13[%broadcast_in_dim3A_255, %add3A_258] : memref<16x128xf32, #tpu.memory_space<vmem>>[vector<16xi32>, vector<16xi32>], vector<16xf32>,
              %swap3A_260 = arith.index_cast %scan3A_194 : i32 to index
              %swap3A_261 = arith.constant 80 : index
              %swap3A_262 = tpu.vector_load %arg13[%swap3A_260, %swap3A_261] {strides = array<i32>} : memref<16x128xf32, #tpu.memory_space<vmem>>, vector<16xf32>,
              tpu.vector_store %arg13[%swap3A_260, %swap3A_261], %gather3A_259 {strides = array<i32>} : memref<16x128xf32, #tpu.memory_space<vmem>>, vector<16xf32>,
              %sub3A_263 = arith.constant 1 : i32
              %sub3A_264 = arith.subi %scan3A_183, %sub3A_263 : i32
              %broadcast_in_dim3A_265 = vector.broadcast %sub3A_264 : i32 to vector<16xi32>
              %add3A_266 = arith.constant 96 : i32
              %add3A_267 = vector.broadcast %add3A_266 : i32 to vector<16xi32>
              %add3A_268 = arith.addi %iota3A, %add3A_267 : vector<16xi32>
              %gather3A_269 = tpu.vector_load_idx %arg13[%broadcast_in_dim3A_265, %add3A_268] : memref<16x128xf32, #tpu.memory_space<vmem>>[vector<16xi32>, vector<16xi32>], vector<16xf32>,
              %swap3A_270 = arith.index_cast %scan3A_194 : i32 to index
              %swap3A_271 = arith.constant 96 : index
              %swap3A_272 = tpu.vector_load %arg13[%swap3A_270, %swap3A_271] {strides = array<i32>} : memref<16x128xf32, #tpu.memory_space<vmem>>, vector<16xf32>,
              tpu.vector_store %arg13[%swap3A_270, %swap3A_271], %gather3A_269 {strides = array<i32>} : memref<16x128xf32, #tpu.memory_space<vmem>>, vector<16xf32>,
              %sub3A_273 = arith.constant 1 : i32
              %sub3A_274 = arith.subi %scan3A_183, %sub3A_273 : i32
              %broadcast_in_dim3A_275 = vector.broadcast %sub3A_274 : i32 to vector<16xi32>
              %add3A_276 = arith.constant 112 : i32
              %add3A_277 = vector.broadcast %add3A_276 : i32 to vector<16xi32>
              %add3A_278 = arith.addi %iota3A, %add3A_277 : vector<16xi32>
              %gather3A_279 = tpu.vector_load_idx %arg13[%broadcast_in_dim3A_275, %add3A_278] : memref<16x128xf32, #tpu.memory_space<vmem>>[vector<16xi32>, vector<16xi32>], vector<16xf32>,
              %swap3A_280 = arith.index_cast %scan3A_194 : i32 to index
              %swap3A_281 = arith.constant 112 : index
              %swap3A_282 = tpu.vector_load %arg13[%swap3A_280, %swap3A_281] {strides = array<i32>} : memref<16x128xf32, #tpu.memory_space<vmem>>, vector<16xf32>,
              tpu.vector_store %arg13[%swap3A_280, %swap3A_281], %gather3A_279 {strides = array<i32>} : memref<16x128xf32, #tpu.memory_space<vmem>>, vector<16xf32>,
            } else {
            }
          }
          %scan3A_188 = arith.constant 16 : i32
          %dma_start3A = arith.constant 0 : i32
          %dma_start3A_189 = arith.constant 0 : i32
          %dma_start3A_190 = tpu.memref_slice %arg4[%dma_start3A, %dma_start3A_189] : memref<16384x128xf32, #tpu.memory_space<hbm>> -> memref<16384x128xf32, #tpu.memory_space<hbm>>
          tpu.enqueue_indirect_dma source(%arg13 : memref<16x128xf32, #tpu.memory_space<vmem>>) target(%dma_start3A_190 : memref<16384x128xf32, #tpu.memory_space<hbm>>) offsets(%arg14 : memref<16xi32, #tpu.memory_space<vmem>>) semaphore(%arg16 : memref<!tpu.dma_semaphore, #tpu.memory_space<semaphore_mem>>)
          %dma_wait3A_191 = arith.constant 0 : i32
          %dma_wait3A_192 = arith.constant 0 : i32
          %dma_wait3A_193 = tpu.memref_slice %arg4[%dma_wait3A_191, %dma_wait3A_192] : memref<16384x128xf32, #tpu.memory_space<hbm>> -> memref<16384x128xf32, #tpu.memory_space<hbm>>
          tpu.wait_indirect_dma semaphore(%arg16 : memref<!tpu.dma_semaphore, #tpu.memory_space<semaphore_mem>>) src(%arg13 : memref<16x128xf32, #tpu.memory_space<vmem>>) dst(%dma_wait3A_193 : memref<16384x128xf32, #tpu.memory_space<hbm>>)
        } else {
        }
        %add3A_178 = arith.constant 1 : i32
        %add3A_179 = arith.addi %while3A_115, %add3A_178 : i32
        %rem3A_180 = arith.constant 16 : i32
        %rem3A_181 = arith.remsi %add3A_179, %rem3A_180 : i32
        scf.yield %rem3A_181, %shift_right_logical3A_120 : i32, i32
      }
      scf.yield %while3A_113#0, %while3A_113#1 : i32, i32
    }
    %while3A_66 = arith.constant 1 : i32
    %while3A_67:2 = scf.for %while3A_70 = %while3A_63 to %while3A_59 step %while3A_66 iter_args(%while3A_71 = %while3A_65#0, %while3A_72 = %while3A_65#1) -> (i32, i32)  : i32 {
      %rem3A = arith.constant 7 : i32
      %rem3A_73 = arith.remsi %while3A_70, %rem3A : i32
      %get3A = arith.index_cast %while3A_70 : i32 to index
      %get3A_74 = memref.load %arg11[%get3A] : memref<246xi32, #tpu.memory_space<smem>>
      %multiple_of3A = arith.constant 0 : i32
      %multiple_of3A_75 = tpu.assume_multiple %multiple_of3A, 128 : i32
      %dma_wait3A = arith.constant 0 : i32
      %dma_wait3A_76 = arith.constant 0 : i32
      %dma_wait3A_77 = tpu.memref_slice %arg12[%rem3A_73, %dma_wait3A, %dma_wait3A_76] : memref<7x64x128xf32, #tpu.memory_space<vmem>> -> memref<1x64x128xf32, #tpu.memory_space<vmem>>
      %dma_wait3A_78 = tpu.memref_squeeze %dma_wait3A_77 : memref<1x64x128xf32, #tpu.memory_space<vmem>> -> memref<64x128xf32, #tpu.memory_space<vmem>>
      %dma_wait3A_79 = arith.constant 0 : i32
      %dma_wait3A_80 = tpu.memref_slice %arg3[%dma_wait3A_79, %multiple_of3A_75] : memref<64x1000000xf32, #tpu.memory_space<hbm>> -> memref<64x128xf32, #tpu.memory_space<hbm>>
      %dma_wait3A_81 = tpu.memref_slice %arg15[%rem3A_73] : memref<7x!tpu.dma_semaphore, #tpu.memory_space<semaphore_mem>> -> memref<1x!tpu.dma_semaphore, #tpu.memory_space<semaphore_mem>>
      %dma_wait3A_82 = tpu.memref_squeeze %dma_wait3A_81 : memref<1x!tpu.dma_semaphore, #tpu.memory_space<semaphore_mem>> -> memref<!tpu.dma_semaphore, #tpu.memory_space<semaphore_mem>>
      %dma_wait3A_83 = arith.constant 0 : i32
      %dma_wait3A_84 = arith.constant 0 : i32
      %dma_wait3A_85 = tpu.memref_slice %arg12[%rem3A_73, %dma_wait3A_83, %dma_wait3A_84] : memref<7x64x128xf32, #tpu.memory_space<vmem>> -> memref<1x64x128xf32, #tpu.memory_space<vmem>>
      %dma_wait3A_86 = tpu.memref_squeeze %dma_wait3A_85 : memref<1x64x128xf32, #tpu.memory_space<vmem>> -> memref<64x128xf32, #tpu.memory_space<vmem>>
      %dma_wait3A_87 = arith.constant 0 : i32
      %dma_wait3A_88 = tpu.memref_slice %arg3[%dma_wait3A_87, %multiple_of3A_75] : memref<64x1000000xf32, #tpu.memory_space<hbm>> -> memref<64x128xf32, #tpu.memory_space<hbm>>
      tpu.wait_dma2 semaphore(%dma_wait3A_82 : memref<!tpu.dma_semaphore, #tpu.memory_space<semaphore_mem>>) src(%dma_wait3A_88 : memref<64x128xf32, #tpu.memory_space<hbm>>) dst(%dma_wait3A_86 : memref<64x128xf32, #tpu.memory_space<vmem>>)
      %add3A_89 = arith.constant 7 : i32
      %add3A_90 = arith.addi %while3A_70, %add3A_89 : i32
      %sub3A_91 = arith.constant 1 : i32
      %sub3A_92 = arith.subi %add3A_90, %sub3A_91 : i32
      %lt3A = arith.cmpi slt, %sub3A_92, %scan3A_37#1 : i32
      %convert_element_type3A_93 = arith.extui %lt3A : i1 to i32
      %cond3A_94 = arith.constant 0 : i32
      %cond3A_95 = arith.cmpi ne, %convert_element_type3A_93, %cond3A_94 : i32
      scf.if %cond3A_95 {
        %add3A_114 = arith.constant 7 : i32
        %add3A_115 = arith.addi %while3A_70, %add3A_114 : i32
        %sub3A_116 = arith.constant 1 : i32
        %sub3A_117 = arith.subi %add3A_115, %sub3A_116 : i32
        %get3A_118 = arith.index_cast %sub3A_117 : i32 to index
        %get3A_119 = memref.load %arg11[%get3A_118] : memref<246xi32, #tpu.memory_space<smem>>
        %add3A_120 = arith.addi %mul3A_2, %get3A_119 : i32
        %mul3A_121 = arith.constant 128 : i32
        %mul3A_122 = arith.muli %add3A_120, %mul3A_121 : i32
        %multiple_of3A_123 = tpu.assume_multiple %mul3A_122, 128 : i32
        %rem3A_124 = arith.constant 7 : i32
        %rem3A_125 = arith.remsi %sub3A_117, %rem3A_124 : i32
        %rem3A_126 = arith.constant 7 : i32
        %rem3A_127 = arith.remsi %sub3A_117, %rem3A_126 : i32
        %dma_start3A = arith.constant 0 : i32
        %dma_start3A_128 = arith.constant 0 : i32
        %dma_start3A_129 = tpu.memref_slice %arg12[%rem3A_125, %dma_start3A, %dma_start3A_128] : memref<7x64x128xf32, #tpu.memory_space<vmem>> -> memref<1x64x128xf32, #tpu.memory_space<vmem>>
        %dma_start3A_130 = tpu.memref_squeeze %dma_start3A_129 : memref<1x64x128xf32, #tpu.memory_space<vmem>> -> memref<64x128xf32, #tpu.memory_space<vmem>>
        %dma_start3A_131 = arith.constant 0 : i32
        %dma_start3A_132 = tpu.memref_slice %arg3[%dma_start3A_131, %multiple_of3A_123] : memref<64x1000000xf32, #tpu.memory_space<hbm>> -> memref<64x128xf32, #tpu.memory_space<hbm>>
        %dma_start3A_133 = tpu.memref_slice %arg15[%rem3A_127] : memref<7x!tpu.dma_semaphore, #tpu.memory_space<semaphore_mem>> -> memref<1x!tpu.dma_semaphore, #tpu.memory_space<semaphore_mem>>
        %dma_start3A_134 = tpu.memref_squeeze %dma_start3A_133 : memref<1x!tpu.dma_semaphore, #tpu.memory_space<semaphore_mem>> -> memref<!tpu.dma_semaphore, #tpu.memory_space<semaphore_mem>>
        %dma_start3A_135 = arith.constant 0 : i32
        %dma_start3A_136 = arith.constant 0 : i32
        %dma_start3A_137 = tpu.memref_slice %arg12[%rem3A_125, %dma_start3A_135, %dma_start3A_136] : memref<7x64x128xf32, #tpu.memory_space<vmem>> -> memref<1x64x128xf32, #tpu.memory_space<vmem>>
        %dma_start3A_138 = tpu.memref_squeeze %dma_start3A_137 : memref<1x64x128xf32, #tpu.memory_space<vmem>> -> memref<64x128xf32, #tpu.memory_space<vmem>>
        %dma_start3A_139 = arith.constant 0 : i32
        %dma_start3A_140 = tpu.memref_slice %arg3[%dma_start3A_139, %multiple_of3A_123] : memref<64x1000000xf32, #tpu.memory_space<hbm>> -> memref<64x128xf32, #tpu.memory_space<hbm>>
        tpu.enqueue_dma source(%dma_start3A_140 : memref<64x128xf32, #tpu.memory_space<hbm>>) target(%dma_start3A_138 : memref<64x128xf32, #tpu.memory_space<vmem>>) target_semaphore(%dma_start3A_134 : memref<!tpu.dma_semaphore, #tpu.memory_space<semaphore_mem>>)
      } else {
      }
      %eq3A = arith.constant 0 : i32
      %eq3A_96 = arith.cmpi eq, %get3A_74, %eq3A : i32
      %sub3A_97 = arith.constant 1 : i32
      %sub3A_98 = arith.subi %get3A_74, %sub3A_97 : i32
      %max3A = arith.constant 0 : i32
      %max3A_99 = arith.maxsi %sub3A_98, %max3A : i32
      %get3A_100 = arith.index_cast %max3A_99 : i32 to index
      %get3A_101 = memref.load %arg10[%get3A_100] : memref<246xi32, #tpu.memory_space<smem>>
      %jit3A = arith.constant 0 : i32
      %select_n3A = arith.select %eq3A_96, %jit3A, %get3A_101 : i32
      %get3A_102 = arith.index_cast %get3A_74 : i32 to index
      %get3A_103 = memref.load %arg10[%get3A_102] : memref<246xi32, #tpu.memory_space<smem>>
      %while3A_104 = arith.subi %get3A_103, %select_n3A : i32
      %while3A_105 = arith.addi %select_n3A, %while3A_104 : i32
      %while3A_106 = arith.constant 1 : i32
      %while3A_107 = arith.divsi %while3A_104, %while3A_106 : i32
      %while3A_108 = arith.muli %while3A_107, %while3A_106 : i32
      %while3A_109 = arith.addi %select_n3A, %while3A_108 : i32
      %while3A_110 = arith.constant 1 : i32
      %while3A_111:2 = scf.for %while3A_114 = %select_n3A to %while3A_109 step %while3A_110 iter_args(%while3A_115 = %while3A_71, %while3A_116 = %while3A_72) -> (i32, i32)  : i32 {
        %get3A_117 = arith.index_cast %while3A_114 : i32 to index
        %get3A_118 = tpu.vector_load %arg8[%get3A_117] {strides = array<i32>} : memref<16400xi32, #tpu.memory_space<vmem>>, vector<16xi32>,
        %slice3A = vector.extract_strided_slice %get3A_118 {offsets = [0], sizes = [1], strides = [1]} : vector<16xi32> to vector<1xi32>
        %squeeze3A = vector.extract %slice3A[0] : i32 from vector<1xi32>
        %shift_right_logical3A_119 = arith.constant 7 : i32
        %shift_right_logical3A_120 = arith.shrui %squeeze3A, %shift_right_logical3A_119 : i32
        %and3A = arith.constant 127 : i32
        %and3A_121 = arith.andi %squeeze3A, %and3A : i32
        %add3A_122 = arith.constant 0 : i32
        %add3A_123 = vector.broadcast %add3A_122 : i32 to vector<16xi32>
        %add3A_124 = arith.addi %iota3A, %add3A_123 : vector<16xi32>
        %broadcast_in_dim3A_125 = vector.broadcast %and3A_121 : i32 to vector<16xi32>
        %gather3A = arith.constant 0 : i32
        %gather3A_126 = arith.constant 0 : i32
        %gather3A_127 = tpu.memref_slice %arg12[%rem3A_73, %gather3A, %gather3A_126] : memref<7x64x128xf32, #tpu.memory_space<vmem>> -> memref<1x64x128xf32, #tpu.memory_space<vmem>>
        %gather3A_128 = tpu.memref_squeeze %gather3A_127 : memref<1x64x128xf32, #tpu.memory_space<vmem>> -> memref<64x128xf32, #tpu.memory_space<vmem>>
        %gather3A_129 = tpu.vector_load_idx %gather3A_128[%add3A_124, %broadcast_in_dim3A_125] : memref<64x128xf32, #tpu.memory_space<vmem>>[vector<16xi32>, vector<16xi32>], vector<16xf32>,
        %swap3A = arith.index_cast %while3A_115 : i32 to index
        %swap3A_130 = arith.constant 0 : index
        %swap3A_131 = tpu.vector_load %arg13[%swap3A, %swap3A_130] {strides = array<i32>} : memref<16x128xf32, #tpu.memory_space<vmem>>, vector<16xf32>,
        tpu.vector_store %arg13[%swap3A, %swap3A_130], %gather3A_129 {strides = array<i32>} : memref<16x128xf32, #tpu.memory_space<vmem>>, vector<16xf32>,
        %add3A_132 = arith.constant 16 : i32
        %add3A_133 = vector.broadcast %add3A_132 : i32 to vector<16xi32>
        %add3A_134 = arith.addi %iota3A, %add3A_133 : vector<16xi32>
        %broadcast_in_dim3A_135 = vector.broadcast %and3A_121 : i32 to vector<16xi32>
        %gather3A_136 = arith.constant 0 : i32
        %gather3A_137 = arith.constant 0 : i32
        %gather3A_138 = tpu.memref_slice %arg12[%rem3A_73, %gather3A_136, %gather3A_137] : memref<7x64x128xf32, #tpu.memory_space<vmem>> -> memref<1x64x128xf32, #tpu.memory_space<vmem>>
        %gather3A_139 = tpu.memref_squeeze %gather3A_138 : memref<1x64x128xf32, #tpu.memory_space<vmem>> -> memref<64x128xf32, #tpu.memory_space<vmem>>
        %gather3A_140 = tpu.vector_load_idx %gather3A_139[%add3A_134, %broadcast_in_dim3A_135] : memref<64x128xf32, #tpu.memory_space<vmem>>[vector<16xi32>, vector<16xi32>], vector<16xf32>,
        %swap3A_141 = arith.index_cast %while3A_115 : i32 to index
        %swap3A_142 = arith.constant 16 : index
        %swap3A_143 = tpu.vector_load %arg13[%swap3A_141, %swap3A_142] {strides = array<i32>} : memref<16x128xf32, #tpu.memory_space<vmem>>, vector<16xf32>,
        tpu.vector_store %arg13[%swap3A_141, %swap3A_142], %gather3A_140 {strides = array<i32>} : memref<16x128xf32, #tpu.memory_space<vmem>>, vector<16xf32>,
        %add3A_144 = arith.constant 32 : i32
        %add3A_145 = vector.broadcast %add3A_144 : i32 to vector<16xi32>
        %add3A_146 = arith.addi %iota3A, %add3A_145 : vector<16xi32>
        %broadcast_in_dim3A_147 = vector.broadcast %and3A_121 : i32 to vector<16xi32>
        %gather3A_148 = arith.constant 0 : i32
        %gather3A_149 = arith.constant 0 : i32
        %gather3A_150 = tpu.memref_slice %arg12[%rem3A_73, %gather3A_148, %gather3A_149] : memref<7x64x128xf32, #tpu.memory_space<vmem>> -> memref<1x64x128xf32, #tpu.memory_space<vmem>>
        %gather3A_151 = tpu.memref_squeeze %gather3A_150 : memref<1x64x128xf32, #tpu.memory_space<vmem>> -> memref<64x128xf32, #tpu.memory_space<vmem>>
        %gather3A_152 = tpu.vector_load_idx %gather3A_151[%add3A_146, %broadcast_in_dim3A_147] : memref<64x128xf32, #tpu.memory_space<vmem>>[vector<16xi32>, vector<16xi32>], vector<16xf32>,
        %swap3A_153 = arith.index_cast %while3A_115 : i32 to index
        %swap3A_154 = arith.constant 32 : index
        %swap3A_155 = tpu.vector_load %arg13[%swap3A_153, %swap3A_154] {strides = array<i32>} : memref<16x128xf32, #tpu.memory_space<vmem>>, vector<16xf32>,
        tpu.vector_store %arg13[%swap3A_153, %swap3A_154], %gather3A_152 {strides = array<i32>} : memref<16x128xf32, #tpu.memory_space<vmem>>, vector<16xf32>,
        %add3A_156 = arith.constant 48 : i32
        %add3A_157 = vector.broadcast %add3A_156 : i32 to vector<16xi32>
        %add3A_158 = arith.addi %iota3A, %add3A_157 : vector<16xi32>
        %broadcast_in_dim3A_159 = vector.broadcast %and3A_121 : i32 to vector<16xi32>
        %gather3A_160 = arith.constant 0 : i32
        %gather3A_161 = arith.constant 0 : i32
        %gather3A_162 = tpu.memref_slice %arg12[%rem3A_73, %gather3A_160, %gather3A_161] : memref<7x64x128xf32, #tpu.memory_space<vmem>> -> memref<1x64x128xf32, #tpu.memory_space<vmem>>
        %gather3A_163 = tpu.memref_squeeze %gather3A_162 : memref<1x64x128xf32, #tpu.memory_space<vmem>> -> memref<64x128xf32, #tpu.memory_space<vmem>>
        %gather3A_164 = tpu.vector_load_idx %gather3A_163[%add3A_158, %broadcast_in_dim3A_159] : memref<64x128xf32, #tpu.memory_space<vmem>>[vector<16xi32>, vector<16xi32>], vector<16xf32>,
        %swap3A_165 = arith.index_cast %while3A_115 : i32 to index
        %swap3A_166 = arith.constant 48 : index
        %swap3A_167 = tpu.vector_load %arg13[%swap3A_165, %swap3A_166] {strides = array<i32>} : memref<16x128xf32, #tpu.memory_space<vmem>>, vector<16xf32>,
        tpu.vector_store %arg13[%swap3A_165, %swap3A_166], %gather3A_164 {strides = array<i32>} : memref<16x128xf32, #tpu.memory_space<vmem>>, vector<16xf32>,
        %broadcast_in_dim3A_168 = vector.broadcast %while3A_115 : i32 to vector<16xi32>
        %broadcast_in_dim3A_169 = vector.broadcast %shift_right_logical3A_120 : i32 to vector<16xi32>
        %eq3A_170 = arith.constant 0 : i32
        %eq3A_171 = vector.broadcast %eq3A_170 : i32 to vector<16xi32>
        %eq3A_172 = arith.cmpi eq, %iota3A, %eq3A_171 : vector<16xi32>
        tpu.vector_store_idx %arg14[%broadcast_in_dim3A_168], %broadcast_in_dim3A_169 masked %eq3A_172 : memref<16xi32, #tpu.memory_space<vmem>>[vector<16xi32>], vector<16xi32>, vector<16xi1>
        %eq3A_173 = arith.constant 15 : i32
        %eq3A_174 = arith.cmpi eq, %while3A_115, %eq3A_173 : i32
        %convert_element_type3A_175 = arith.extui %eq3A_174 : i1 to i32
        %cond3A_176 = arith.constant 0 : i32
        %cond3A_177 = arith.cmpi ne, %convert_element_type3A_175, %cond3A_176 : i32
        scf.if %cond3A_177 {
          %scan3A_182 = arith.constant 0 : i32
          %scan3A_183 = arith.constant 16 : i32
          %scan3A_184 = arith.constant 0 : i32
          %scan3A_185 = arith.constant 16 : i32
          %scan3A_186 = arith.addi %scan3A_184, %scan3A_185 : i32
          %scan3A_187 = arith.constant 1 : i32
          scf.for %scan3A_194 = %scan3A_184 to %scan3A_186 step %scan3A_187  : i32 {
            %ge3A = arith.cmpi sge, %scan3A_194, %scan3A_183 : i32
            %convert_element_type3A_195 = arith.extui %ge3A : i1 to i32
            %cond3A_196 = arith.constant 0 : i32
            %cond3A_197 = arith.cmpi ne, %convert_element_type3A_195, %cond3A_196 : i32
            scf.if %cond3A_197 {
              %broadcast_in_dim3A_198 = vector.broadcast %scan3A_194 : i32 to vector<16xi32>
              %broadcast_in_dim3A_199 = vector.broadcast %shift_right_logical3A_120 : i32 to vector<16xi32>
              %eq3A_200 = arith.constant 0 : i32
              %eq3A_201 = vector.broadcast %eq3A_200 : i32 to vector<16xi32>
              %eq3A_202 = arith.cmpi eq, %iota3A, %eq3A_201 : vector<16xi32>
              tpu.vector_store_idx %arg14[%broadcast_in_dim3A_198], %broadcast_in_dim3A_199 masked %eq3A_202 : memref<16xi32, #tpu.memory_space<vmem>>[vector<16xi32>], vector<16xi32>, vector<16xi1>
              %sub3A_203 = arith.constant 1 : i32
              %sub3A_204 = arith.subi %scan3A_183, %sub3A_203 : i32
              %broadcast_in_dim3A_205 = vector.broadcast %sub3A_204 : i32 to vector<16xi32>
              %add3A_206 = arith.constant 0 : i32
              %add3A_207 = vector.broadcast %add3A_206 : i32 to vector<16xi32>
              %add3A_208 = arith.addi %iota3A, %add3A_207 : vector<16xi32>
              %gather3A_209 = tpu.vector_load_idx %arg13[%broadcast_in_dim3A_205, %add3A_208] : memref<16x128xf32, #tpu.memory_space<vmem>>[vector<16xi32>, vector<16xi32>], vector<16xf32>,
              %swap3A_210 = arith.index_cast %scan3A_194 : i32 to index
              %swap3A_211 = arith.constant 0 : index
              %swap3A_212 = tpu.vector_load %arg13[%swap3A_210, %swap3A_211] {strides = array<i32>} : memref<16x128xf32, #tpu.memory_space<vmem>>, vector<16xf32>,
              tpu.vector_store %arg13[%swap3A_210, %swap3A_211], %gather3A_209 {strides = array<i32>} : memref<16x128xf32, #tpu.memory_space<vmem>>, vector<16xf32>,
              %sub3A_213 = arith.constant 1 : i32
              %sub3A_214 = arith.subi %scan3A_183, %sub3A_213 : i32
              %broadcast_in_dim3A_215 = vector.broadcast %sub3A_214 : i32 to vector<16xi32>
              %add3A_216 = arith.constant 16 : i32
              %add3A_217 = vector.broadcast %add3A_216 : i32 to vector<16xi32>
              %add3A_218 = arith.addi %iota3A, %add3A_217 : vector<16xi32>
              %gather3A_219 = tpu.vector_load_idx %arg13[%broadcast_in_dim3A_215, %add3A_218] : memref<16x128xf32, #tpu.memory_space<vmem>>[vector<16xi32>, vector<16xi32>], vector<16xf32>,
              %swap3A_220 = arith.index_cast %scan3A_194 : i32 to index
              %swap3A_221 = arith.constant 16 : index
              %swap3A_222 = tpu.vector_load %arg13[%swap3A_220, %swap3A_221] {strides = array<i32>} : memref<16x128xf32, #tpu.memory_space<vmem>>, vector<16xf32>,
              tpu.vector_store %arg13[%swap3A_220, %swap3A_221], %gather3A_219 {strides = array<i32>} : memref<16x128xf32, #tpu.memory_space<vmem>>, vector<16xf32>,
              %sub3A_223 = arith.constant 1 : i32
              %sub3A_224 = arith.subi %scan3A_183, %sub3A_223 : i32
              %broadcast_in_dim3A_225 = vector.broadcast %sub3A_224 : i32 to vector<16xi32>
              %add3A_226 = arith.constant 32 : i32
              %add3A_227 = vector.broadcast %add3A_226 : i32 to vector<16xi32>
              %add3A_228 = arith.addi %iota3A, %add3A_227 : vector<16xi32>
              %gather3A_229 = tpu.vector_load_idx %arg13[%broadcast_in_dim3A_225, %add3A_228] : memref<16x128xf32, #tpu.memory_space<vmem>>[vector<16xi32>, vector<16xi32>], vector<16xf32>,
              %swap3A_230 = arith.index_cast %scan3A_194 : i32 to index
              %swap3A_231 = arith.constant 32 : index
              %swap3A_232 = tpu.vector_load %arg13[%swap3A_230, %swap3A_231] {strides = array<i32>} : memref<16x128xf32, #tpu.memory_space<vmem>>, vector<16xf32>,
              tpu.vector_store %arg13[%swap3A_230, %swap3A_231], %gather3A_229 {strides = array<i32>} : memref<16x128xf32, #tpu.memory_space<vmem>>, vector<16xf32>,
              %sub3A_233 = arith.constant 1 : i32
              %sub3A_234 = arith.subi %scan3A_183, %sub3A_233 : i32
              %broadcast_in_dim3A_235 = vector.broadcast %sub3A_234 : i32 to vector<16xi32>
              %add3A_236 = arith.constant 48 : i32
              %add3A_237 = vector.broadcast %add3A_236 : i32 to vector<16xi32>
              %add3A_238 = arith.addi %iota3A, %add3A_237 : vector<16xi32>
              %gather3A_239 = tpu.vector_load_idx %arg13[%broadcast_in_dim3A_235, %add3A_238] : memref<16x128xf32, #tpu.memory_space<vmem>>[vector<16xi32>, vector<16xi32>], vector<16xf32>,
              %swap3A_240 = arith.index_cast %scan3A_194 : i32 to index
              %swap3A_241 = arith.constant 48 : index
              %swap3A_242 = tpu.vector_load %arg13[%swap3A_240, %swap3A_241] {strides = array<i32>} : memref<16x128xf32, #tpu.memory_space<vmem>>, vector<16xf32>,
              tpu.vector_store %arg13[%swap3A_240, %swap3A_241], %gather3A_239 {strides = array<i32>} : memref<16x128xf32, #tpu.memory_space<vmem>>, vector<16xf32>,
              %sub3A_243 = arith.constant 1 : i32
              %sub3A_244 = arith.subi %scan3A_183, %sub3A_243 : i32
              %broadcast_in_dim3A_245 = vector.broadcast %sub3A_244 : i32 to vector<16xi32>
              %add3A_246 = arith.constant 64 : i32
              %add3A_247 = vector.broadcast %add3A_246 : i32 to vector<16xi32>
              %add3A_248 = arith.addi %iota3A, %add3A_247 : vector<16xi32>
              %gather3A_249 = tpu.vector_load_idx %arg13[%broadcast_in_dim3A_245, %add3A_248] : memref<16x128xf32, #tpu.memory_space<vmem>>[vector<16xi32>, vector<16xi32>], vector<16xf32>,
              %swap3A_250 = arith.index_cast %scan3A_194 : i32 to index
              %swap3A_251 = arith.constant 64 : index
              %swap3A_252 = tpu.vector_load %arg13[%swap3A_250, %swap3A_251] {strides = array<i32>} : memref<16x128xf32, #tpu.memory_space<vmem>>, vector<16xf32>,
              tpu.vector_store %arg13[%swap3A_250, %swap3A_251], %gather3A_249 {strides = array<i32>} : memref<16x128xf32, #tpu.memory_space<vmem>>, vector<16xf32>,
              %sub3A_253 = arith.constant 1 : i32
              %sub3A_254 = arith.subi %scan3A_183, %sub3A_253 : i32
              %broadcast_in_dim3A_255 = vector.broadcast %sub3A_254 : i32 to vector<16xi32>
              %add3A_256 = arith.constant 80 : i32
              %add3A_257 = vector.broadcast %add3A_256 : i32 to vector<16xi32>
              %add3A_258 = arith.addi %iota3A, %add3A_257 : vector<16xi32>
              %gather3A_259 = tpu.vector_load_idx %arg13[%broadcast_in_dim3A_255, %add3A_258] : memref<16x128xf32, #tpu.memory_space<vmem>>[vector<16xi32>, vector<16xi32>], vector<16xf32>,
              %swap3A_260 = arith.index_cast %scan3A_194 : i32 to index
              %swap3A_261 = arith.constant 80 : index
              %swap3A_262 = tpu.vector_load %arg13[%swap3A_260, %swap3A_261] {strides = array<i32>} : memref<16x128xf32, #tpu.memory_space<vmem>>, vector<16xf32>,
              tpu.vector_store %arg13[%swap3A_260, %swap3A_261], %gather3A_259 {strides = array<i32>} : memref<16x128xf32, #tpu.memory_space<vmem>>, vector<16xf32>,
              %sub3A_263 = arith.constant 1 : i32
              %sub3A_264 = arith.subi %scan3A_183, %sub3A_263 : i32
              %broadcast_in_dim3A_265 = vector.broadcast %sub3A_264 : i32 to vector<16xi32>
              %add3A_266 = arith.constant 96 : i32
              %add3A_267 = vector.broadcast %add3A_266 : i32 to vector<16xi32>
              %add3A_268 = arith.addi %iota3A, %add3A_267 : vector<16xi32>
              %gather3A_269 = tpu.vector_load_idx %arg13[%broadcast_in_dim3A_265, %add3A_268] : memref<16x128xf32, #tpu.memory_space<vmem>>[vector<16xi32>, vector<16xi32>], vector<16xf32>,
              %swap3A_270 = arith.index_cast %scan3A_194 : i32 to index
              %swap3A_271 = arith.constant 96 : index
              %swap3A_272 = tpu.vector_load %arg13[%swap3A_270, %swap3A_271] {strides = array<i32>} : memref<16x128xf32, #tpu.memory_space<vmem>>, vector<16xf32>,
              tpu.vector_store %arg13[%swap3A_270, %swap3A_271], %gather3A_269 {strides = array<i32>} : memref<16x128xf32, #tpu.memory_space<vmem>>, vector<16xf32>,
              %sub3A_273 = arith.constant 1 : i32
              %sub3A_274 = arith.subi %scan3A_183, %sub3A_273 : i32
              %broadcast_in_dim3A_275 = vector.broadcast %sub3A_274 : i32 to vector<16xi32>
              %add3A_276 = arith.constant 112 : i32
              %add3A_277 = vector.broadcast %add3A_276 : i32 to vector<16xi32>
              %add3A_278 = arith.addi %iota3A, %add3A_277 : vector<16xi32>
              %gather3A_279 = tpu.vector_load_idx %arg13[%broadcast_in_dim3A_275, %add3A_278] : memref<16x128xf32, #tpu.memory_space<vmem>>[vector<16xi32>, vector<16xi32>], vector<16xf32>,
              %swap3A_280 = arith.index_cast %scan3A_194 : i32 to index
              %swap3A_281 = arith.constant 112 : index
              %swap3A_282 = tpu.vector_load %arg13[%swap3A_280, %swap3A_281] {strides = array<i32>} : memref<16x128xf32, #tpu.memory_space<vmem>>, vector<16xf32>,
              tpu.vector_store %arg13[%swap3A_280, %swap3A_281], %gather3A_279 {strides = array<i32>} : memref<16x128xf32, #tpu.memory_space<vmem>>, vector<16xf32>,
            } else {
            }
          }
          %scan3A_188 = arith.constant 16 : i32
          %dma_start3A = arith.constant 0 : i32
          %dma_start3A_189 = arith.constant 0 : i32
          %dma_start3A_190 = tpu.memref_slice %arg4[%dma_start3A, %dma_start3A_189] : memref<16384x128xf32, #tpu.memory_space<hbm>> -> memref<16384x128xf32, #tpu.memory_space<hbm>>
          tpu.enqueue_indirect_dma source(%arg13 : memref<16x128xf32, #tpu.memory_space<vmem>>) target(%dma_start3A_190 : memref<16384x128xf32, #tpu.memory_space<hbm>>) offsets(%arg14 : memref<16xi32, #tpu.memory_space<vmem>>) semaphore(%arg16 : memref<!tpu.dma_semaphore, #tpu.memory_space<semaphore_mem>>)
          %dma_wait3A_191 = arith.constant 0 : i32
          %dma_wait3A_192 = arith.constant 0 : i32
          %dma_wait3A_193 = tpu.memref_slice %arg4[%dma_wait3A_191, %dma_wait3A_192] : memref<16384x128xf32, #tpu.memory_space<hbm>> -> memref<16384x128xf32, #tpu.memory_space<hbm>>
          tpu.wait_indirect_dma semaphore(%arg16 : memref<!tpu.dma_semaphore, #tpu.memory_space<semaphore_mem>>) src(%arg13 : memref<16x128xf32, #tpu.memory_space<vmem>>) dst(%dma_wait3A_193 : memref<16384x128xf32, #tpu.memory_space<hbm>>)
        } else {
        }
        %add3A_178 = arith.constant 1 : i32
        %add3A_179 = arith.addi %while3A_115, %add3A_178 : i32
        %rem3A_180 = arith.constant 16 : i32
        %rem3A_181 = arith.remsi %add3A_179, %rem3A_180 : i32
        scf.yield %rem3A_181, %shift_right_logical3A_120 : i32, i32
      }
      %while3A_112 = arith.constant 1 : i32
      %while3A_113:2 = scf.for %while3A_114 = %while3A_109 to %while3A_105 step %while3A_112 iter_args(%while3A_115 = %while3A_111#0, %while3A_116 = %while3A_111#1) -> (i32, i32)  : i32 {
        %get3A_117 = arith.index_cast %while3A_114 : i32 to index
        %get3A_118 = tpu.vector_load %arg8[%get3A_117] {strides = array<i32>} : memref<16400xi32, #tpu.memory_space<vmem>>, vector<16xi32>,
        %slice3A = vector.extract_strided_slice %get3A_118 {offsets = [0], sizes = [1], strides = [1]} : vector<16xi32> to vector<1xi32>
        %squeeze3A = vector.extract %slice3A[0] : i32 from vector<1xi32>
        %shift_right_logical3A_119 = arith.constant 7 : i32
        %shift_right_logical3A_120 = arith.shrui %squeeze3A, %shift_right_logical3A_119 : i32
        %and3A = arith.constant 127 : i32
        %and3A_121 = arith.andi %squeeze3A, %and3A : i32
        %add3A_122 = arith.constant 0 : i32
        %add3A_123 = vector.broadcast %add3A_122 : i32 to vector<16xi32>
        %add3A_124 = arith.addi %iota3A, %add3A_123 : vector<16xi32>
        %broadcast_in_dim3A_125 = vector.broadcast %and3A_121 : i32 to vector<16xi32>
        %gather3A = arith.constant 0 : i32
        %gather3A_126 = arith.constant 0 : i32
        %gather3A_127 = tpu.memref_slice %arg12[%rem3A_73, %gather3A, %gather3A_126] : memref<7x64x128xf32, #tpu.memory_space<vmem>> -> memref<1x64x128xf32, #tpu.memory_space<vmem>>
        %gather3A_128 = tpu.memref_squeeze %gather3A_127 : memref<1x64x128xf32, #tpu.memory_space<vmem>> -> memref<64x128xf32, #tpu.memory_space<vmem>>
        %gather3A_129 = tpu.vector_load_idx %gather3A_128[%add3A_124, %broadcast_in_dim3A_125] : memref<64x128xf32, #tpu.memory_space<vmem>>[vector<16xi32>, vector<16xi32>], vector<16xf32>,
        %swap3A = arith.index_cast %while3A_115 : i32 to index
        %swap3A_130 = arith.constant 0 : index
        %swap3A_131 = tpu.vector_load %arg13[%swap3A, %swap3A_130] {strides = array<i32>} : memref<16x128xf32, #tpu.memory_space<vmem>>, vector<16xf32>,
        tpu.vector_store %arg13[%swap3A, %swap3A_130], %gather3A_129 {strides = array<i32>} : memref<16x128xf32, #tpu.memory_space<vmem>>, vector<16xf32>,
        %add3A_132 = arith.constant 16 : i32
        %add3A_133 = vector.broadcast %add3A_132 : i32 to vector<16xi32>
        %add3A_134 = arith.addi %iota3A, %add3A_133 : vector<16xi32>
        %broadcast_in_dim3A_135 = vector.broadcast %and3A_121 : i32 to vector<16xi32>
        %gather3A_136 = arith.constant 0 : i32
        %gather3A_137 = arith.constant 0 : i32
        %gather3A_138 = tpu.memref_slice %arg12[%rem3A_73, %gather3A_136, %gather3A_137] : memref<7x64x128xf32, #tpu.memory_space<vmem>> -> memref<1x64x128xf32, #tpu.memory_space<vmem>>
        %gather3A_139 = tpu.memref_squeeze %gather3A_138 : memref<1x64x128xf32, #tpu.memory_space<vmem>> -> memref<64x128xf32, #tpu.memory_space<vmem>>
        %gather3A_140 = tpu.vector_load_idx %gather3A_139[%add3A_134, %broadcast_in_dim3A_135] : memref<64x128xf32, #tpu.memory_space<vmem>>[vector<16xi32>, vector<16xi32>], vector<16xf32>,
        %swap3A_141 = arith.index_cast %while3A_115 : i32 to index
        %swap3A_142 = arith.constant 16 : index
        %swap3A_143 = tpu.vector_load %arg13[%swap3A_141, %swap3A_142] {strides = array<i32>} : memref<16x128xf32, #tpu.memory_space<vmem>>, vector<16xf32>,
        tpu.vector_store %arg13[%swap3A_141, %swap3A_142], %gather3A_140 {strides = array<i32>} : memref<16x128xf32, #tpu.memory_space<vmem>>, vector<16xf32>,
        %add3A_144 = arith.constant 32 : i32
        %add3A_145 = vector.broadcast %add3A_144 : i32 to vector<16xi32>
        %add3A_146 = arith.addi %iota3A, %add3A_145 : vector<16xi32>
        %broadcast_in_dim3A_147 = vector.broadcast %and3A_121 : i32 to vector<16xi32>
        %gather3A_148 = arith.constant 0 : i32
        %gather3A_149 = arith.constant 0 : i32
        %gather3A_150 = tpu.memref_slice %arg12[%rem3A_73, %gather3A_148, %gather3A_149] : memref<7x64x128xf32, #tpu.memory_space<vmem>> -> memref<1x64x128xf32, #tpu.memory_space<vmem>>
        %gather3A_151 = tpu.memref_squeeze %gather3A_150 : memref<1x64x128xf32, #tpu.memory_space<vmem>> -> memref<64x128xf32, #tpu.memory_space<vmem>>
        %gather3A_152 = tpu.vector_load_idx %gather3A_151[%add3A_146, %broadcast_in_dim3A_147] : memref<64x128xf32, #tpu.memory_space<vmem>>[vector<16xi32>, vector<16xi32>], vector<16xf32>,
        %swap3A_153 = arith.index_cast %while3A_115 : i32 to index
        %swap3A_154 = arith.constant 32 : index
        %swap3A_155 = tpu.vector_load %arg13[%swap3A_153, %swap3A_154] {strides = array<i32>} : memref<16x128xf32, #tpu.memory_space<vmem>>, vector<16xf32>,
        tpu.vector_store %arg13[%swap3A_153, %swap3A_154], %gather3A_152 {strides = array<i32>} : memref<16x128xf32, #tpu.memory_space<vmem>>, vector<16xf32>,
        %add3A_156 = arith.constant 48 : i32
        %add3A_157 = vector.broadcast %add3A_156 : i32 to vector<16xi32>
        %add3A_158 = arith.addi %iota3A, %add3A_157 : vector<16xi32>
        %broadcast_in_dim3A_159 = vector.broadcast %and3A_121 : i32 to vector<16xi32>
        %gather3A_160 = arith.constant 0 : i32
        %gather3A_161 = arith.constant 0 : i32
        %gather3A_162 = tpu.memref_slice %arg12[%rem3A_73, %gather3A_160, %gather3A_161] : memref<7x64x128xf32, #tpu.memory_space<vmem>> -> memref<1x64x128xf32, #tpu.memory_space<vmem>>
        %gather3A_163 = tpu.memref_squeeze %gather3A_162 : memref<1x64x128xf32, #tpu.memory_space<vmem>> -> memref<64x128xf32, #tpu.memory_space<vmem>>
        %gather3A_164 = tpu.vector_load_idx %gather3A_163[%add3A_158, %broadcast_in_dim3A_159] : memref<64x128xf32, #tpu.memory_space<vmem>>[vector<16xi32>, vector<16xi32>], vector<16xf32>,
        %swap3A_165 = arith.index_cast %while3A_115 : i32 to index
        %swap3A_166 = arith.constant 48 : index
        %swap3A_167 = tpu.vector_load %arg13[%swap3A_165, %swap3A_166] {strides = array<i32>} : memref<16x128xf32, #tpu.memory_space<vmem>>, vector<16xf32>,
        tpu.vector_store %arg13[%swap3A_165, %swap3A_166], %gather3A_164 {strides = array<i32>} : memref<16x128xf32, #tpu.memory_space<vmem>>, vector<16xf32>,
        %broadcast_in_dim3A_168 = vector.broadcast %while3A_115 : i32 to vector<16xi32>
        %broadcast_in_dim3A_169 = vector.broadcast %shift_right_logical3A_120 : i32 to vector<16xi32>
        %eq3A_170 = arith.constant 0 : i32
        %eq3A_171 = vector.broadcast %eq3A_170 : i32 to vector<16xi32>
        %eq3A_172 = arith.cmpi eq, %iota3A, %eq3A_171 : vector<16xi32>
        tpu.vector_store_idx %arg14[%broadcast_in_dim3A_168], %broadcast_in_dim3A_169 masked %eq3A_172 : memref<16xi32, #tpu.memory_space<vmem>>[vector<16xi32>], vector<16xi32>, vector<16xi1>
        %eq3A_173 = arith.constant 15 : i32
        %eq3A_174 = arith.cmpi eq, %while3A_115, %eq3A_173 : i32
        %convert_element_type3A_175 = arith.extui %eq3A_174 : i1 to i32
        %cond3A_176 = arith.constant 0 : i32
        %cond3A_177 = arith.cmpi ne, %convert_element_type3A_175, %cond3A_176 : i32
        scf.if %cond3A_177 {
          %scan3A_182 = arith.constant 0 : i32
          %scan3A_183 = arith.constant 16 : i32
          %scan3A_184 = arith.constant 0 : i32
          %scan3A_185 = arith.constant 16 : i32
          %scan3A_186 = arith.addi %scan3A_184, %scan3A_185 : i32
          %scan3A_187 = arith.constant 1 : i32
          scf.for %scan3A_194 = %scan3A_184 to %scan3A_186 step %scan3A_187  : i32 {
            %ge3A = arith.cmpi sge, %scan3A_194, %scan3A_183 : i32
            %convert_element_type3A_195 = arith.extui %ge3A : i1 to i32
            %cond3A_196 = arith.constant 0 : i32
            %cond3A_197 = arith.cmpi ne, %convert_element_type3A_195, %cond3A_196 : i32
            scf.if %cond3A_197 {
              %broadcast_in_dim3A_198 = vector.broadcast %scan3A_194 : i32 to vector<16xi32>
              %broadcast_in_dim3A_199 = vector.broadcast %shift_right_logical3A_120 : i32 to vector<16xi32>
              %eq3A_200 = arith.constant 0 : i32
              %eq3A_201 = vector.broadcast %eq3A_200 : i32 to vector<16xi32>
              %eq3A_202 = arith.cmpi eq, %iota3A, %eq3A_201 : vector<16xi32>
              tpu.vector_store_idx %arg14[%broadcast_in_dim3A_198], %broadcast_in_dim3A_199 masked %eq3A_202 : memref<16xi32, #tpu.memory_space<vmem>>[vector<16xi32>], vector<16xi32>, vector<16xi1>
              %sub3A_203 = arith.constant 1 : i32
              %sub3A_204 = arith.subi %scan3A_183, %sub3A_203 : i32
              %broadcast_in_dim3A_205 = vector.broadcast %sub3A_204 : i32 to vector<16xi32>
              %add3A_206 = arith.constant 0 : i32
              %add3A_207 = vector.broadcast %add3A_206 : i32 to vector<16xi32>
              %add3A_208 = arith.addi %iota3A, %add3A_207 : vector<16xi32>
              %gather3A_209 = tpu.vector_load_idx %arg13[%broadcast_in_dim3A_205, %add3A_208] : memref<16x128xf32, #tpu.memory_space<vmem>>[vector<16xi32>, vector<16xi32>], vector<16xf32>,
              %swap3A_210 = arith.index_cast %scan3A_194 : i32 to index
              %swap3A_211 = arith.constant 0 : index
              %swap3A_212 = tpu.vector_load %arg13[%swap3A_210, %swap3A_211] {strides = array<i32>} : memref<16x128xf32, #tpu.memory_space<vmem>>, vector<16xf32>,
              tpu.vector_store %arg13[%swap3A_210, %swap3A_211], %gather3A_209 {strides = array<i32>} : memref<16x128xf32, #tpu.memory_space<vmem>>, vector<16xf32>,
              %sub3A_213 = arith.constant 1 : i32
              %sub3A_214 = arith.subi %scan3A_183, %sub3A_213 : i32
              %broadcast_in_dim3A_215 = vector.broadcast %sub3A_214 : i32 to vector<16xi32>
              %add3A_216 = arith.constant 16 : i32
              %add3A_217 = vector.broadcast %add3A_216 : i32 to vector<16xi32>
              %add3A_218 = arith.addi %iota3A, %add3A_217 : vector<16xi32>
              %gather3A_219 = tpu.vector_load_idx %arg13[%broadcast_in_dim3A_215, %add3A_218] : memref<16x128xf32, #tpu.memory_space<vmem>>[vector<16xi32>, vector<16xi32>], vector<16xf32>,
              %swap3A_220 = arith.index_cast %scan3A_194 : i32 to index
              %swap3A_221 = arith.constant 16 : index
              %swap3A_222 = tpu.vector_load %arg13[%swap3A_220, %swap3A_221] {strides = array<i32>} : memref<16x128xf32, #tpu.memory_space<vmem>>, vector<16xf32>,
              tpu.vector_store %arg13[%swap3A_220, %swap3A_221], %gather3A_219 {strides = array<i32>} : memref<16x128xf32, #tpu.memory_space<vmem>>, vector<16xf32>,
              %sub3A_223 = arith.constant 1 : i32
              %sub3A_224 = arith.subi %scan3A_183, %sub3A_223 : i32
              %broadcast_in_dim3A_225 = vector.broadcast %sub3A_224 : i32 to vector<16xi32>
              %add3A_226 = arith.constant 32 : i32
              %add3A_227 = vector.broadcast %add3A_226 : i32 to vector<16xi32>
              %add3A_228 = arith.addi %iota3A, %add3A_227 : vector<16xi32>
              %gather3A_229 = tpu.vector_load_idx %arg13[%broadcast_in_dim3A_225, %add3A_228] : memref<16x128xf32, #tpu.memory_space<vmem>>[vector<16xi32>, vector<16xi32>], vector<16xf32>,
              %swap3A_230 = arith.index_cast %scan3A_194 : i32 to index
              %swap3A_231 = arith.constant 32 : index
              %swap3A_232 = tpu.vector_load %arg13[%swap3A_230, %swap3A_231] {strides = array<i32>} : memref<16x128xf32, #tpu.memory_space<vmem>>, vector<16xf32>,
              tpu.vector_store %arg13[%swap3A_230, %swap3A_231], %gather3A_229 {strides = array<i32>} : memref<16x128xf32, #tpu.memory_space<vmem>>, vector<16xf32>,
              %sub3A_233 = arith.constant 1 : i32
              %sub3A_234 = arith.subi %scan3A_183, %sub3A_233 : i32
              %broadcast_in_dim3A_235 = vector.broadcast %sub3A_234 : i32 to vector<16xi32>
              %add3A_236 = arith.constant 48 : i32
              %add3A_237 = vector.broadcast %add3A_236 : i32 to vector<16xi32>
              %add3A_238 = arith.addi %iota3A, %add3A_237 : vector<16xi32>
              %gather3A_239 = tpu.vector_load_idx %arg13[%broadcast_in_dim3A_235, %add3A_238] : memref<16x128xf32, #tpu.memory_space<vmem>>[vector<16xi32>, vector<16xi32>], vector<16xf32>,
              %swap3A_240 = arith.index_cast %scan3A_194 : i32 to index
              %swap3A_241 = arith.constant 48 : index
              %swap3A_242 = tpu.vector_load %arg13[%swap3A_240, %swap3A_241] {strides = array<i32>} : memref<16x128xf32, #tpu.memory_space<vmem>>, vector<16xf32>,
              tpu.vector_store %arg13[%swap3A_240, %swap3A_241], %gather3A_239 {strides = array<i32>} : memref<16x128xf32, #tpu.memory_space<vmem>>, vector<16xf32>,
              %sub3A_243 = arith.constant 1 : i32
              %sub3A_244 = arith.subi %scan3A_183, %sub3A_243 : i32
              %broadcast_in_dim3A_245 = vector.broadcast %sub3A_244 : i32 to vector<16xi32>
              %add3A_246 = arith.constant 64 : i32
              %add3A_247 = vector.broadcast %add3A_246 : i32 to vector<16xi32>
              %add3A_248 = arith.addi %iota3A, %add3A_247 : vector<16xi32>
              %gather3A_249 = tpu.vector_load_idx %arg13[%broadcast_in_dim3A_245, %add3A_248] : memref<16x128xf32, #tpu.memory_space<vmem>>[vector<16xi32>, vector<16xi32>], vector<16xf32>,
              %swap3A_250 = arith.index_cast %scan3A_194 : i32 to index
              %swap3A_251 = arith.constant 64 : index
              %swap3A_252 = tpu.vector_load %arg13[%swap3A_250, %swap3A_251] {strides = array<i32>} : memref<16x128xf32, #tpu.memory_space<vmem>>, vector<16xf32>,
              tpu.vector_store %arg13[%swap3A_250, %swap3A_251], %gather3A_249 {strides = array<i32>} : memref<16x128xf32, #tpu.memory_space<vmem>>, vector<16xf32>,
              %sub3A_253 = arith.constant 1 : i32
              %sub3A_254 = arith.subi %scan3A_183, %sub3A_253 : i32
              %broadcast_in_dim3A_255 = vector.broadcast %sub3A_254 : i32 to vector<16xi32>
              %add3A_256 = arith.constant 80 : i32
              %add3A_257 = vector.broadcast %add3A_256 : i32 to vector<16xi32>
              %add3A_258 = arith.addi %iota3A, %add3A_257 : vector<16xi32>
              %gather3A_259 = tpu.vector_load_idx %arg13[%broadcast_in_dim3A_255, %add3A_258] : memref<16x128xf32, #tpu.memory_space<vmem>>[vector<16xi32>, vector<16xi32>], vector<16xf32>,
              %swap3A_260 = arith.index_cast %scan3A_194 : i32 to index
              %swap3A_261 = arith.constant 80 : index
              %swap3A_262 = tpu.vector_load %arg13[%swap3A_260, %swap3A_261] {strides = array<i32>} : memref<16x128xf32, #tpu.memory_space<vmem>>, vector<16xf32>,
              tpu.vector_store %arg13[%swap3A_260, %swap3A_261], %gather3A_259 {strides = array<i32>} : memref<16x128xf32, #tpu.memory_space<vmem>>, vector<16xf32>,
              %sub3A_263 = arith.constant 1 : i32
              %sub3A_264 = arith.subi %scan3A_183, %sub3A_263 : i32
              %broadcast_in_dim3A_265 = vector.broadcast %sub3A_264 : i32 to vector<16xi32>
              %add3A_266 = arith.constant 96 : i32
              %add3A_267 = vector.broadcast %add3A_266 : i32 to vector<16xi32>
              %add3A_268 = arith.addi %iota3A, %add3A_267 : vector<16xi32>
              %gather3A_269 = tpu.vector_load_idx %arg13[%broadcast_in_dim3A_265, %add3A_268] : memref<16x128xf32, #tpu.memory_space<vmem>>[vector<16xi32>, vector<16xi32>], vector<16xf32>,
              %swap3A_270 = arith.index_cast %scan3A_194 : i32 to index
              %swap3A_271 = arith.constant 96 : index
              %swap3A_272 = tpu.vector_load %arg13[%swap3A_270, %swap3A_271] {strides = array<i32>} : memref<16x128xf32, #tpu.memory_space<vmem>>, vector<16xf32>,
              tpu.vector_store %arg13[%swap3A_270, %swap3A_271], %gather3A_269 {strides = array<i32>} : memref<16x128xf32, #tpu.memory_space<vmem>>, vector<16xf32>,
              %sub3A_273 = arith.constant 1 : i32
              %sub3A_274 = arith.subi %scan3A_183, %sub3A_273 : i32
              %broadcast_in_dim3A_275 = vector.broadcast %sub3A_274 : i32 to vector<16xi32>
              %add3A_276 = arith.constant 112 : i32
              %add3A_277 = vector.broadcast %add3A_276 : i32 to vector<16xi32>
              %add3A_278 = arith.addi %iota3A, %add3A_277 : vector<16xi32>
              %gather3A_279 = tpu.vector_load_idx %arg13[%broadcast_in_dim3A_275, %add3A_278] : memref<16x128xf32, #tpu.memory_space<vmem>>[vector<16xi32>, vector<16xi32>], vector<16xf32>,
              %swap3A_280 = arith.index_cast %scan3A_194 : i32 to index
              %swap3A_281 = arith.constant 112 : index
              %swap3A_282 = tpu.vector_load %arg13[%swap3A_280, %swap3A_281] {strides = array<i32>} : memref<16x128xf32, #tpu.memory_space<vmem>>, vector<16xf32>,
              tpu.vector_store %arg13[%swap3A_280, %swap3A_281], %gather3A_279 {strides = array<i32>} : memref<16x128xf32, #tpu.memory_space<vmem>>, vector<16xf32>,
            } else {
            }
          }
          %scan3A_188 = arith.constant 16 : i32
          %dma_start3A = arith.constant 0 : i32
          %dma_start3A_189 = arith.constant 0 : i32
          %dma_start3A_190 = tpu.memref_slice %arg4[%dma_start3A, %dma_start3A_189] : memref<16384x128xf32, #tpu.memory_space<hbm>> -> memref<16384x128xf32, #tpu.memory_space<hbm>>
          tpu.enqueue_indirect_dma source(%arg13 : memref<16x128xf32, #tpu.memory_space<vmem>>) target(%dma_start3A_190 : memref<16384x128xf32, #tpu.memory_space<hbm>>) offsets(%arg14 : memref<16xi32, #tpu.memory_space<vmem>>) semaphore(%arg16 : memref<!tpu.dma_semaphore, #tpu.memory_space<semaphore_mem>>)
          %dma_wait3A_191 = arith.constant 0 : i32
          %dma_wait3A_192 = arith.constant 0 : i32
          %dma_wait3A_193 = tpu.memref_slice %arg4[%dma_wait3A_191, %dma_wait3A_192] : memref<16384x128xf32, #tpu.memory_space<hbm>> -> memref<16384x128xf32, #tpu.memory_space<hbm>>
          tpu.wait_indirect_dma semaphore(%arg16 : memref<!tpu.dma_semaphore, #tpu.memory_space<semaphore_mem>>) src(%arg13 : memref<16x128xf32, #tpu.memory_space<vmem>>) dst(%dma_wait3A_193 : memref<16384x128xf32, #tpu.memory_space<hbm>>)
        } else {
        }
        %add3A_178 = arith.constant 1 : i32
        %add3A_179 = arith.addi %while3A_115, %add3A_178 : i32
        %rem3A_180 = arith.constant 16 : i32
        %rem3A_181 = arith.remsi %add3A_179, %rem3A_180 : i32
        scf.yield %rem3A_181, %shift_right_logical3A_120 : i32, i32
      }
      scf.yield %while3A_113#0, %while3A_113#1 : i32, i32
    }
    %gt3A = arith.constant 0 : i32
    %gt3A_68 = arith.cmpi sgt, %while3A_67#0, %gt3A : i32
    %convert_element_type3A = arith.extui %gt3A_68 : i1 to i32
    %cond3A = arith.constant 0 : i32
    %cond3A_69 = arith.cmpi ne, %convert_element_type3A, %cond3A : i32
    scf.if %cond3A_69 {
      %scan3A_70 = arith.constant 0 : i32
      %scan3A_71 = arith.constant 0 : i32
      %scan3A_72 = arith.constant 16 : i32
      %scan3A_73 = arith.addi %scan3A_71, %scan3A_72 : i32
      %scan3A_74 = arith.constant 1 : i32
      scf.for %scan3A_80 = %scan3A_71 to %scan3A_73 step %scan3A_74  : i32 {
        %ge3A = arith.cmpi sge, %scan3A_80, %while3A_67#0 : i32
        %convert_element_type3A_81 = arith.extui %ge3A : i1 to i32
        %cond3A_82 = arith.constant 0 : i32
        %cond3A_83 = arith.cmpi ne, %convert_element_type3A_81, %cond3A_82 : i32
        scf.if %cond3A_83 {
          %broadcast_in_dim3A_84 = vector.broadcast %scan3A_80 : i32 to vector<16xi32>
          %broadcast_in_dim3A_85 = vector.broadcast %while3A_67#1 : i32 to vector<16xi32>
          %eq3A = arith.constant 0 : i32
          %eq3A_86 = vector.broadcast %eq3A : i32 to vector<16xi32>
          %eq3A_87 = arith.cmpi eq, %iota3A, %eq3A_86 : vector<16xi32>
          tpu.vector_store_idx %arg14[%broadcast_in_dim3A_84], %broadcast_in_dim3A_85 masked %eq3A_87 : memref<16xi32, #tpu.memory_space<vmem>>[vector<16xi32>], vector<16xi32>, vector<16xi1>
          %sub3A_88 = arith.constant 1 : i32
          %sub3A_89 = arith.subi %while3A_67#0, %sub3A_88 : i32
          %broadcast_in_dim3A_90 = vector.broadcast %sub3A_89 : i32 to vector<16xi32>
          %add3A_91 = arith.constant 0 : i32
          %add3A_92 = vector.broadcast %add3A_91 : i32 to vector<16xi32>
          %add3A_93 = arith.addi %iota3A, %add3A_92 : vector<16xi32>
          %gather3A = tpu.vector_load_idx %arg13[%broadcast_in_dim3A_90, %add3A_93] : memref<16x128xf32, #tpu.memory_space<vmem>>[vector<16xi32>, vector<16xi32>], vector<16xf32>,
          %swap3A = arith.index_cast %scan3A_80 : i32 to index
          %swap3A_94 = arith.constant 0 : index
          %swap3A_95 = tpu.vector_load %arg13[%swap3A, %swap3A_94] {strides = array<i32>} : memref<16x128xf32, #tpu.memory_space<vmem>>, vector<16xf32>,
          tpu.vector_store %arg13[%swap3A, %swap3A_94], %gather3A {strides = array<i32>} : memref<16x128xf32, #tpu.memory_space<vmem>>, vector<16xf32>,
          %sub3A_96 = arith.constant 1 : i32
          %sub3A_97 = arith.subi %while3A_67#0, %sub3A_96 : i32
          %broadcast_in_dim3A_98 = vector.broadcast %sub3A_97 : i32 to vector<16xi32>
          %add3A_99 = arith.constant 16 : i32
          %add3A_100 = vector.broadcast %add3A_99 : i32 to vector<16xi32>
          %add3A_101 = arith.addi %iota3A, %add3A_100 : vector<16xi32>
          %gather3A_102 = tpu.vector_load_idx %arg13[%broadcast_in_dim3A_98, %add3A_101] : memref<16x128xf32, #tpu.memory_space<vmem>>[vector<16xi32>, vector<16xi32>], vector<16xf32>,
          %swap3A_103 = arith.index_cast %scan3A_80 : i32 to index
          %swap3A_104 = arith.constant 16 : index
          %swap3A_105 = tpu.vector_load %arg13[%swap3A_103, %swap3A_104] {strides = array<i32>} : memref<16x128xf32, #tpu.memory_space<vmem>>, vector<16xf32>,
          tpu.vector_store %arg13[%swap3A_103, %swap3A_104], %gather3A_102 {strides = array<i32>} : memref<16x128xf32, #tpu.memory_space<vmem>>, vector<16xf32>,
          %sub3A_106 = arith.constant 1 : i32
          %sub3A_107 = arith.subi %while3A_67#0, %sub3A_106 : i32
          %broadcast_in_dim3A_108 = vector.broadcast %sub3A_107 : i32 to vector<16xi32>
          %add3A_109 = arith.constant 32 : i32
          %add3A_110 = vector.broadcast %add3A_109 : i32 to vector<16xi32>
          %add3A_111 = arith.addi %iota3A, %add3A_110 : vector<16xi32>
          %gather3A_112 = tpu.vector_load_idx %arg13[%broadcast_in_dim3A_108, %add3A_111] : memref<16x128xf32, #tpu.memory_space<vmem>>[vector<16xi32>, vector<16xi32>], vector<16xf32>,
          %swap3A_113 = arith.index_cast %scan3A_80 : i32 to index
          %swap3A_114 = arith.constant 32 : index
          %swap3A_115 = tpu.vector_load %arg13[%swap3A_113, %swap3A_114] {strides = array<i32>} : memref<16x128xf32, #tpu.memory_space<vmem>>, vector<16xf32>,
          tpu.vector_store %arg13[%swap3A_113, %swap3A_114], %gather3A_112 {strides = array<i32>} : memref<16x128xf32, #tpu.memory_space<vmem>>, vector<16xf32>,
          %sub3A_116 = arith.constant 1 : i32
          %sub3A_117 = arith.subi %while3A_67#0, %sub3A_116 : i32
          %broadcast_in_dim3A_118 = vector.broadcast %sub3A_117 : i32 to vector<16xi32>
          %add3A_119 = arith.constant 48 : i32
          %add3A_120 = vector.broadcast %add3A_119 : i32 to vector<16xi32>
          %add3A_121 = arith.addi %iota3A, %add3A_120 : vector<16xi32>
          %gather3A_122 = tpu.vector_load_idx %arg13[%broadcast_in_dim3A_118, %add3A_121] : memref<16x128xf32, #tpu.memory_space<vmem>>[vector<16xi32>, vector<16xi32>], vector<16xf32>,
          %swap3A_123 = arith.index_cast %scan3A_80 : i32 to index
          %swap3A_124 = arith.constant 48 : index
          %swap3A_125 = tpu.vector_load %arg13[%swap3A_123, %swap3A_124] {strides = array<i32>} : memref<16x128xf32, #tpu.memory_space<vmem>>, vector<16xf32>,
          tpu.vector_store %arg13[%swap3A_123, %swap3A_124], %gather3A_122 {strides = array<i32>} : memref<16x128xf32, #tpu.memory_space<vmem>>, vector<16xf32>,
          %sub3A_126 = arith.constant 1 : i32
          %sub3A_127 = arith.subi %while3A_67#0, %sub3A_126 : i32
          %broadcast_in_dim3A_128 = vector.broadcast %sub3A_127 : i32 to vector<16xi32>
          %add3A_129 = arith.constant 64 : i32
          %add3A_130 = vector.broadcast %add3A_129 : i32 to vector<16xi32>
          %add3A_131 = arith.addi %iota3A, %add3A_130 : vector<16xi32>
          %gather3A_132 = tpu.vector_load_idx %arg13[%broadcast_in_dim3A_128, %add3A_131] : memref<16x128xf32, #tpu.memory_space<vmem>>[vector<16xi32>, vector<16xi32>], vector<16xf32>,
          %swap3A_133 = arith.index_cast %scan3A_80 : i32 to index
          %swap3A_134 = arith.constant 64 : index
          %swap3A_135 = tpu.vector_load %arg13[%swap3A_133, %swap3A_134] {strides = array<i32>} : memref<16x128xf32, #tpu.memory_space<vmem>>, vector<16xf32>,
          tpu.vector_store %arg13[%swap3A_133, %swap3A_134], %gather3A_132 {strides = array<i32>} : memref<16x128xf32, #tpu.memory_space<vmem>>, vector<16xf32>,
          %sub3A_136 = arith.constant 1 : i32
          %sub3A_137 = arith.subi %while3A_67#0, %sub3A_136 : i32
          %broadcast_in_dim3A_138 = vector.broadcast %sub3A_137 : i32 to vector<16xi32>
          %add3A_139 = arith.constant 80 : i32
          %add3A_140 = vector.broadcast %add3A_139 : i32 to vector<16xi32>
          %add3A_141 = arith.addi %iota3A, %add3A_140 : vector<16xi32>
          %gather3A_142 = tpu.vector_load_idx %arg13[%broadcast_in_dim3A_138, %add3A_141] : memref<16x128xf32, #tpu.memory_space<vmem>>[vector<16xi32>, vector<16xi32>], vector<16xf32>,
          %swap3A_143 = arith.index_cast %scan3A_80 : i32 to index
          %swap3A_144 = arith.constant 80 : index
          %swap3A_145 = tpu.vector_load %arg13[%swap3A_143, %swap3A_144] {strides = array<i32>} : memref<16x128xf32, #tpu.memory_space<vmem>>, vector<16xf32>,
          tpu.vector_store %arg13[%swap3A_143, %swap3A_144], %gather3A_142 {strides = array<i32>} : memref<16x128xf32, #tpu.memory_space<vmem>>, vector<16xf32>,
          %sub3A_146 = arith.constant 1 : i32
          %sub3A_147 = arith.subi %while3A_67#0, %sub3A_146 : i32
          %broadcast_in_dim3A_148 = vector.broadcast %sub3A_147 : i32 to vector<16xi32>
          %add3A_149 = arith.constant 96 : i32
          %add3A_150 = vector.broadcast %add3A_149 : i32 to vector<16xi32>
          %add3A_151 = arith.addi %iota3A, %add3A_150 : vector<16xi32>
          %gather3A_152 = tpu.vector_load_idx %arg13[%broadcast_in_dim3A_148, %add3A_151] : memref<16x128xf32, #tpu.memory_space<vmem>>[vector<16xi32>, vector<16xi32>], vector<16xf32>,
          %swap3A_153 = arith.index_cast %scan3A_80 : i32 to index
          %swap3A_154 = arith.constant 96 : index
          %swap3A_155 = tpu.vector_load %arg13[%swap3A_153, %swap3A_154] {strides = array<i32>} : memref<16x128xf32, #tpu.memory_space<vmem>>, vector<16xf32>,
          tpu.vector_store %arg13[%swap3A_153, %swap3A_154], %gather3A_152 {strides = array<i32>} : memref<16x128xf32, #tpu.memory_space<vmem>>, vector<16xf32>,
          %sub3A_156 = arith.constant 1 : i32
          %sub3A_157 = arith.subi %while3A_67#0, %sub3A_156 : i32
          %broadcast_in_dim3A_158 = vector.broadcast %sub3A_157 : i32 to vector<16xi32>
          %add3A_159 = arith.constant 112 : i32
          %add3A_160 = vector.broadcast %add3A_159 : i32 to vector<16xi32>
          %add3A_161 = arith.addi %iota3A, %add3A_160 : vector<16xi32>
          %gather3A_162 = tpu.vector_load_idx %arg13[%broadcast_in_dim3A_158, %add3A_161] : memref<16x128xf32, #tpu.memory_space<vmem>>[vector<16xi32>, vector<16xi32>], vector<16xf32>,
          %swap3A_163 = arith.index_cast %scan3A_80 : i32 to index
          %swap3A_164 = arith.constant 112 : index
          %swap3A_165 = tpu.vector_load %arg13[%swap3A_163, %swap3A_164] {strides = array<i32>} : memref<16x128xf32, #tpu.memory_space<vmem>>, vector<16xf32>,
          tpu.vector_store %arg13[%swap3A_163, %swap3A_164], %gather3A_162 {strides = array<i32>} : memref<16x128xf32, #tpu.memory_space<vmem>>, vector<16xf32>,
        } else {
        }
      }
      %scan3A_75 = arith.constant 16 : i32
      %dma_start3A = arith.constant 0 : i32
      %dma_start3A_76 = arith.constant 0 : i32
      %dma_start3A_77 = tpu.memref_slice %arg4[%dma_start3A, %dma_start3A_76] : memref<16384x128xf32, #tpu.memory_space<hbm>> -> memref<16384x128xf32, #tpu.memory_space<hbm>>
      tpu.enqueue_indirect_dma source(%arg13 : memref<16x128xf32, #tpu.memory_space<vmem>>) target(%dma_start3A_77 : memref<16384x128xf32, #tpu.memory_space<hbm>>) offsets(%arg14 : memref<16xi32, #tpu.memory_space<vmem>>) semaphore(%arg16 : memref<!tpu.dma_semaphore, #tpu.memory_space<semaphore_mem>>)
      %dma_wait3A = arith.constant 0 : i32
      %dma_wait3A_78 = arith.constant 0 : i32
      %dma_wait3A_79 = tpu.memref_slice %arg4[%dma_wait3A, %dma_wait3A_78] : memref<16384x128xf32, #tpu.memory_space<hbm>> -> memref<16384x128xf32, #tpu.memory_space<hbm>>
      tpu.wait_indirect_dma semaphore(%arg16 : memref<!tpu.dma_semaphore, #tpu.memory_space<semaphore_mem>>) src(%arg13 : memref<16x128xf32, #tpu.memory_space<vmem>>) dst(%dma_wait3A_79 : memref<16384x128xf32, #tpu.memory_space<hbm>>)
    } else {
    }
    return
  }
}

</mosaic_0001>

<sc_bundles>
// kernel: kernel.3.cloned.1.call-start
scs
__scs_entry_jumppad:
0x0: {  	(pc) =	sbr.rel $0x88, $3  }
0x1: {  	(tag) =	ssettag $0x0;
	lr =	simm.s32 $0x1  }
0x2: {  	[smem:$0x3F9F] =	sst lr;
	_ =	strace $0xD0000000  }
0x3: {  	_ = 	snop  }
0x4: {  	_ = 	snop  }
0x5: {  	_ = 	snop  }
0x6: {  	_ = 	snop  }
0x7: {  	_ = 	snop  }
__scs_overlays_trampoline_lowered:
0x8: {  	[smem:$0x3FAE] =	sst s0  }
0x9: {  	[smem:$0x3FAF] =	sst s1  }
0xa: {  	[smem:$0x3FB0] =	sst s2  }
0xb: {  	[smem:$0x3FB1] =	sst s3  }
0xc: {  	[smem:$0x3FB2] =	sst s4  }
0xd: {  	[smem:$0x3FB3] =	sst s5  }
0xe: {  	[smem:$0x3FB4] =	sst s6  }
0xf: {  	[smem:$0x3FB5] =	sst s7  }
0x10: {  	[smem:$0x3FB6] =	sst s8  }
0x11: {  	[smem:$0x3FB7] =	sst s9;
	s0 =	simm.s32 @!p0 $0x0  }
0x12: {  	s1 =	sld [smem:$0x3F9D];
	s0 =	simm.s32 @p0 $0x1  }
0x13: {  	[smem:$0x3FB8] =	sst s0;
	s0 =	simm.s32 @!p1 $0x0  }
0x14: {  	s2 =	sld [smem:$0x3F9C];
	s0 =	simm.s32 @p1 $0x1  }
0x15: {  	[smem:$0x3FB9] =	sst s0;
	s0 =	simm.s32 @!p2 $0x0  }
0x16: {  	s3 =	sld [smem:$0x3FDB];
	s0 =	simm.s32 @p2 $0x1  }
0x17: {  	s4 =	simm.s32 $0x1BF5;
	[smem:$0x3FBB] =	sst s0  }
0x18: {  	s0 =	sld [smem:$0x3F9E];
	_ =	swait.ge [sflag:s4], $0x0  }
0x19: {  	s7 =	sld [smem:$0x3F9F]  }
0x1a: {  	s8 =	sadd.s32 $0xFFFFE003, lr  }
0x1b: {  	s9 =	sadd.s32 $0xFFFFFEF7, lr;
	s5 =	simm.s32 $0xFFFFFFFF;
	p2 =	slt.u32 s8, $0xFFFFF086  }
0x1c: {  	p1 =	slt.u32 s9, $0xF7A;
	s5 =	simm.s32 @!p2 $0x0  }
0x1d: {  	s5 =	simm.s32 @p1 $0x1;
	p0 =	seq.s32 s7, s2  }
0x1e: {  	s7 =	smul.u32 @!p0 $0xF7A, s2;
	p2 =	seq.s32 @!p0 s5, $0x0  }
0x1f: {  	s9 =	smul.u32 $0xF7A, s1;
	s8 =	simm.s32 @!p0 $0x1BF5;
	p2 =	por !p2, p0  }
0x20: {  	[sflag:s8] =	ssyncset.s32 @!p0 $0xFFFFF086;
	s6 =	sadd.s32 @!p0 s3, s7;
	s7 =	simm.s32 @!p0 $0x108  }
0x21: {  	s3 =	sadd.s32 s3, s9;
	s6 =	sadd.s32 @!p0 $0x88, s6;
	s7 =	simm.s32 @p2 $0x1082  }
0x22: {  	[simem:s7], [sflag:s8] =	dma.local @!p0 [hbm:s6], $0xF7A  }
0x23: {  	s9 =	sor.u32 $0xD0000000, s2;
	s6 =	simm.s32 $0x108;
	_ =	swait.ge @!p0 [sflag:s8], $0x0  }
0x24: {  	s3 =	sadd.s32 $0x88, s3;
	s6 =	simm.s32 @!p1 $0x1082;
	[sflag:s4] =	ssyncset.s32 $0xFFFFF086  }
0x25: {  	[simem:s6], [sflag:s4] =	dma.local [hbm:s3], $0xF7A  }
0x26: {  	[smem:$0x3F9F] =	sst s1;
	(tag) =	ssettag s2;
	_ =	strace s9  }
0x27: {  	s1 =	sld [smem:$0x3FAF]  }
0x28: {  	s2 =	sld [smem:$0x3FB0]  }
0x29: {  	s4 =	sld [smem:$0x3FB2]  }
0x2a: {  	p0 =	seq.s32 s5, $0x0;
	s5 =	sld [smem:$0x3FB3]  }
0x2b: {  	s6 =	sld [smem:$0x3FB4]  }
0x2c: {  	s7 =	sld [smem:$0x3FB5]  }
0x2d: {  	s3 =	simm.s32 $0x108;
	s8 =	sld [smem:$0x3FB6]  }
0x2e: {  	s3 =	simm.s32 @!p0 $0x1082;
	s9 =	sld [smem:$0x3FB7]  }
0x2f: {  	lr =	sadd.s32 s0, s3;
	s0 =	sld [smem:$0x3FAE]  }
0x30: {  	s3 =	sld [smem:$0x3FB1]  }
0x31: {  	[smem:$0x3FBA] =	sst s10  }
0x32: {  	s10 =	sld [smem:$0x3FB8];
	_ =	sdelay $0x3  }
0x33: {  	p0 =	seq.s32 s10, $0x1;
	s10 =	sld [smem:$0x3FBA];
	_ =	sdelay $0x3  }
0x34: {  	[smem:$0x3FBA] =	sst s10  }
0x35: {  	s10 =	sld [smem:$0x3FB9];
	_ =	sdelay $0x3  }
0x36: {  	p1 =	seq.s32 s10, $0x1;
	s10 =	sld [smem:$0x3FBA];
	_ =	sdelay $0x3  }
0x37: {  	[smem:$0x3FBA] =	sst s10  }
0x38: {  	s10 =	sld [smem:$0x3FBB]  }
0x39: {  	_ = 	snop;
	(pc) =	sbr.ind lr, $3  }
0x3a: {  	_ = 	snop  }
0x3b: {  	_ = 	snop  }
0x3c: {  	p2 =	seq.s32 s10, $0x1;
	s10 =	sld [smem:$0x3FBA]  }
0x3d: {  	_ =	shalt  }
0x3e: {  	_ =	shalt  }
0x3f: {  	_ =	shalt  }
0x40: {  	_ =	shalt  }
0x41: {  	_ =	shalt  }
0x42: {  	_ =	shalt  }
0x43: {  	_ =	shalt  }
0x44: {  	_ =	shalt  }
0x45: {  	_ =	shalt  }
0x46: {  	_ =	shalt  }
0x47: {  	_ =	shalt  }
0x48: {  	_ =	shalt  }
0x49: {  	_ =	shalt  }
0x4a: {  	_ =	shalt  }
0x4b: {  	_ =	shalt  }
0x4c: {  	_ =	shalt  }
0x4d: {  	_ =	shalt  }
0x4e: {  	_ =	shalt  }
0x4f: {  	_ =	shalt  }
0x50: {  	_ =	shalt  }
0x51: {  	_ =	shalt  }
0x52: {  	_ =	shalt  }
0x53: {  	_ =	shalt  }
0x54: {  	_ =	shalt  }
0x55: {  	_ =	shalt  }
0x56: {  	_ =	shalt  }
0x57: {  	_ =	shalt  }
0x58: {  	_ =	shalt  }
0x59: {  	_ =	shalt  }
0x5a: {  	_ =	shalt  }
0x5b: {  	_ =	shalt  }
0x5c: {  	_ =	shalt  }
0x5d: {  	_ =	shalt  }
0x5e: {  	_ =	shalt  }
0x5f: {  	_ =	shalt  }
0x60: {  	_ =	shalt  }
0x61: {  	_ =	shalt  }
0x62: {  	_ =	shalt  }
0x63: {  	_ =	shalt  }
0x64: {  	_ =	shalt  }
0x65: {  	_ =	shalt  }
0x66: {  	_ =	shalt  }
0x67: {  	_ =	shalt  }
0x68: {  	_ =	shalt  }
0x69: {  	_ =	shalt  }
0x6a: {  	_ =	shalt  }
0x6b: {  	_ =	shalt  }
0x6c: {  	_ =	shalt  }
0x6d: {  	_ =	shalt  }
0x6e: {  	_ =	shalt  }
0x6f: {  	_ =	shalt  }
0x70: {  	_ =	shalt  }
0x71: {  	_ =	shalt  }
0x72: {  	_ =	shalt  }
0x73: {  	_ =	shalt  }
0x74: {  	_ =	shalt  }
0x75: {  	_ =	shalt  }
0x76: {  	_ =	shalt  }
0x77: {  	_ =	shalt  }
0x78: {  	_ =	shalt  }
0x79: {  	_ =	shalt  }
0x7a: {  	_ =	shalt  }
0x7b: {  	_ =	shalt  }
0x7c: {  	_ =	shalt  }
0x7d: {  	_ =	shalt  }
0x7e: {  	_ =	shalt  }
0x7f: {  	_ =	shalt  }
0x80: {  	_ =	shalt  }
0x81: {  	_ =	shalt  }
0x82: {  	_ =	shalt  }
0x83: {  	_ =	shalt  }
0x84: {  	_ =	shalt  }
0x85: {  	_ =	shalt  }
0x86: {  	_ =	shalt  }
0x87: {  	_ =	shalt  }
.Lfunc_end0:
.L_simem_size_0:
called_computation_lowered:
.L_overlay_start_0:
0x88: {  	s2 =	sld [smem:$0x3FD9]  }
0x89: {  	s3 =	sld [smem:$0x3FFE];
	_ =	sdelay $0x1  }
0x8a: {  	s1 =	srdreg.scid  }
0x8b: {  	s0 =	sand.u32 $0x1, s1  }
0x8c: {  	s17 =	sshll.u32 s0, $0xA;
	s2 =	sadd.s32 s3, s2  }
0x8d: {  	s2 =	sadd.s32 s2, s17  }
0x8e: {  	[smem:$0x3FC6] =	sst s2  }
0x8f: {  	_ = 	snop  }
0x90: {  	s2 =	sld [smem:$0x3FC9]  }
0x91: {  	s18 =	sld [smem:$0x3FC8];
	(tm) =	ssettm $0x1  }
0x92: {  	s4 =	sld [smem:$0x3FFB];
	_ =	sdelay $0x3  }
0x93: {  	_ =	strace s4  }
0x94: {  	s4 =	sld [smem:$0x3FFC];
	_ =	sdelay $0x3  }
0x95: {  	_ =	strace s4  }
0x96: {  	s4 =	sld [smem:$0x3FFD];
	_ =	sdelay $0x3  }
0x97: {  	_ =	strace s4  }
0x98: {  	_ =	strace $0x8FFFFFFF  }
0x99: {  	s19 =	sld [smem:$0x3FDB];
	_ =	sdelay $0x1  }
0x9a: {  	s5 =	simm.s32 $_scs_section_size  }
0x9b: {  	s6 =	simm.s32 $_size__tile_overlayer_lowered;
	s7 =	simm.s32 $_tile_overlayer_lowered  }
0x9c: {  	s22 =	simm.s32 $0x1BFF;
	s21 =	sshll.u32 s7, $0x1;
	s4 =	sadd.s32 s5, s19  }
0x9d: {  	s8 =	simm.s32 $0x0;
	s20 =	sshll.u32 s6, $0x1;
	s6 =	sadd.s32 s21, s4  }
0x9e: {  	[timem:s8], [sflag:s22] =	dma.local [hbm:s6], s20  }
0x9f: {  	_ =	swait.ge [sflag:s22], s20  }
0xa0: {  	s5 =	ssub.s32 $0x0, s20;
	[sflag:s22] =	ssyncset.done $0x0  }
0xa1: {  	[sflag:s22] =	ssyncadd.s32 s5;
	_ =	sdelay $0x1  }
0xa2: {  	s23 =	simm.s32 $0x1B8B  }
0xa3: {  	_ =	swait.ge [sflag:s23], $0x1  }
0xa4: {  	[sflag:s23] =	ssyncset.done $0x0  }
0xa5: {  	s25 =	simm.s32 $0x1B8E;
	s24 =	sld [smem:$0x3FFE];
	[sflag:s23] =	ssyncadd.s32 $0xFFFFFFFF  }
0xa6: {  	s26 =	simm.s32 $execute0_lowered;
	[smem:$0x3FD2] =	sst s25  }
0xa7: {  	s6 =	sshll.u32 s26, $0x1;
	_ =	strace $0x80000046;
	[dreg:$0x1] =	wrdreg $0xFFFFFFFF  }
0xa8: {  	s28 =	simm.s32 $_size_execute0_lowered;
	s4 =	sadd.s32 s4, s6;
	[dreg:$0x0] =	wrdreg $0x0  }
0xa9: {  	s6 =	sshll.u32 s28, $0x1;
	[dreg:$0x2] =	wrdreg s4  }
0xaa: {  	[dreg:$0x3] =	wrdreg s6  }
0xab: {  	[dreg:$0x4] =	wrdreg $0xC0  }
0xac: {  	_ =	task [dreg:s8], $0x5FFFF  }
0xad: {  	[dreg:$0x1] =	wrdreg $0xFFFFFFFF  }
0xae: {  	[dreg:$0x0] =	wrdreg $0x60  }
0xaf: {  	[dreg:$0x2] =	wrdreg s2  }
0xb0: {  	[dreg:$0x3] =	wrdreg s18  }
0xb1: {  	[dreg:$0x4] =	wrdreg s24  }
0xb2: {  	[dreg:$0x5] =	wrdreg $0x9  }
0xb3: {  	_ =	task.clear_ibuf [dreg:s8], $0x6FFFF;
	_ =	strace $0x90000046  }
0xb4: {  	s29 =	simm.s32 $0x9;
	_ =	strace $0x80000048  }
0xb5: {  	_ =	swait.ge [sflag:s29], $0x1  }
0xb6: {  	[sflag:s29] =	ssyncadd.s32 $0xFFFFFFFF  }
0xb7: {  	_ =	strace $0x90000048  }
0xb8: {  	_ =	sfence  }
0xb9: {  	s30 =	sld [smem:$0x0];
	_ =	sdelay $0x2  }
0xba: {  	s31 =	sshll.u32 s1, $0xD;
	s1 =	sshrl.u32 s1, $0x2  }
0xbb: {  	s3 =	sand.u32 $0x4000, s31;
	s1 =	sadd.s32 s1, s30  }
0xbc: {  	s0 =	sor.u32 s3, s0;
	s1 =	sshll.u32 s1, $0x11  }
0xbd: {  	s0 =	sor.u32 s1, s0  }
0xbe: {  	s0 =	sadd.s32 $0x8F2B, s0  }
0xbf: {  	[sflag:s0] =	ssyncadd.remote.s32 $0x1  }
0xc0: {  	_ =	sfence.sel $0xFFFF  }
0xc1: {  	[dreg:$0x0] =	wrdreg $0xFFFFFFFF;
	(pc) =	sbr.abs _section_cstart, $3  }
0xc2: {  	[dreg:$0x1] =	wrdreg $0xFFFFFFFF  }
0xc3: {  	_ =	task.clear_ibuf [dreg:s8], $0x2FFFF;
	_ =	strace $0x9FFFFFFF  }
0xc4: {  	(tm) =	ssettm $0x7FFFFFFF  }
0xc5: {  	_ =	shalt  }
tec
execute0_lowered:
.L_overlay_start_1:
0x0: {  	(tag) =	ssettag $0x1  }
0x1: {  	s2 =	rddreg [dreg:$0x0]  }
0x2: {  	s3 =	rddreg [dreg:$0x1]  }
0x3: {  	s6 =	rddreg [dreg:$0x2];
	s4 =	srdreg.scid  }
0x4: {  	s0 =	stileid.u32;
	s9 =	simm.s32 $0x4000;
	s10 =	simm.s32 $0x8080  }
0x5: {  	s15 =	simm.s32 $0x1E980;
	s18 =	simm.s32 $0x8;
	s19 =	simm.s32 $0xC100  }
.Ltmp0:
0x6: {  	v0 =	vlaneseq.u32;
	v3 =	vimm.s32 $0x0;
	v4 =	vimm.s32 $0xF5;
	s5 =	sand.u32 $0x1, s4;
	s7 =	sshll.u32 s0, $0x1;
	(pc) =	sbr.rel .LBB2_1-.Ltmp0, $4  }
0x7: {  	s20 =	simm.s32 $0x0;
	v1 =	vmul.u32 $0x80, v0;
	v8 =	vor.u32 $0x10, v0;
	v9 =	vor.u32 $0x20, v0;
	s8 =	ssub.s32 $0x2, s5;
	s5 =	sor.u32 s5, s7  }
0x8: {  	s4 =	simm.s32 $0x0;
	v10 =	vor.u32 $0x30, v0;
	v11 =	vor.u32 $0x40, v0;
	v12 =	vor.u32 $0x50, v0;
	s31 =	sshrl.u32 s8, $0x1;
	s5 =	smul.u32 $0xF5, s5  }
0x9: {  	s6 =	sadd.s32 $0x400, s6;
	v13 =	vor.u32 $0x60, v0;
	v14 =	vor.u32 $0x70, v0;
	[smem:$0x7FF] =	sst s4;
	v5 =	vor.u32 $0x800, v1;
	s7 =	ssub.s32 s8, s31  }
0xa: {  	_ =	strace $0x80000047;
	v6 =	vor.u32 $0x1000, v1;
	v7 =	vor.u32 $0x1800, v1;
	s8 =	simm.s32 $0x9;
	v2 =	vmov s5;
	s7 =	smax.u32 s7, $0x1  }
.LBB2_25:
0xb: {  	s20 =	sadd.s32 $0x1, s20  }
0xc: {  	p0 =	sne.s32 s20, s7  }
.Ltmp1:
0xd: {  	_ = 	snop;
	(pc) =	sbr.rel @!p0 .LBB2_26-.Ltmp1, $1  }
0xe: {  	_ =	sdelay $0x3  }
.LBB2_1:
0xf: {  	[tilespmem:s4], [sflag:$0x9] =	stream.linear.gather [hbm4b:s2+s4], $0x4000, $0x38;
	[tilespmem:$0x1EA00] =	vst v63  }
0x10: {  	_ =	swait.ge [sflag:s8], $0x4000  }
0x11: {  	[sflag:s8] =	ssyncset.done $0x0  }
0x12: {  	s21 =	simm.s32 $0x20;
	[sflag:s8] =	ssyncadd.s32 $0xFFFFC000  }
0x13: {  	v15 =	vld [tilespmem:s21+$0xFFFFFFE0];
	_ =	sdelay $0x4  }
0x14: {  	v16 =	vshrl.u32 v15, $0x7  }
0x15: {  	v16 =	vsub.s32 v16, v2  }
0x16: {  	vm0 =	vlt.u32 v16, $0xF5  }
0x17: {  	v17 =	vld [tilespmem:s21+$0xFFFFFFF0];
	v18 =	vsel vm0, $0x1, v3  }
0x18: {  	(xrf0) =	vadd.scan.msk.s32 $0xffff, v18;
	_ =	sdelay $0x3  }
0x19: {  	v17 =	vshrl.u32 v17, $0x7  }
0x1a: {  	v17 =	vsub.s32 v17, v2  }
0x1b: {  	vm2 =	vlt.u32 v17, $0xF5;
	v19, _, _ =	vpop (xrf0)  }
0x1c: {  	v20 =	vsel vm2, $0x1, v3;
	(v2sf) =	vpush v19, $0xF  }
0x1d: {  	(xrf0) =	vadd.scan.msk.s32 $0xffff, v20;
	_ =	sdelay $0x3  }
0x1e: {  	v18 =	vld [tilespmem:s21+$0x0];
	_ =	sdelay $0x1  }
0x1f: {  	v21, _, _ =	vpop (xrf0)  }
0x20: {  	(v2sf) =	vpush v21, $0xF  }
0x21: {  	v60 =	vmov s4  }
0x22: {  	v18 =	vshrl.u32 v18, $0x7;
	v20 =	vadd.s32 $0xFFFFFFFF, v60  }
0x23: {  	v18 =	vsub.s32 v18, v2;
	v20 =	vbroadcast v20, $0x0  }
0x24: {  	vm1 =	vlt.u32 v18, $0xF5  }
0x25: {  	v59 =	vsel vm1, $0x1, v3;
	v19 =	vadd.s32 v19, v20  }
0x26: {  	(xrf0) =	vadd.scan.msk.s32 $0xffff, v59  }
0x27: {  	v22 =	vmov s4;
	s22 =	spop (v2sf)  }
0x28: {  	v22 =	vshll.u32 v22, $0x7;
	s22 =	sadd.s32 $0x0, s22  }
0x29: {  	v22 =	vor.u32 v1, v22;
	v15 =	vand.u32 $0x7F, v15;
	v24 =	vmov s22  }
0x2a: {  	v23 =	vld [tilespmem:s21+$0x10];
	v15 =	vor.u32 v22, v15;
	[tilespmem:v19+s9+$0x0] =	vst.idx.msk vm0, v16;
	v16 =	vadd.s32 $0xFFFFFFFF, v24  }
0x2b: {  	[tilespmem:v19+s10+$0x0] =	vst.idx.msk vm0, v15;
	v15 =	vbroadcast v16, $0x0  }
0x2c: {  	v61, _, _ =	vpop (xrf0);
	v16 =	vld [tilespmem:s21+$0xFFFFFFF0]  }
0x2d: {  	s23 =	simm.s32 $0x10;
	(v2sf) =	vpush v61, $0xF;
	v15 =	vadd.s32 v21, v15  }
0x2e: {  	v19 =	vmov s23  }
0x2f: {  	v19 =	vshll.u32 v19, $0x7;
	s24 =	spop (v2sf)  }
0x30: {  	v62 =	vshrl.u32 v23, $0x7;
	v19 =	vor.u32 v1, v19;
	s22 =	sadd.s32 s24, s22  }
0x31: {  	v21 =	vsub.s32 v62, v2;
	v63 =	vmov s22;
	v16 =	vand.u32 $0x7F, v16  }
0x32: {  	vm0 =	vlt.u32 v21, $0xF5;
	v22 =	vadd.s32 $0xFFFFFFFF, v63;
	v16 =	vor.u32 v19, v16;
	[tilespmem:v15+s9+$0x0] =	vst.idx.msk vm2, v17  }
0x33: {  	v17 =	vbroadcast v22, $0x0;
	[tilespmem:v15+s10+$0x0] =	vst.idx.msk vm2, v16;
	v15 =	vsel vm0, $0x1, v3  }
0x34: {  	s25 =	simm.s32 $0x20;
	v16 =	vld [tilespmem:s21+$0x0];
	(xrf0) =	vadd.scan.msk.s32 $0xffff, v15  }
0x35: {  	v15 =	vadd.s32 v61, v17;
	v17 =	vmov s25  }
0x36: {  	v17 =	vshll.u32 v17, $0x7  }
0x37: {  	v17 =	vor.u32 v1, v17;
	_ =	sdelay $0x1  }
0x38: {  	v16 =	vand.u32 $0x7F, v16  }
0x39: {  	v16 =	vor.u32 v17, v16;
	v17, _, _ =	vpop (xrf0)  }
0x3a: {  	(v2sf) =	vpush v17, $0xF  }
0x3b: {  	s30 =	spop (v2sf)  }
0x3c: {  	s24 =	sadd.s32 s30, s22  }
0x3d: {  	v19 =	vmov s24  }
0x3e: {  	v19 =	vadd.s32 $0xFFFFFFFF, v19  }
0x3f: {  	v19 =	vbroadcast v19, $0x0;
	[tilespmem:v15+s9+$0x0] =	vst.idx.msk vm1, v18  }
0x40: {  	[tilespmem:v15+s10+$0x0] =	vst.idx.msk vm1, v16  }
0x41: {  	v15 =	vadd.s32 v17, v19;
	v18 =	vld [tilespmem:s21+$0x10];
	_ =	sdelay $0x1  }
0x42: {  	s31 =	simm.s32 $0x30  }
0x43: {  	v16 =	vmov s31  }
0x44: {  	v16 =	vshll.u32 v16, $0x7  }
0x45: {  	s22 =	simm.s32 $0x40;
	v16 =	vor.u32 v1, v16;
	[tilespmem:v15+s9+$0x0] =	vst.idx.msk vm0, v21;
	v17 =	vand.u32 $0x7F, v18  }
.LBB2_2:
0x46: {  	p0 =	sne.s32 s22, $0x3FC0  }
0x47: {  	v16 =	vor.u32 v16, v17;
	s21 =	sadd.s32 $0x40, s21;
	s23 =	smov.u32 s22;
	s22 =	sadd.s32 $0x40, s22  }
0x48: {  	[tilespmem:v15+s10+$0x0] =	vst.idx.msk vm0, v16;
	s25 =	spop (v2sf)  }
0x49: {  	v15 =	vld [tilespmem:s21+$0xFFFFFFE0];
	s24 =	sadd.s32 s25, s24  }
0x4a: {  	v16 =	vld [tilespmem:s21+$0xFFFFFFF0]  }
0x4b: {  	v17 =	vld [tilespmem:s21+$0x0]  }
0x4c: {  	v18 =	vld [tilespmem:s21+$0x10];
	_ =	sdelay $0x1  }
0x4d: {  	v19 =	vshrl.u32 v15, $0x7;
	v15 =	vand.u32 $0x7F, v15  }
0x4e: {  	v19 =	vsub.s32 v19, v2;
	v16 =	vshrl.u32 v16, $0x7  }
0x4f: {  	vm3 =	vlt.u32 v19, $0xF5;
	v16 =	vsub.s32 v16, v2;
	v17 =	vshrl.u32 v17, $0x7  }
0x50: {  	v20 =	vsel vm3, $0x1, v3;
	vm2 =	vlt.u32 v16, $0xF5;
	v17 =	vsub.s32 v17, v2  }
0x51: {  	v18 =	vshrl.u32 v18, $0x7;
	v21 =	vsel vm2, $0x1, v3;
	vm1 =	vlt.u32 v17, $0xF5;
	(xrf0) =	vadd.scan.msk.s32 $0xffff, v20  }
0x52: {  	v20 =	vsel vm1, $0x1, v3;
	(xrf0) =	vadd.scan.msk.s32 $0xffff, v21  }
0x53: {  	(xrf0) =	vadd.scan.msk.s32 $0xffff, v20  }
0x54: {  	v20 =	vmov s24  }
0x55: {  	v20 =	vadd.s32 $0xFFFFFFFF, v20  }
0x56: {  	v20 =	vbroadcast v20, $0x0  }
0x57: {  	v21, _, _ =	vpop (xrf0)  }
0x58: {  	v20 =	vadd.s32 v21, v20;
	v22, _, _ =	vpop (xrf0);
	(v2sf) =	vpush v21, $0xF  }
0x59: {  	v21, _, _ =	vpop (xrf0);
	(v2sf) =	vpush v22, $0xF  }
0x5a: {  	(v2sf) =	vpush v21, $0xF;
	_ =	sdelay $0xb  }
0x5b: {  	v23 =	vmov s23  }
0x5c: {  	v23 =	vshll.u32 v23, $0x7;
	s25 =	spop (v2sf)  }
0x5d: {  	v23 =	vor.u32 v1, v23;
	s24 =	sadd.s32 s24, s25;
	s25 =	spop (v2sf)  }
0x5e: {  	v15 =	vor.u32 v23, v15;
	v18 =	vsub.s32 v18, v2;
	[tilespmem:v20+s9+$0x0] =	vst.idx.msk vm3, v19;
	v19 =	vmov s24;
	s24 =	sadd.s32 s25, s24;
	s25 =	spop (v2sf)  }
0x5f: {  	vm0 =	vlt.u32 v18, $0xF5;
	[tilespmem:v20+s10+$0x0] =	vst.idx.msk vm3, v15;
	v15 =	vadd.s32 $0xFFFFFFFF, v19;
	v19 =	vmov s24;
	s24 =	sadd.s32 s25, s24  }
0x60: {  	v20 =	vld [tilespmem:s21+$0xFFFFFFF0];
	v15 =	vbroadcast v15, $0x0;
	v19 =	vadd.s32 $0xFFFFFFFF, v19;
	v23 =	vmov s24  }
0x61: {  	v24 =	vsel vm0, $0x1, v3;
	v19 =	vbroadcast v19, $0x0;
	v23 =	vadd.s32 $0xFFFFFFFF, v23  }
0x62: {  	s25 =	sadd.s32 $0x10, s23;
	v15 =	vadd.s32 v22, v15;
	v22 =	vbroadcast v23, $0x0;
	(xrf0) =	vadd.scan.msk.s32 $0xffff, v24  }
0x63: {  	v23 =	vmov s25  }
0x64: {  	v23 =	vshll.u32 v23, $0x7  }
0x65: {  	v19 =	vadd.s32 v21, v19;
	v23 =	vor.u32 v1, v23;
	v20 =	vand.u32 $0x7F, v20  }
0x66: {  	v20 =	vor.u32 v23, v20  }
0x67: {  	[tilespmem:v15+s9+$0x0] =	vst.idx.msk vm2, v16  }
0x68: {  	[tilespmem:v15+s10+$0x0] =	vst.idx.msk vm2, v20;
	v15, _, _ =	vpop (xrf0)  }
0x69: {  	v16 =	vld [tilespmem:s21+$0x0];
	(v2sf) =	vpush v15, $0xF  }
0x6a: {  	[tilespmem:v19+s9+$0x0] =	vst.idx.msk vm1, v17  }
0x6b: {  	s25 =	sadd.s32 $0x20, s23  }
0x6c: {  	v17 =	vmov s25  }
0x6d: {  	v15 =	vadd.s32 v15, v22;
	v17 =	vshll.u32 v17, $0x7  }
0x6e: {  	v17 =	vor.u32 v1, v17;
	v16 =	vand.u32 $0x7F, v16  }
0x6f: {  	v16 =	vor.u32 v17, v16  }
0x70: {  	[tilespmem:v19+s10+$0x0] =	vst.idx.msk vm1, v16  }
0x71: {  	v17 =	vld [tilespmem:s21+$0x10]  }
.Ltmp2:
0x72: {  	[tilespmem:v15+s9+$0x0] =	vst.idx.msk vm0, v18;
	(pc) =	sbr.rel @p0 .LBB2_2-.Ltmp2, $4  }
0x73: {  	s23 =	sadd.s32 $0x30, s23  }
0x74: {  	v16 =	vmov s23  }
0x75: {  	v16 =	vshll.u32 v16, $0x7  }
0x76: {  	v16 =	vor.u32 v1, v16;
	v17 =	vand.u32 $0x7F, v17  }
0x77: {  	_ = 	snop  }
0x78: {  	s21 =	spop (v2sf)  }
0x79: {  	s21 =	sadd.s32 s21, s24  }
0x7a: {  	v18 =	vadd.s32 s21, v0;
	_ =	sdelay $0x2  }
0x7b: {  	v16 =	vor.u32 v16, v17  }
0x7c: {  	[tilespmem:v15+s10+$0x0] =	vst.idx.msk vm0, v16  }
0x7d: {  	s22 =	simm.s32 $0x4;
	s23 =	simm.s32 $0x0;
	[tilespmem:v18+s9+$0x0] =	vst.idx.msk $0xffff, v4  }
.LBB2_4:
0x7e: {  	p0 =	sne.s32 s22, $0x3D4  }
0x7f: {  	[smem:s23] =	sst s4;
	s23 =	smov.u32 s22;
	s22 =	sadd.s32 $0x4, s22  }
.Ltmp3:
0x80: {  	(pc) =	sbr.rel @p0 .LBB2_4-.Ltmp3, $2  }
0x81: {  	_ =	sdelay $0x2  }
0x82: {  	s23 =	sshra.s32 s23, $0x2  }
0x83: {  	s21 =	sadd.s32 $0xF, s21  }
0x84: {  	s22 =	sshrl.u32 s21, $0x4  }
0x85: {  	p0 =	sne.s32 s22, $0x0  }
.Ltmp4:
0x86: {  	_ = 	snop;
	(pc) =	sbr.rel @!p0 .LBB2_6-.Ltmp4, $2  }
0x87: {  	_ =	sdelay $0x2  }
0x88: {  	[smem:s23] =	sst s4;
	s21 =	simm.s32 $0x4000  }
0x89: {  	v15 =	vld [tilespmem:s21+$0x0];
	_ =	sdelay $0x2  }
0x8a: {  	p1 =	seq.s32 s22, $0x1  }
.Ltmp5:
0x8b: {  	_ = 	snop;
	(pc) =	sbr.rel @p1 .LBB2_28-.Ltmp5, $4  }
0x8c: {  	(v2sf) =	vpush v15, $0x0  }
0x8d: {  	(v2sf) =	vpush v15, $0x3  }
0x8e: {  	(v2sf) =	vpush v15, $0x1  }
0x8f: {  	s23 =	sadd.s32 $0xFFFFFFFF, s22;
	p0 =	por $0x0, $0x0;
	(v2sf) =	vpush v15, $0x2  }
0x90: {  	_ =	sdelay $0xa  }
0x91: {  	s24 =	spop (v2sf)  }
0x92: {  	s25 =	sld [smem:s24+$0x0];
	_ =	sdelay $0x2  }
0x93: {  	s26 =	spop (v2sf);
	s25 =	sadd.s32 $0x1, s25  }
0x94: {  	s31 =	spop (v2sf);
	(v2sf) =	vpush v15, $0x4;
	[smem:s24] =	sst s25  }
0x95: {  	s25 =	sld [smem:s31+$0x0];
	_ =	sdelay $0x2  }
0x96: {  	s25 =	sadd.s32 $0x1, s25  }
0x97: {  	s0 =	spop (v2sf);
	(v2sf) =	vpush v15, $0x5;
	[smem:s31] =	sst s25  }
0x98: {  	s25 =	sld [smem:s0+$0x0];
	_ =	sdelay $0x2  }
0x99: {  	s25 =	sadd.s32 $0x1, s25  }
0x9a: {  	(v2sf) =	vpush v15, $0x6;
	[smem:s0] =	sst s25  }
0x9b: {  	s24 =	sld [smem:s26+$0x0];
	_ =	sdelay $0x2  }
0x9c: {  	s24 =	sadd.s32 $0x1, s24  }
0x9d: {  	s1 =	spop (v2sf);
	(v2sf) =	vpush v15, $0x7;
	[smem:s26] =	sst s24  }
0x9e: {  	s25 =	sld [smem:s1+$0x0];
	_ =	sdelay $0x2  }
0x9f: {  	s25 =	sadd.s32 $0x1, s25  }
0xa0: {  	s11 =	spop (v2sf);
	(v2sf) =	vpush v15, $0x8;
	[smem:s1] =	sst s25  }
0xa1: {  	s25 =	sld [smem:s11+$0x0];
	_ =	sdelay $0x2  }
0xa2: {  	s25 =	sadd.s32 $0x1, s25  }
0xa3: {  	s12 =	spop (v2sf);
	(v2sf) =	vpush v15, $0x9;
	[smem:s11] =	sst s25  }
0xa4: {  	s25 =	sld [smem:s12+$0x0];
	_ =	sdelay $0x2  }
0xa5: {  	s25 =	sadd.s32 $0x1, s25  }
0xa6: {  	s13 =	spop (v2sf);
	(v2sf) =	vpush v15, $0xA;
	[smem:s12] =	sst s25  }
0xa7: {  	s25 =	sld [smem:s13+$0x0];
	_ =	sdelay $0x2  }
0xa8: {  	s25 =	sadd.s32 $0x1, s25  }
0xa9: {  	s14 =	spop (v2sf);
	(v2sf) =	vpush v15, $0xB;
	[smem:s13] =	sst s25  }
0xaa: {  	s25 =	sld [smem:s14+$0x0];
	_ =	sdelay $0x2  }
0xab: {  	s25 =	sadd.s32 $0x1, s25  }
0xac: {  	s16 =	spop (v2sf);
	(v2sf) =	vpush v15, $0xC;
	[smem:s14] =	sst s25  }
0xad: {  	s25 =	sld [smem:s16+$0x0];
	_ =	sdelay $0x2  }
0xae: {  	s25 =	sadd.s32 $0x1, s25  }
0xaf: {  	s17 =	spop (v2sf);
	(v2sf) =	vpush v15, $0xD;
	[smem:s16] =	sst s25  }
0xb0: {  	s25 =	sld [smem:s17+$0x0];
	_ =	sdelay $0x2  }
0xb1: {  	s25 =	sadd.s32 $0x1, s25  }
0xb2: {  	s26 =	spop (v2sf);
	(v2sf) =	vpush v15, $0xE;
	[smem:s17] =	sst s25  }
0xb3: {  	s25 =	sld [smem:s26+$0x0];
	_ =	sdelay $0x2  }
0xb4: {  	(v2sf) =	vpush v15, $0xF;
	s25 =	sadd.s32 $0x1, s25  }
0xb5: {  	s28 =	spop (v2sf);
	[smem:s26] =	sst s25  }
0xb6: {  	s25 =	sld [smem:s28+$0x0];
	_ =	sdelay $0x2  }
0xb7: {  	s25 =	sadd.s32 $0x1, s25  }
0xb8: {  	s29 =	spop (v2sf);
	[smem:s28] =	sst s25  }
0xb9: {  	s25 =	sld [smem:s29+$0x0];
	_ =	sdelay $0x1  }
0xba: {  	s21 =	sadd.s32 $0x10, s21  }
0xbb: {  	v15 =	vld [tilespmem:s21+$0x0];
	s25 =	sadd.s32 $0x1, s25  }
0xbc: {  	s30 =	spop (v2sf);
	[smem:s29] =	sst s25  }
0xbd: {  	s24 =	sld [smem:s30+$0x0];
	_ =	sdelay $0x2  }
0xbe: {  	s31 =	sadd.s32 $0x1, s24;
	s24 =	spop (v2sf);
	(v2sf) =	vpush v15, $0x0  }
0xbf: {  	(v2sf) =	vpush v15, $0x3;
	_ =	sdelay $0x3  }
0xc0: {  	(v2sf) =	vpush v15, $0x1;
	_ =	sdelay $0x3  }
0xc1: {  	p1 =	seq.s32 s23, $0x1  }
.Ltmp6:
0xc2: {  	[smem:s30] =	sst s31;
	(v2sf) =	vpush v15, $0x2;
	(pc) =	sbr.rel @p1 .LBB2_31-.Ltmp6, $2  }
0xc3: {  	s25 =	sld [smem:s24+$0x0];
	_ =	sdelay $0x2  }
0xc4: {  	s23 =	sadd.s32 $0xFFFFFFFF, s23;
	p0 =	por $0x1, $0x1;
	s25 =	sadd.s32 $0x1, s25  }
.LBB2_30:
0xc5: {  	p1 =	seq.s32 s23, $0x1;
	s26 =	spop (v2sf);
	[smem:s24] =	sst s25  }
0xc6: {  	s23 =	sadd.s32 $0xFFFFFFFF, s23;
	s24 =	sld [smem:s26+$0x0];
	s25 =	spop (v2sf)  }
0xc7: {  	_ =	sdelay $0x1  }
0xc8: {  	s24 =	sadd.s32 $0x1, s24  }
0xc9: {  	[smem:s26] =	sst s24;
	s24 =	spop (v2sf);
	(v2sf) =	vpush v15, $0x4  }
0xca: {  	s26 =	sld [smem:s24+$0x0];
	_ =	sdelay $0x2  }
0xcb: {  	s26 =	sadd.s32 $0x1, s26  }
0xcc: {  	[smem:s24] =	sst s26;
	s24 =	spop (v2sf);
	(v2sf) =	vpush v15, $0x5  }
0xcd: {  	s26 =	sld [smem:s24+$0x0];
	_ =	sdelay $0x2  }
0xce: {  	s26 =	sadd.s32 $0x1, s26  }
0xcf: {  	[smem:s24] =	sst s26;
	(v2sf) =	vpush v15, $0x6  }
0xd0: {  	s24 =	sld [smem:s25+$0x0];
	_ =	sdelay $0x2  }
0xd1: {  	s24 =	sadd.s32 $0x1, s24  }
0xd2: {  	[smem:s25] =	sst s24;
	s24 =	spop (v2sf);
	(v2sf) =	vpush v15, $0x7  }
0xd3: {  	s25 =	sld [smem:s24+$0x0];
	_ =	sdelay $0x2  }
0xd4: {  	s25 =	sadd.s32 $0x1, s25  }
0xd5: {  	[smem:s24] =	sst s25;
	s24 =	spop (v2sf);
	(v2sf) =	vpush v15, $0x8  }
0xd6: {  	s25 =	sld [smem:s24+$0x0];
	_ =	sdelay $0x2  }
0xd7: {  	s25 =	sadd.s32 $0x1, s25  }
0xd8: {  	[smem:s24] =	sst s25;
	s24 =	spop (v2sf);
	(v2sf) =	vpush v15, $0x9  }
0xd9: {  	s25 =	sld [smem:s24+$0x0];
	_ =	sdelay $0x2  }
0xda: {  	s25 =	sadd.s32 $0x1, s25  }
0xdb: {  	[smem:s24] =	sst s25;
	s24 =	spop (v2sf);
	(v2sf) =	vpush v15, $0xA  }
0xdc: {  	s25 =	sld [smem:s24+$0x0];
	_ =	sdelay $0x2  }
0xdd: {  	s25 =	sadd.s32 $0x1, s25  }
0xde: {  	[smem:s24] =	sst s25;
	s24 =	spop (v2sf);
	(v2sf) =	vpush v15, $0xB  }
0xdf: {  	s25 =	sld [smem:s24+$0x0];
	_ =	sdelay $0x2  }
0xe0: {  	s25 =	sadd.s32 $0x1, s25  }
0xe1: {  	[smem:s24] =	sst s25;
	s24 =	spop (v2sf);
	(v2sf) =	vpush v15, $0xC  }
0xe2: {  	s25 =	sld [smem:s24+$0x0];
	_ =	sdelay $0x2  }
0xe3: {  	s25 =	sadd.s32 $0x1, s25  }
0xe4: {  	[smem:s24] =	sst s25;
	s24 =	spop (v2sf);
	(v2sf) =	vpush v15, $0xD  }
0xe5: {  	s25 =	sld [smem:s24+$0x0];
	_ =	sdelay $0x2  }
0xe6: {  	s25 =	sadd.s32 $0x1, s25  }
0xe7: {  	[smem:s24] =	sst s25;
	s24 =	spop (v2sf);
	(v2sf) =	vpush v15, $0xE  }
0xe8: {  	s25 =	sld [smem:s24+$0x0];
	_ =	sdelay $0x2  }
0xe9: {  	s21 =	sadd.s32 $0x10, s21;
	s25 =	sadd.s32 $0x1, s25;
	(v2sf) =	vpush v15, $0xF  }
0xea: {  	v15 =	vld [tilespmem:s21+$0x0];
	[smem:s24] =	sst s25;
	s24 =	spop (v2sf)  }
0xeb: {  	s25 =	sld [smem:s24+$0x0];
	_ =	sdelay $0x2  }
0xec: {  	s25 =	sadd.s32 $0x1, s25  }
0xed: {  	(v2sf) =	vpush v15, $0x0;
	[smem:s24] =	sst s25;
	s24 =	spop (v2sf)  }
0xee: {  	(v2sf) =	vpush v15, $0x3;
	s25 =	sld [smem:s24+$0x0];
	_ =	sdelay $0x2  }
0xef: {  	s25 =	sadd.s32 $0x1, s25  }
0xf0: {  	(v2sf) =	vpush v15, $0x1;
	[smem:s24] =	sst s25;
	s25 =	spop (v2sf)  }
0xf1: {  	s24 =	sld [smem:s25+$0x0];
	_ =	sdelay $0x2  }
0xf2: {  	s26 =	sadd.s32 $0x1, s24;
	s24 =	spop (v2sf)  }
.Ltmp7:
0xf3: {  	(v2sf) =	vpush v15, $0x2;
	[smem:s25] =	sst s26;
	(pc) =	sbr.rel @!p1 .LBB2_30-.Ltmp7, $2  }
0xf4: {  	s25 =	sld [smem:s24+$0x0];
	_ =	sdelay $0x2  }
0xf5: {  	s25 =	sadd.s32 $0x1, s25  }
.LBB2_31:
0xf6: {  	s21 =	spop (v2sf);
	[smem:s24] =	sst @p0 s25  }
0xf7: {  	s23 =	sld [smem:s21+$0x0];
	_ =	sdelay $0x2  }
0xf8: {  	s0 =	spop (v2sf);
	s23 =	sadd.s32 $0x1, s23  }
0xf9: {  	[smem:s21] =	sst s23;
	s1 =	spop (v2sf);
	(v2sf) =	vpush v15, $0x4  }
0xfa: {  	s23 =	sld [smem:s1+$0x0];
	_ =	sdelay $0x2  }
0xfb: {  	s23 =	sadd.s32 $0x1, s23  }
0xfc: {  	(v2sf) =	vpush v15, $0x5;
	[smem:s1] =	sst s23;
	s11 =	spop (v2sf)  }
0xfd: {  	s23 =	sld [smem:s11+$0x0];
	_ =	sdelay $0x2  }
0xfe: {  	s23 =	sadd.s32 $0x1, s23  }
0xff: {  	(v2sf) =	vpush v15, $0x6;
	[smem:s11] =	sst s23  }
0x100: {  	s21 =	sld [smem:s0+$0x0];
	_ =	sdelay $0x2  }
0x101: {  	s21 =	sadd.s32 $0x1, s21  }
0x102: {  	[smem:s0] =	sst s21;
	s12 =	spop (v2sf);
	(v2sf) =	vpush v15, $0x7  }
0x103: {  	s23 =	sld [smem:s12+$0x0];
	_ =	sdelay $0x2  }
0x104: {  	s23 =	sadd.s32 $0x1, s23  }
0x105: {  	s13 =	spop (v2sf);
	(v2sf) =	vpush v15, $0x8;
	[smem:s12] =	sst s23  }
0x106: {  	s23 =	sld [smem:s13+$0x0];
	_ =	sdelay $0x2  }
0x107: {  	s23 =	sadd.s32 $0x1, s23  }
0x108: {  	s14 =	spop (v2sf);
	(v2sf) =	vpush v15, $0x9;
	[smem:s13] =	sst s23  }
0x109: {  	s23 =	sld [smem:s14+$0x0];
	_ =	sdelay $0x2  }
0x10a: {  	s23 =	sadd.s32 $0x1, s23  }
0x10b: {  	[smem:s14] =	sst s23;
	s16 =	spop (v2sf);
	(v2sf) =	vpush v15, $0xA  }
0x10c: {  	s23 =	sld [smem:s16+$0x0];
	_ =	sdelay $0x2  }
0x10d: {  	s23 =	sadd.s32 $0x1, s23  }
0x10e: {  	s17 =	spop (v2sf);
	(v2sf) =	vpush v15, $0xB;
	[smem:s16] =	sst s23  }
0x10f: {  	s23 =	sld [smem:s17+$0x0];
	_ =	sdelay $0x2  }
0x110: {  	s23 =	sadd.s32 $0x1, s23  }
0x111: {  	s24 =	spop (v2sf);
	(v2sf) =	vpush v15, $0xC;
	[smem:s17] =	sst s23  }
0x112: {  	s23 =	sld [smem:s24+$0x0];
	_ =	sdelay $0x2  }
0x113: {  	s23 =	sadd.s32 $0x1, s23  }
0x114: {  	[smem:s24] =	sst s23;
	s25 =	spop (v2sf);
	(v2sf) =	vpush v15, $0xD  }
0x115: {  	s23 =	sld [smem:s25+$0x0];
	_ =	sdelay $0x2  }
0x116: {  	s23 =	sadd.s32 $0x1, s23  }
0x117: {  	s26 =	spop (v2sf);
	(v2sf) =	vpush v15, $0xE;
	[smem:s25] =	sst s23  }
0x118: {  	s23 =	sld [smem:s26+$0x0];
	_ =	sdelay $0x2  }
0x119: {  	s23 =	sadd.s32 $0x1, s23  }
0x11a: {  	(v2sf) =	vpush v15, $0xF;
	s28 =	spop (v2sf);
	[smem:s26] =	sst s23  }
0x11b: {  	s23 =	sld [smem:s28+$0x0];
	_ =	sdelay $0x2  }
0x11c: {  	s23 =	sadd.s32 $0x1, s23  }
0x11d: {  	[smem:s28] =	sst s23;
	s29 =	spop (v2sf)  }
0x11e: {  	s23 =	sld [smem:s29+$0x0];
	_ =	sdelay $0x2  }
0x11f: {  	s23 =	sadd.s32 $0x1, s23  }
0x120: {  	s30 =	spop (v2sf);
	[smem:s29] =	sst s23  }
0x121: {  	s23 =	sld [smem:s30+$0x0];
	_ =	sdelay $0x2  }
0x122: {  	s23 =	sadd.s32 $0x1, s23  }
0x123: {  	s31 =	spop (v2sf);
	[smem:s30] =	sst s23  }
0x124: {  	s21 =	sld [smem:s31+$0x0];
	_ =	sdelay $0x2  }
0x125: {  	s21 =	sadd.s32 $0x1, s21  }
0x126: {  	[smem:s31] =	sst s21  }
.LBB2_6:
0x127: {  	s21 =	simm.s32 $0x0;
	s23 =	simm.s32 $0x100  }
0x128: {  	[smem:s23] =	sst s21  }
0x129: {  	s24 =	sld [smem:$0x0]  }
0x12a: {  	s25 =	simm.s32 $0x2  }
0x12b: {  	s29 =	simm.s32 $0x1;
	s26 =	simm.s32 $0x101;
	s28 =	simm.s32 $0x1  }
0x12c: {  	s23 =	simm.s32 $0x1;
	p0 =	slt.s32 s24, $0x1;
	p1 =	sgt.s32 s24, $0x0  }
0x12d: {  	s24 =	sadd.s32 $0x0, s24;
	[smem:$0x200] =	sst @!p0 s21;
	s29 =	simm.s32 @!p1 $0x0  }
.LBB2_7:
0x12e: {  	[smem:s26] =	sst s24;
	s21 =	sadd.s32 s29, s21  }
0x12f: {  	s29 =	smov.u32 s23;
	s23 =	smov.u32 s25;
	s25 =	sadd.s32 $0x1, s25  }
0x130: {  	p0 =	seq.s32 s25, $0xF5;
	s30 =	sld [smem:s28+$0x0]  }
.Ltmp8:
0x131: {  	(pc) =	sbr.rel @!p0 .LBB2_7-.Ltmp8, $4  }
0x132: {  	s28 =	sadd.s32 $0x1, s28  }
0x133: {  	p1 =	slt.s32 s30, $0x1;
	p2 =	sgt.s32 s30, $0x0;
	s24 =	sadd.s32 s24, s30  }
0x134: {  	[smem:s21+$0x200] =	sst @!p1 s29;
	s29 =	simm.s32 $0x1  }
0x135: {  	s26 =	sadd.s32 $0x1, s26;
	s29 =	simm.s32 @!p2 $0x0  }
0x136: {  	[smem:s26] =	sst s24  }
0x137: {  	s25 =	sld [smem:s28+$0x0];
	_ =	sdelay $0x2  }
0x138: {  	s26 =	simm.s32 $0x1;
	p0 =	sgt.s32 s25, $0x0  }
0x139: {  	s26 =	simm.s32 @!p0 $0x0;
	p0 =	seq.s32 s22, $0x0  }
.Ltmp9:
0x13a: {  	_ = 	snop;
	(pc) =	sbr.rel @p0 .LBB2_12-.Ltmp9, $4  }
0x13b: {  	_ = 	snop  }
0x13c: {  	s21 =	sadd.s32 s29, s21;
	p1 =	slt.s32 s25, $0x1  }
0x13d: {  	s31 =	sadd.s32 s24, s25;
	[smem:s21+$0x200] =	sst @!p1 s23  }
0x13e: {  	s21 =	sadd.s32 s26, s21;
	[smem:$0x1F5] =	sst s31  }
0x13f: {  	s23 =	simm.s32 $0x4000  }
0x140: {  	v15 =	vld [tilespmem:s23+$0x0];
	_ =	sdelay $0x4  }
0x141: {  	v15 =	vadd.s32 $0x100, v15  }
0x142: {  	(v2sf) =	vpush v15, $0x0;
	_ =	sdelay $0x4  }
0x143: {  	(v2sf) =	vpush v15, $0x1;
	_ =	sdelay $0x4  }
0x144: {  	(v2sf) =	vpush v15, $0x2;
	_ =	sdelay $0x4  }
0x145: {  	s25 =	spop (v2sf);
	(v2sf) =	vpush v15, $0x3  }
0x146: {  	s26 =	sld [smem:s25+$0x0];
	_ =	sdelay $0x2  }
0x147: {  	s28 =	sadd.s32 $0x1, s26  }
0x148: {  	s12 =	spop (v2sf);
	(v2sf) =	vpush v15, $0x4;
	[smem:s25] =	sst s28  }
0x149: {  	s28 =	sld [smem:s12+$0x0];
	_ =	sdelay $0x2  }
0x14a: {  	s29 =	sadd.s32 $0x1, s28  }
0x14b: {  	s13 =	spop (v2sf);
	(v2sf) =	vpush v15, $0x5;
	[smem:s12] =	sst s29  }
0x14c: {  	s29 =	sld [smem:s13+$0x0];
	_ =	sdelay $0x2  }
0x14d: {  	s30 =	sadd.s32 $0x1, s29  }
0x14e: {  	[smem:s13] =	sst s30;
	s14 =	spop (v2sf);
	(v2sf) =	vpush v15, $0x6  }
0x14f: {  	s30 =	sld [smem:s14+$0x0];
	_ =	sdelay $0x2  }
0x150: {  	s31 =	sadd.s32 $0x1, s30  }
0x151: {  	s16 =	spop (v2sf);
	(v2sf) =	vpush v15, $0x7;
	[smem:s14] =	sst s31  }
0x152: {  	s31 =	sld [smem:s16+$0x0];
	_ =	sdelay $0x2  }
0x153: {  	s0 =	sadd.s32 $0x1, s31  }
0x154: {  	s17 =	spop (v2sf);
	(v2sf) =	vpush v15, $0x8;
	[smem:s16] =	sst s0  }
0x155: {  	s25 =	sld [smem:s17+$0x0];
	_ =	sdelay $0x2  }
0x156: {  	s1 =	sadd.s32 $0x1, s25  }
0x157: {  	[smem:s17] =	sst s1;
	s11 =	spop (v2sf);
	(v2sf) =	vpush v15, $0x9  }
0x158: {  	s1 =	sld [smem:s11+$0x0];
	_ =	sdelay $0x2  }
0x159: {  	s14 =	sadd.s32 $0x1, s1  }
0x15a: {  	s12 =	spop (v2sf);
	(v2sf) =	vpush v15, $0xA;
	[smem:s11] =	sst s14  }
0x15b: {  	s14 =	sld [smem:s12+$0x0];
	_ =	sdelay $0x2  }
0x15c: {  	s16 =	sadd.s32 $0x1, s14  }
0x15d: {  	s13 =	spop (v2sf);
	(v2sf) =	vpush v15, $0xB;
	[smem:s12] =	sst s16  }
0x15e: {  	s16 =	sld [smem:s13+$0x0];
	_ =	sdelay $0x2  }
0x15f: {  	s17 =	sadd.s32 $0x1, s16  }
0x160: {  	[smem:s13] =	sst s17;
	s11 =	spop (v2sf);
	(v2sf) =	vpush v15, $0xC  }
0x161: {  	s17 =	sld [smem:s11+$0x0];
	_ =	sdelay $0x2  }
0x162: {  	s13 =	sadd.s32 $0x1, s17  }
0x163: {  	s12 =	spop (v2sf);
	(v2sf) =	vpush v15, $0xD;
	[smem:s11] =	sst s13  }
0x164: {  	s13 =	sld [smem:s12+$0x0];
	_ =	sdelay $0x2  }
0x165: {  	s11 =	sadd.s32 $0x1, s13  }
0x166: {  	s0 =	spop (v2sf);
	(v2sf) =	vpush v15, $0xE;
	[smem:s12] =	sst s11  }
0x167: {  	s11 =	sld [smem:s0+$0x0]  }
0x168: {  	s24 =	simm.s32 $0x8080  }
0x169: {  	v16 =	vld [tilespmem:s24+$0x0]  }
0x16a: {  	s12 =	sadd.s32 $0x1, s11  }
0x16b: {  	[smem:s0] =	sst s12;
	s0 =	spop (v2sf);
	(v2sf) =	vpush v15, $0xF;
	v15 =	vmov s26  }
0x16c: {  	v17 =	vmov s28;
	s12 =	sld [smem:s0+$0x0]  }
0x16d: {  	v18 =	vmov s29  }
0x16e: {  	v20 =	vbroadcast v16, $0x0;
	v19 =	vmov s30  }
0x16f: {  	v22 =	vbroadcast v16, $0x1;
	v21 =	vmov s31;
	s29 =	sadd.s32 $0x1, s12  }
0x170: {  	v23 =	vmov s25;
	s30 =	spop (v2sf);
	[smem:s0] =	sst s29;
	[tilespmem:v15+s19+$0x0] =	vst.idx.msk $0x1, v20;
	v15 =	vbroadcast v16, $0x2  }
0x171: {  	v58 =	vmov s1;
	s31 =	sld [smem:s30+$0x0];
	[tilespmem:v17+s19+$0x0] =	vst.idx.msk $0x1, v22;
	v17 =	vbroadcast v16, $0x3  }
0x172: {  	v59 =	vmov s14;
	[tilespmem:v18+s19+$0x0] =	vst.idx.msk $0x1, v15;
	v15 =	vbroadcast v16, $0x4  }
0x173: {  	v18 =	vmov s16;
	[tilespmem:v19+s19+$0x0] =	vst.idx.msk $0x1, v17;
	v17 =	vbroadcast v16, $0x5  }
0x174: {  	v19 =	vmov s17;
	s16 =	sadd.s32 $0x1, s31;
	[tilespmem:v21+s19+$0x0] =	vst.idx.msk $0x1, v15;
	v15 =	vbroadcast v16, $0x6  }
0x175: {  	v60 =	vmov s13;
	s26 =	spop (v2sf);
	[smem:s30] =	sst s16;
	[tilespmem:v23+s19+$0x0] =	vst.idx.msk $0x1, v17;
	v17 =	vbroadcast v16, $0x7  }
0x176: {  	v61 =	vmov s11;
	s1 =	sld [smem:s26+$0x0];
	[tilespmem:v58+s19+$0x0] =	vst.idx.msk $0x1, v15;
	v15 =	vbroadcast v16, $0x8  }
0x177: {  	v62 =	vmov s12;
	[tilespmem:v59+s19+$0x0] =	vst.idx.msk $0x1, v17;
	v17 =	vbroadcast v16, $0x9  }
0x178: {  	v63 =	vmov s31;
	[tilespmem:v18+s19+$0x0] =	vst.idx.msk $0x1, v15;
	v15 =	vbroadcast v16, $0xA  }
0x179: {  	s28 =	sadd.s32 $0x1, s1;
	[tilespmem:v19+s19+$0x0] =	vst.idx.msk $0x1, v17;
	v17 =	vbroadcast v16, $0xB;
	v18 =	vmov s1  }
0x17a: {  	[smem:s26] =	sst s28;
	s29 =	spop (v2sf);
	[tilespmem:v60+s19+$0x0] =	vst.idx.msk $0x1, v15;
	v15 =	vbroadcast v16, $0xC  }
0x17b: {  	s30 =	sld [smem:s29+$0x0];
	[tilespmem:v61+s19+$0x0] =	vst.idx.msk $0x1, v17;
	v17 =	vbroadcast v16, $0xD  }
0x17c: {  	p0 =	seq.s32 s22, $0x1;
	[tilespmem:v62+s19+$0x0] =	vst.idx.msk $0x1, v15;
	v15 =	vbroadcast v16, $0xE  }
.Ltmp10:
0x17d: {  	[tilespmem:v63+s19+$0x0] =	vst.idx.msk $0x1, v17;
	(pc) =	sbr.rel @p0 .LBB2_11-.Ltmp10, $3  }
0x17e: {  	[tilespmem:v18+s19+$0x0] =	vst.idx.msk $0x1, v15;
	v15 =	vmov s30;
	_ =	sdelay $0x1  }
0x17f: {  	s31 =	sadd.s32 $0x1, s30  }
0x180: {  	s22 =	sadd.s32 $0xFFFFFFFF, s22;
	v16 =	vbroadcast v16, $0xF;
	[smem:s29] =	sst s31  }
.LBB2_10:
0x181: {  	_ = 	snop  }
0x182: {  	p0 =	seq.s32 s22, $0x1;
	s23 =	sadd.s32 $0x10, s23;
	s24 =	sadd.s32 $0x10, s24;
	[tilespmem:v15+s19+$0x0] =	vst.idx.msk $0x1, v16  }
0x183: {  	s22 =	sadd.s32 $0xFFFFFFFF, s22;
	v15 =	vld [tilespmem:s23+$0x0];
	_ =	sdelay $0x4  }
0x184: {  	v15 =	vadd.s32 $0x100, v15  }
0x185: {  	(v2sf) =	vpush v15, $0x0;
	_ =	sdelay $0x4  }
0x186: {  	(v2sf) =	vpush v15, $0x1;
	_ =	sdelay $0x4  }
0x187: {  	(v2sf) =	vpush v15, $0x2;
	_ =	sdelay $0x4  }
0x188: {  	s0 =	spop (v2sf);
	(v2sf) =	vpush v15, $0x3  }
0x189: {  	s1 =	sld [smem:s0+$0x0];
	_ =	sdelay $0x2  }
0x18a: {  	s11 =	sadd.s32 $0x1, s1;
	v16 =	vmov s1  }
0x18b: {  	[smem:s0] =	sst s11;
	s0 =	spop (v2sf);
	(v2sf) =	vpush v15, $0x4  }
0x18c: {  	s1 =	sld [smem:s0+$0x0];
	_ =	sdelay $0x2  }
0x18d: {  	s11 =	sadd.s32 $0x1, s1;
	v17 =	vmov s1  }
0x18e: {  	[smem:s0] =	sst s11;
	s0 =	spop (v2sf);
	(v2sf) =	vpush v15, $0x5  }
0x18f: {  	s1 =	sld [smem:s0+$0x0];
	_ =	sdelay $0x2  }
0x190: {  	s11 =	sadd.s32 $0x1, s1;
	v18 =	vmov s1  }
0x191: {  	[smem:s0] =	sst s11;
	s0 =	spop (v2sf);
	(v2sf) =	vpush v15, $0x6  }
0x192: {  	s1 =	sld [smem:s0+$0x0];
	_ =	sdelay $0x2  }
0x193: {  	s11 =	sadd.s32 $0x1, s1;
	v19 =	vmov s1  }
0x194: {  	[smem:s0] =	sst s11;
	s0 =	spop (v2sf);
	(v2sf) =	vpush v15, $0x7  }
0x195: {  	s1 =	sld [smem:s0+$0x0];
	_ =	sdelay $0x2  }
0x196: {  	s11 =	sadd.s32 $0x1, s1;
	v20 =	vmov s1  }
0x197: {  	[smem:s0] =	sst s11;
	s0 =	spop (v2sf);
	(v2sf) =	vpush v15, $0x8  }
0x198: {  	s1 =	sld [smem:s0+$0x0];
	_ =	sdelay $0x2  }
0x199: {  	s11 =	sadd.s32 $0x1, s1;
	v21 =	vmov s1  }
0x19a: {  	[smem:s0] =	sst s11;
	s0 =	spop (v2sf);
	(v2sf) =	vpush v15, $0x9  }
0x19b: {  	s1 =	sld [smem:s0+$0x0];
	_ =	sdelay $0x2  }
0x19c: {  	s11 =	sadd.s32 $0x1, s1;
	v22 =	vmov s1  }
0x19d: {  	[smem:s0] =	sst s11;
	s0 =	spop (v2sf);
	(v2sf) =	vpush v15, $0xA  }
0x19e: {  	s1 =	sld [smem:s0+$0x0];
	_ =	sdelay $0x2  }
0x19f: {  	s11 =	sadd.s32 $0x1, s1;
	v23 =	vmov s1  }
0x1a0: {  	[smem:s0] =	sst s11;
	s0 =	spop (v2sf);
	(v2sf) =	vpush v15, $0xB  }
0x1a1: {  	s1 =	sld [smem:s0+$0x0];
	_ =	sdelay $0x2  }
0x1a2: {  	s11 =	sadd.s32 $0x1, s1;
	v24 =	vmov s1  }
0x1a3: {  	[smem:s0] =	sst s11;
	s0 =	spop (v2sf);
	(v2sf) =	vpush v15, $0xC  }
0x1a4: {  	s1 =	sld [smem:s0+$0x0];
	_ =	sdelay $0x2  }
0x1a5: {  	s11 =	sadd.s32 $0x1, s1;
	v25 =	vmov s1  }
0x1a6: {  	[smem:s0] =	sst s11;
	s0 =	spop (v2sf);
	(v2sf) =	vpush v15, $0xD  }
0x1a7: {  	s1 =	sld [smem:s0+$0x0];
	_ =	sdelay $0x2  }
0x1a8: {  	s11 =	sadd.s32 $0x1, s1;
	v26 =	vmov s1  }
0x1a9: {  	[smem:s0] =	sst s11;
	s0 =	spop (v2sf);
	(v2sf) =	vpush v15, $0xE  }
0x1aa: {  	s1 =	sld [smem:s0+$0x0];
	_ =	sdelay $0x1  }
0x1ab: {  	v27 =	vld [tilespmem:s24+$0x0]  }
0x1ac: {  	s11 =	sadd.s32 $0x1, s1;
	v28 =	vmov s1  }
0x1ad: {  	[smem:s0] =	sst s11;
	s0 =	spop (v2sf);
	(v2sf) =	vpush v15, $0xF  }
0x1ae: {  	s1 =	sld [smem:s0+$0x0];
	_ =	sdelay $0x1  }
0x1af: {  	v15 =	vbroadcast v27, $0x0  }
0x1b0: {  	v29 =	vbroadcast v27, $0x1;
	s11 =	sadd.s32 $0x1, s1;
	v30 =	vmov s1  }
0x1b1: {  	[tilespmem:v16+s19+$0x0] =	vst.idx.msk $0x1, v15;
	v15 =	vbroadcast v27, $0x2;
	[smem:s0] =	sst s11;
	s0 =	spop (v2sf)  }
0x1b2: {  	v16 =	vbroadcast v27, $0x3;
	[tilespmem:v17+s19+$0x0] =	vst.idx.msk $0x1, v29;
	s1 =	sld [smem:s0+$0x0]  }
0x1b3: {  	[tilespmem:v18+s19+$0x0] =	vst.idx.msk $0x1, v15;
	v15 =	vbroadcast v27, $0x4  }
0x1b4: {  	[tilespmem:v19+s19+$0x0] =	vst.idx.msk $0x1, v16;
	v16 =	vbroadcast v27, $0x5  }
0x1b5: {  	[tilespmem:v20+s19+$0x0] =	vst.idx.msk $0x1, v15;
	v15 =	vbroadcast v27, $0x6;
	s11 =	sadd.s32 $0x1, s1;
	v17 =	vmov s1  }
0x1b6: {  	[tilespmem:v21+s19+$0x0] =	vst.idx.msk $0x1, v16;
	v16 =	vbroadcast v27, $0x7;
	[smem:s0] =	sst s11;
	s0 =	spop (v2sf)  }
0x1b7: {  	[tilespmem:v22+s19+$0x0] =	vst.idx.msk $0x1, v15;
	v15 =	vbroadcast v27, $0x8;
	s1 =	sld [smem:s0+$0x0]  }
0x1b8: {  	[tilespmem:v23+s19+$0x0] =	vst.idx.msk $0x1, v16;
	v16 =	vbroadcast v27, $0x9  }
0x1b9: {  	[tilespmem:v24+s19+$0x0] =	vst.idx.msk $0x1, v15;
	v15 =	vbroadcast v27, $0xA  }
0x1ba: {  	[tilespmem:v25+s19+$0x0] =	vst.idx.msk $0x1, v16;
	v16 =	vbroadcast v27, $0xB;
	s11 =	sadd.s32 $0x1, s1;
	v18 =	vmov s1  }
0x1bb: {  	[tilespmem:v26+s19+$0x0] =	vst.idx.msk $0x1, v15;
	v15 =	vbroadcast v27, $0xC;
	[smem:s0] =	sst s11;
	s0 =	spop (v2sf)  }
0x1bc: {  	[tilespmem:v28+s19+$0x0] =	vst.idx.msk $0x1, v16;
	v16 =	vbroadcast v27, $0xD;
	s1 =	sld [smem:s0+$0x0]  }
0x1bd: {  	[tilespmem:v30+s19+$0x0] =	vst.idx.msk $0x1, v15;
	v15 =	vbroadcast v27, $0xE  }
.Ltmp11:
0x1be: {  	[tilespmem:v17+s19+$0x0] =	vst.idx.msk $0x1, v16;
	(pc) =	sbr.rel @!p0 .LBB2_10-.Ltmp11, $3  }
0x1bf: {  	[tilespmem:v18+s19+$0x0] =	vst.idx.msk $0x1, v15;
	s11 =	sadd.s32 $0x1, s1;
	v15 =	vmov s1  }
0x1c0: {  	[smem:s0] =	sst s11;
	_ =	sdelay $0x1  }
0x1c1: {  	v16 =	vbroadcast v27, $0xF  }
.LBB2_11:
0x1c2: {  	_ =	sdelay $0x3  }
0x1c3: {  	[tilespmem:v15+s19+$0x0] =	vst.idx.msk $0x1, v16  }
.LBB2_12:
0x1c4: {  	p0 =	sgt.s32 s21, $0x0  }
.Ltmp12:
0x1c5: {  	_ = 	snop;
	(pc) =	sbr.rel @!p0 .LBB2_25-.Ltmp12, $1  }
0x1c6: {  	_ =	sdelay $0x3  }
0x1c7: {  	s0 =	sld [smem:$0x200];
	_ =	sdelay $0x2  }
0x1c8: {  	s0 =	sadd.s32 s5, s0  }
0x1c9: {  	p0 =	seq.s32 s21, $0x1;
	s11 =	simm.s32 $0x7A1400;
	s0 =	sshll.u32 s0, $0x7  }
0x1ca: {  	s1 =	sld @!p0 [smem:$0x201];
	s0 =	sand.u32 $0x1FFFFF80, s0  }
0x1cb: {  	s12 =	simm.s32 $0x400;
	s13 =	simm.s32 $0x10180;
	s0 =	sadd.s32 s3, s0  }
0x1cc: {  	[tilespmem:s13], [sflag:$0x1] =	stream.strided.gather [hbm4b:s0+s12], $0x2000, s11, s12, $0x38;
	[tilespmem:$0x1EA00] =	vst v63  }
0x1cd: {  	s0 =	sadd.s32 @!p0 s5, s1  }
0x1ce: {  	s0 =	sshll.u32 @!p0 s0, $0x7  }
0x1cf: {  	p1 =	slt.u32 @!p0 s21, $0x3;
	s1 =	simm.s32 @!p0 $0x400;
	s0 =	sand.u32 @!p0 $0x1FFFFF80, s0  }
0x1d0: {  	s11 =	simm.s32 @!p0 $0x7A1400;
	s12 =	simm.s32 @!p0 $0x12180;
	s0 =	sadd.s32 @!p0 s3, s0  }
0x1d1: {  	[tilespmem:s12], [sflag:$0x2] =	stream.strided.gather @!p0 [hbm4b:s0+s1], $0x2000, s11, s1, $0x38;
	[tilespmem:$0x1EA00] =	vst v63  }
0x1d2: {  	p0 =	por p0, p1  }
.Ltmp13:
0x1d3: {  	_ = 	snop;
	(pc) =	sbr.rel @p0 .LBB2_15-.Ltmp13, $1  }
0x1d4: {  	_ =	sdelay $0x3  }
0x1d5: {  	s0 =	sld [smem:$0x202];
	_ =	sdelay $0x2  }
0x1d6: {  	s0 =	sadd.s32 s5, s0  }
0x1d7: {  	p0 =	seq.s32 s21, $0x3;
	s11 =	simm.s32 $0x7A1400;
	s0 =	sshll.u32 s0, $0x7  }
0x1d8: {  	s12 =	simm.s32 $0x400;
	s1 =	sld @!p0 [smem:$0x203];
	s0 =	sand.u32 $0x1FFFFF80, s0  }
0x1d9: {  	s13 =	simm.s32 $0x14180;
	p2 =	slt.u32 @!p0 s21, $0x5;
	s0 =	sadd.s32 s3, s0  }
0x1da: {  	[tilespmem:s13], [sflag:$0x3] =	stream.strided.gather [hbm4b:s0+s12], $0x2000, s11, s12, $0x38;
	[tilespmem:$0x1EA00] =	vst v63  }
0x1db: {  	p1 =	por p2, p0;
	s0 =	sadd.s32 @!p0 s5, s1  }
0x1dc: {  	p3 =	seq.s32 @!p1 s21, $0x5;
	s0 =	sshll.u32 @!p0 s0, $0x7  }
0x1dd: {  	s1 =	sld @!p1 [smem:$0x204];
	s11 =	simm.s32 @!p0 $0x400;
	s0 =	sand.u32 @!p0 $0x1FFFFF80, s0  }
0x1de: {  	s12 =	simm.s32 @!p0 $0x7A1400;
	s13 =	simm.s32 @!p0 $0x16180;
	s0 =	sadd.s32 @!p0 s3, s0  }
0x1df: {  	[tilespmem:s13], [sflag:$0x4] =	stream.strided.gather @!p0 [hbm4b:s0+s11], $0x2000, s12, s11, $0x38;
	[tilespmem:$0x1EA00] =	vst v63  }
0x1e0: {  	p2 =	por @!p0 p3, p2;
	s0 =	sadd.s32 @!p1 s5, s1  }
0x1e1: {  	p0 =	por p2, p0;
	s0 =	sshll.u32 @!p1 s0, $0x7  }
0x1e2: {  	s11 =	simm.s32 @!p1 $0x400;
	s1 =	sld @!p0 [smem:$0x205];
	s0 =	sand.u32 @!p1 $0x1FFFFF80, s0  }
0x1e3: {  	s12 =	simm.s32 @!p1 $0x7A1400;
	s13 =	simm.s32 @!p1 $0x18180;
	s0 =	sadd.s32 @!p1 s3, s0  }
0x1e4: {  	[tilespmem:s13], [sflag:$0x5] =	stream.strided.gather @!p1 [hbm4b:s0+s11], $0x2000, s12, s11, $0x38;
	[tilespmem:$0x1EA00] =	vst v63  }
0x1e5: {  	s0 =	sadd.s32 @!p0 s5, s1  }
0x1e6: {  	s0 =	sshll.u32 @!p0 s0, $0x7  }
0x1e7: {  	s1 =	simm.s32 @!p0 $0x400;
	s0 =	sand.u32 @!p0 $0x1FFFFF80, s0  }
0x1e8: {  	s11 =	simm.s32 @!p0 $0x7A1400;
	s12 =	simm.s32 @!p0 $0x1A180;
	s0 =	sadd.s32 @!p0 s3, s0  }
0x1e9: {  	[tilespmem:s12], [sflag:$0x6] =	stream.strided.gather @!p0 [hbm4b:s0+s1], $0x2000, s11, s1, $0x38;
	[tilespmem:$0x1EA00] =	vst v63  }
.LBB2_15:
.Ltmp14:
0x1ea: {  	(pc) =	sbr.rel .LBB2_16-.Ltmp14, $2  }
0x1eb: {  	_ =	sdelay $0x2  }
0x1ec: {  	s26 =	simm.s32 $0x0;
	s22 =	simm.s32 $0x0;
	s23 =	simm.s32 $0x0  }
.LBB2_19:
0x1ed: {  	[sflag:s29] =	ssyncset.done @!p1 $0x0;
	s0 =	sand.u32 $0xFFFFFFF0, s30  }
0x1ee: {  	[sflag:s29] =	ssyncadd.s32 @!p1 $0xFFFFF800;
	s22 =	ssub.s32 s28, s0  }
.LBB2_20:
0x1ef: {  	s23 =	sadd.s32 $0x1, s23  }
0x1f0: {  	p0 =	sne.s32 s23, s21  }
.Ltmp15:
0x1f1: {  	_ = 	snop;
	(pc) =	sbr.rel @!p0 .LBB2_21-.Ltmp15, $1  }
0x1f2: {  	_ =	sdelay $0x3  }
.LBB2_16:
0x1f3: {  	s0 =	smulhi.u32 $0x24924925, s23;
	_ =	sdelay $0x1  }
0x1f4: {  	s1 =	ssub.s32 s23, s0  }
0x1f5: {  	s1 =	sshrl.u32 s1, $0x1  }
0x1f6: {  	s0 =	sadd.s32 s0, s1  }
0x1f7: {  	s1 =	sadd.s32 $0x6, s23;
	s0 =	sshrl.u32 s0, $0x2  }
0x1f8: {  	p0 =	sge.s32 s1, s21;
	s0 =	smul.u32 $0x7, s0  }
0x1f9: {  	s11 =	smulhi.u32 @!p0 $0x92492493, s1;
	s12 =	sshra.s32 @!p0 s1, $0x1F  }
0x1fa: {  	s12 =	smul.u32 @!p0 $0x92492493, s12;
	s24 =	ssub.s32 s23, s0  }
0x1fb: {  	s0 =	ssub.s32 @!p0 s11, s1;
	s13 =	sadd.s32 $0x1, s24  }
0x1fc: {  	s31 =	sld [smem:s23+$0x200];
	s0 =	sadd.s32 @!p0 s12, s0;
	_ =	swait.ge [sflag:s13], $0x2000  }
0x1fd: {  	s0 =	sadd.s32 @!p0 s1, s0;
	[sflag:s13] =	ssyncset.done $0x0  }
0x1fe: {  	s12 =	sshrl.u32 @!p0 s0, $0x1F;
	s0 =	sshra.s32 @!p0 s0, $0x2;
	[sflag:s13] =	ssyncadd.s32 $0xFFFFE000  }
0x1ff: {  	s0 =	sadd.s32 @!p0 s12, s0;
	s12 =	sld @!p0 [smem:s1+$0x200]  }
0x200: {  	s0 =	smul.u32 @!p0 $0x7, s0;
	_ =	sdelay $0x1  }
0x201: {  	s0 =	ssub.s32 @!p0 s1, s0;
	s12 =	sadd.s32 @!p0 s5, s12  }
0x202: {  	s14 =	simm.s32 @!p0 $0x7A1400;
	s1 =	sshll.u32 @!p0 s0, $0xF;
	s12 =	sshll.u32 @!p0 s12, $0x7  }
0x203: {  	s13 =	simm.s32 @!p0 $0x400;
	s1 =	sshra.s32 @!p0 s1, $0x2;
	s12 =	sand.u32 @!p0 $0x1FFFFF80, s12  }
0x204: {  	s0 =	sadd.s32 @!p0 $0x1, s0;
	s1 =	sadd.s32 @!p0 $0x10180, s1;
	s12 =	sadd.s32 @!p0 s3, s12  }
0x205: {  	[tilespmem:s1], [sflag:s0] =	stream.strided.gather @!p0 [hbm4b:s12+s13], $0x2000, s14, s13, $0x38;
	[tilespmem:$0x1EA00] =	vst v63  }
0x206: {  	s0 =	sadd.s32 $0xFFFFFFFF, s31  }
0x207: {  	p0 =	sgt.s32 s0, $0x0  }
0x208: {  	s0 =	simm.s32 @!p0 $0x0  }
0x209: {  	s25 =	sld [smem:s0+$0x100]  }
0x20a: {  	s28 =	sld [smem:s31+$0x100]  }
0x20b: {  	p0 =	seq.s32 s31, $0x0  }
0x20c: {  	s25 =	simm.s32 @p0 $0x0  }
0x20d: {  	p0 =	sle.s32 s28, s25  }
.Ltmp16:
0x20e: {  	_ = 	snop;
	(pc) =	sbr.rel @p0 .LBB2_20-.Ltmp16, $1  }
0x20f: {  	_ =	sdelay $0x3  }
0x210: {  	s0 =	sshll.u32 s25, $0x2  }
0x211: {  	s0 =	sshra.s32 s0, $0x2  }
0x212: {  	s0 =	sadd.s32 $0xC100, s0  }
0x213: {  	v15 =	vld [tilespmem:s0+$0x0];
	_ =	sdelay $0x4  }
0x214: {  	(v2sf) =	vpush v15, $0x0;
	_ =	sdelay $0xe  }
0x215: {  	s1 =	spop (v2sf)  }
0x216: {  	s11 =	sand.u32 $0x7F, s1  }
0x217: {  	v15 =	vor.u32 s11, v1;
	_ =	sdelay $0x2  }
0x218: {  	s12 =	sshll.u32 s24, $0xD  }
0x219: {  	s24 =	sor.u32 $0x10180, s12  }
0x21a: {  	v15 =	vld.idx.msk [tilespmem:v15+s24+$0x0], $0xffff  }
0x21b: {  	v16 =	vor.u32 s11, v5;
	_ =	sdelay $0x1  }
0x21c: {  	s16 =	sshll.u32 s22, $0x9  }
0x21d: {  	s12 =	sshra.s32 s16, $0x2  }
0x21e: {  	[tilespmem:s12+$0x1E180] =	vst v15  }
0x21f: {  	v15 =	vld.idx.msk [tilespmem:v16+s24+$0x0], $0xffff  }
0x220: {  	v61 =	vor.u32 s11, v6;
	_ =	sdelay $0x3  }
0x221: {  	[tilespmem:s12+$0x1E190] =	vst v15  }
0x222: {  	v15 =	vld.idx.msk [tilespmem:v61+s24+$0x0], $0xffff  }
0x223: {  	v62 =	vor.u32 s11, v7;
	_ =	sdelay $0x3  }
0x224: {  	[tilespmem:s12+$0x1E1A0] =	vst v15  }
0x225: {  	v15 =	vld.idx.msk [tilespmem:v62+s24+$0x0], $0xffff  }
0x226: {  	v63 =	vmov s22;
	s17 =	ssub.s32 s28, s25  }
0x227: {  	s25 =	sadd.s32 $0xFFFFFFFF, s17  }
0x228: {  	p1 =	sne.s32 s22, $0xF;
	p0 =	sne.s32 s25, $0x0  }
.Ltmp17:
0x229: {  	s28 =	sadd.s32 $0x1, s22;
	s26 =	sshrl.u32 s1, $0x7;
	(pc) =	sbr.rel @!p0 .LBB2_19-.Ltmp17, $4  }
0x22a: {  	s22 =	sshra.s32 s28, $0x1F;
	s13 =	simm.s32 @!p1 $0x1E180;
	s29 =	simm.s32 @!p1 $0x8;
	v17 =	vmov s26;
	[tilespmem:s12+$0x1E1B0] =	vst v15  }
0x22b: {  	s31 =	sshrl.u32 s22, $0x1C;
	s1 =	simm.s32 @!p1 $0x10;
	s12 =	simm.s32 @!p1 $0x1E980;
	[tilespmem:v63+s15+$0x0] =	vst.idx.msk $0x1, v17  }
0x22c: {  	[hbm4b:s6+s1] =	stream.indirect.scatter @!p1 [tilespmem:s13], [sflag:$0x8], $0x80, s12, s1, $0xb8;
	[tilespmem:$0x1EA00] =	vst v63  }
0x22d: {  	s30 =	sadd.s32 s31, s28;
	s22 =	sadd.s32 $0x1, s0;
	_ =	swait.ge @!p1 [sflag:s29], $0x800  }
.LBB2_18:
0x22e: {  	s25 =	sadd.s32 $0xFFFFFFFF, s25;
	[sflag:s29] =	ssyncset.done @!p1 $0x0;
	s0 =	sand.u32 $0xFFFFFFF0, s30  }
0x22f: {  	p0 =	sne.s32 s25, $0x0;
	[sflag:s29] =	ssyncadd.s32 @!p1 $0xFFFFF800;
	s28 =	ssub.s32 s28, s0  }
0x230: {  	v15 =	vld [tilespmem:s22+$0x0];
	_ =	sdelay $0x4  }
0x231: {  	(v2sf) =	vpush v15, $0x0;
	_ =	sdelay $0xe  }
0x232: {  	s0 =	spop (v2sf)  }
0x233: {  	s1 =	sand.u32 $0x7F, s0  }
0x234: {  	v15 =	vor.u32 s1, v1;
	_ =	sdelay $0x4  }
0x235: {  	v15 =	vld.idx.msk [tilespmem:v15+s24+$0x0], $0xffff  }
0x236: {  	v16 =	vor.u32 s1, v5;
	_ =	sdelay $0x1  }
0x237: {  	s11 =	sshll.u32 s28, $0x9  }
0x238: {  	s11 =	sshra.s32 s11, $0x2;
	_ =	sdelay $0x1  }
0x239: {  	[tilespmem:s11+$0x1E180] =	vst v15  }
0x23a: {  	v15 =	vld.idx.msk [tilespmem:v16+s24+$0x0], $0xffff  }
0x23b: {  	v16 =	vor.u32 s1, v6;
	_ =	sdelay $0x4  }
0x23c: {  	[tilespmem:s11+$0x1E190] =	vst v15  }
0x23d: {  	v15 =	vld.idx.msk [tilespmem:v16+s24+$0x0], $0xffff  }
0x23e: {  	v16 =	vor.u32 s1, v7;
	_ =	sdelay $0x4  }
0x23f: {  	[tilespmem:s11+$0x1E1A0] =	vst v15  }
0x240: {  	v15 =	vld.idx.msk [tilespmem:v16+s24+$0x0], $0xffff  }
0x241: {  	v16 =	vmov s28;
	_ =	sdelay $0x2  }
0x242: {  	s26 =	sshrl.u32 s0, $0x7  }
.Ltmp18:
0x243: {  	p1 =	sne.s32 s28, $0xF;
	v17 =	vmov s26;
	s28 =	sadd.s32 $0x1, s28;
	(pc) =	sbr.rel @p0 .LBB2_18-.Ltmp18, $4  }
0x244: {  	s29 =	simm.s32 @!p1 $0x8;
	s0 =	simm.s32 @!p1 $0x10;
	s1 =	sshra.s32 s28, $0x1F;
	[tilespmem:s11+$0x1E1B0] =	vst v15  }
0x245: {  	s12 =	simm.s32 @!p1 $0x1E180;
	s1 =	sshrl.u32 s1, $0x1C;
	s11 =	simm.s32 @!p1 $0x1E980;
	[tilespmem:v16+s15+$0x0] =	vst.idx.msk $0x1, v17  }
0x246: {  	[hbm4b:s6+s0] =	stream.indirect.scatter @!p1 [tilespmem:s12], [sflag:$0x8], $0x80, s11, s0, $0xb8;
	[tilespmem:$0x1EA00] =	vst v63  }
0x247: {  	s22 =	sadd.s32 $0x1, s22;
	s30 =	sadd.s32 s1, s28;
	_ =	swait.ge @!p1 [sflag:s29], $0x800  }
.Ltmp19:
0x248: {  	_ = 	snop;
	(pc) =	sbr.rel .LBB2_19-.Ltmp19, $1  }
0x249: {  	_ =	sdelay $0x3  }
.LBB2_21:
0x24a: {  	p0 =	slt.s32 s22, $0x1  }
.Ltmp20:
0x24b: {  	_ = 	snop;
	(pc) =	sbr.rel @p0 .LBB2_25-.Ltmp20, $1  }
0x24c: {  	_ =	sdelay $0x3  }
0x24d: {  	s0 =	sshll.u32 s22, $0x7;
	s1 =	simm.s32 $0x0;
	p0 =	sgt.s32 s22, $0x0  }
0x24e: {  	s0 =	sadd.s32 $0xFFFFFF80, s0;
	v17 =	vmov @!p0 s1  }
0x24f: {  	v15 =	vor.u32 s0, v0;
	_ =	sdelay $0x2  }
0x250: {  	v16 =	vmov s26;
	s1 =	simm.s32 @!p0 $0x1E980;
	p0 =	por p0, p0  }
0x251: {  	[tilespmem:v17+s1+$0x0] =	vst.idx.msk @!p0 $0x1, v16;
	s1 =	simm.s32 @!p0 $0x1E180  }
0x252: {  	v18 =	vld.idx.msk @!p0 [tilespmem:v15+s1+$0x0], $0xffff  }
0x253: {  	v17 =	vor.u32 s0, v8;
	_ =	sdelay $0x2  }
0x254: {  	s21 =	simm.s32 $0x1E1C0  }
0x255: {  	[tilespmem:s21+$0xFFFFFFC0] =	vst @!p0 v18  }
0x256: {  	v19 =	vld.idx.msk @!p0 [tilespmem:v17+s1+$0x0], $0xffff  }
0x257: {  	v18 =	vor.u32 s0, v9;
	_ =	sdelay $0x3  }
0x258: {  	[tilespmem:s21+$0xFFFFFFD0] =	vst @!p0 v19  }
0x259: {  	v20 =	vld.idx.msk @!p0 [tilespmem:v18+s1+$0x0], $0xffff  }
0x25a: {  	v19 =	vor.u32 s0, v10;
	_ =	sdelay $0x3  }
0x25b: {  	[tilespmem:s21+$0xFFFFFFE0] =	vst @!p0 v20  }
0x25c: {  	v21 =	vld.idx.msk @!p0 [tilespmem:v19+s1+$0x0], $0xffff  }
0x25d: {  	v20 =	vor.u32 s0, v11;
	_ =	sdelay $0x3  }
0x25e: {  	[tilespmem:s21+$0xFFFFFFF0] =	vst @!p0 v21  }
0x25f: {  	v22 =	vld.idx.msk @!p0 [tilespmem:v20+s1+$0x0], $0xffff  }
0x260: {  	v21 =	vor.u32 s0, v12;
	_ =	sdelay $0x3  }
0x261: {  	[tilespmem:s21+$0x0] =	vst @!p0 v22  }
0x262: {  	v23 =	vld.idx.msk @!p0 [tilespmem:v21+s1+$0x0], $0xffff  }
0x263: {  	v22 =	vor.u32 s0, v13;
	_ =	sdelay $0x3  }
0x264: {  	[tilespmem:s21+$0x10] =	vst @!p0 v23  }
0x265: {  	v24 =	vld.idx.msk @!p0 [tilespmem:v22+s1+$0x0], $0xffff  }
0x266: {  	v23 =	vor.u32 s0, v14;
	_ =	sdelay $0x3  }
0x267: {  	[tilespmem:s21+$0x20] =	vst @!p0 v24  }
0x268: {  	s23 =	simm.s32 $0x1;
	v24 =	vld.idx.msk @!p0 [tilespmem:v23+s1+$0x0], $0xffff  }
.LBB2_23:
0x269: {  	p2 =	slt.s32 s23, s22;
	s0 =	smov.u32 s23;
	s23 =	sadd.s32 $0x1, s23  }
0x26a: {  	v25 =	vmov @!p2 s0;
	p1 =	sne.s32 s23, $0x10;
	_ =	sdelay $0x3  }
0x26b: {  	s0 =	simm.s32 @!p2 $0x1E980;
	[tilespmem:s21+$0x30] =	vst @!p0 v24;
	p0 =	por p2, p2  }
0x26c: {  	[tilespmem:v25+s0+$0x0] =	vst.idx.msk @!p0 $0x1, v16;
	s24 =	simm.s32 @!p0 $0x1E180  }
0x26d: {  	v24 =	vld.idx.msk @!p0 [tilespmem:v15+s24+$0x0], $0xffff;
	_ =	sdelay $0x4  }
0x26e: {  	s21 =	sadd.s32 $0x80, s21  }
0x26f: {  	[tilespmem:s21+$0xFFFFFFC0] =	vst @!p0 v24  }
0x270: {  	v24 =	vld.idx.msk @!p0 [tilespmem:v17+s24+$0x0], $0xffff;
	_ =	sdelay $0x5  }
0x271: {  	[tilespmem:s21+$0xFFFFFFD0] =	vst @!p0 v24  }
0x272: {  	v24 =	vld.idx.msk @!p0 [tilespmem:v18+s24+$0x0], $0xffff;
	_ =	sdelay $0x5  }
0x273: {  	[tilespmem:s21+$0xFFFFFFE0] =	vst @!p0 v24  }
0x274: {  	v24 =	vld.idx.msk @!p0 [tilespmem:v19+s24+$0x0], $0xffff;
	_ =	sdelay $0x5  }
0x275: {  	[tilespmem:s21+$0xFFFFFFF0] =	vst @!p0 v24  }
0x276: {  	v24 =	vld.idx.msk @!p0 [tilespmem:v20+s24+$0x0], $0xffff;
	_ =	sdelay $0x5  }
0x277: {  	[tilespmem:s21+$0x0] =	vst @!p0 v24  }
0x278: {  	v24 =	vld.idx.msk @!p0 [tilespmem:v21+s24+$0x0], $0xffff;
	_ =	sdelay $0x5  }
0x279: {  	[tilespmem:s21+$0x10] =	vst @!p0 v24  }
0x27a: {  	v24 =	vld.idx.msk @!p0 [tilespmem:v22+s24+$0x0], $0xffff;
	_ =	sdelay $0x2  }
.Ltmp21:
0x27b: {  	(pc) =	sbr.rel @p1 .LBB2_23-.Ltmp21, $3  }
0x27c: {  	_ =	sdelay $0x1  }
0x27d: {  	[tilespmem:s21+$0x20] =	vst @!p0 v24  }
0x27e: {  	v24 =	vld.idx.msk @!p0 [tilespmem:v23+s24+$0x0], $0xffff  }
0x27f: {  	_ =	sdelay $0x3  }
.Ltmp22:
0x280: {  	s0 =	simm.s32 $0x10;
	s1 =	simm.s32 $0x1E180;
	[tilespmem:s21+$0x30] =	vst @!p0 v24;
	(pc) =	sbr.rel .LBB2_25-.Ltmp22, $4  }
0x281: {  	[hbm4b:s6+s0] =	stream.indirect.scatter [tilespmem:s1], [sflag:$0x8], $0x80, s15, s0, $0xb8;
	[tilespmem:$0x1EA00] =	vst v63  }
0x282: {  	_ =	swait.ge [sflag:s18], $0x800  }
0x283: {  	[sflag:s18] =	ssyncset.done $0x0  }
0x284: {  	[sflag:s18] =	ssyncadd.s32 $0xFFFFF800  }
.LBB2_28:
.Ltmp23:
0x285: {  	(pc) =	sbr.rel .LBB2_31-.Ltmp23, $2  }
0x286: {  	_ =	sdelay $0x2  }
0x287: {  	_ = 	snop  }
.LBB2_26:
0x288: {  	_ =	sfence.sel $0x180000  }
0x289: {  	[bflag:$0x0] =	sbarrier.arrive $0xFFFF  }
0x28a: {  	_ =	strace $0x90000047  }
0x28b: {  	s0 =	stileid.u32;
	[bflag:$0x2] =	sbarrier.arrive $0xFFFF  }
0x28c: {  	p0 =	sne.s32 s0, $0x0;
	s0 =	rddreg [dreg:$0x3]  }
0x28d: {  	s0 =	sadd.s32 @!p0 $0x100000, s0  }
0x28e: {  	[sflag:s0] =	ssyncadd.tile.s32 @!p0 $0x1;
	_ =	shalt  }
.Lfunc_end2:
_tile_overlayer_lowered:
.L_overlay_start_2:
0x28f: {  	(tag) =	ssettag $0x2  }
0x290: {  	s0 =	rddreg [dreg:$0x0];
	s2 =	stileid.u32  }
0x291: {  	s1 =	rddreg [dreg:$0x1];
	p0 =	sne.s32 s2, $0x0  }
0x292: {  	s3 =	rddreg [dreg:$0x2];
	[bflag:$0x3] =	sbarrier.arrive $0xFFFF;
	s2 =	simm.s32 @!p0 $0x1C09  }
0x293: {  	[timem:s3], [sflag:s2] =	dma.local @!p0 [hbm:s0], s1  }
0x294: {  	s0 =	simm.s32 @!p0 $0x9  }
0x295: {  	_ =	swait.ge @!p0 [sflag:s0], s1  }
0x296: {  	s1 =	ssub.s32 @!p0 $0x0, s1;
	[sflag:s0] =	ssyncset.done @!p0 $0x0  }
0x297: {  	[sflag:s0] =	ssyncadd.s32 @!p0 s1  }
0x298: {  	[bflag:$0x3] =	sbarrier.arrive $0xFFFF  }
0x299: {  	_ =	shalt  }

</sc_bundles>
